<compile_context>
chip_gen: v7x
topology: tpu7x:2x2x1
jax: 0.10.2.dev20260603
libtpu: 0.0.44.dev20260713+nightly
codegen_flags: <defaults>
</compile_context>

<pallas_src>
import functools

import jax
import jax.numpy as jnp
from jax import lax
from jax.experimental import pallas as pl
from jax.experimental.pallas import tpu as pltpu
from jax.experimental.pallas import tpu_sc as plsc

D = 32
NT = 200
NB = 16384
TT = NT // 8
TB = NB // 128
NUM_CORES = 2
NUM_SUBCORES = 16
NUM_WORKERS = NUM_CORES * NUM_SUBCORES
QB = TB // NUM_WORKERS
NS = 8


@jax.jit
def _lookup(tok_p, weight):
    mesh = plsc.VectorSubcoreMesh(core_axis_name="c", subcore_axis_name="s")

    @functools.partial(
        pl.kernel,
        mesh=mesh,
        out_type=jax.ShapeDtypeStruct((NT, D // 8, TB, 8, 128), jnp.float32),
        scratch_types=[
            pltpu.VMEM((TT, 8, 128), jnp.int32),
            pltpu.VMEM((NS * 128, D), jnp.float32),
            pltpu.VMEM((2 * D, 128), jnp.float32),
            pltpu.SemaphoreType.DMA((NS,)),
            pltpu.SemaphoreType.DMA((2,)),
        ],
        compiler_params=pltpu.CompilerParams(
            use_tc_tiling_on_sc=False, needs_layout_passes=False
        ),
    )
    def k(tok_hbm, w_hbm, out_hbm, tokb, rows, outt, gsem, wsem):
        wid = lax.axis_index("s") * NUM_CORES + lax.axis_index("c")
        iota = lax.iota(jnp.int32, 16)

        def fire(t, s):
            tt = t // 8
            r = t % 8
            pltpu.async_copy(
                w_hbm.at[tokb.at[tt, r]], rows.at[pl.ds(s * 128, 128)],
                gsem.at[s],
            )

        def wait_g(s):
            pltpu.make_async_copy(
                w_hbm.at[pl.ds(0, 128)], rows.at[pl.ds(0, 128)], gsem.at[s]
            ).wait()

        def transpose(s, w):
            rb = s * 128
            wb = w * D
            rowvs = [iota + c0 for c0 in range(0, 128, 16)]
            growvs = [rv + rb for rv in rowvs]
            for d0 in range(0, D, 16):
                for j in range(16):
                    rot = (iota + j) & 15
                    gcol = rot + d0
                    scol = rot + (wb + d0)
                    for ci in range(8):
                        v = plsc.load_gather(rows, [growvs[ci], gcol])
                        plsc.store_scatter(outt, [scol, rowvs[ci]], v)

        def fire_w(t, tb, w):
            for tr in range(D // 8):
                pltpu.async_copy(
                    outt.at[pl.ds(w * D + tr * 8, 8)], out_hbm.at[t, tr, tb],
                    wsem.at[w],
                )

        def wait_w(w):
            for tr in range(D // 8):
                pltpu.make_async_copy(
                    outt.at[pl.ds(tr * 8, 8)], out_hbm.at[0, tr, 0],
                    wsem.at[w],
                ).wait()

        @pl.loop(0, QB)
        def _(q):
            tb = wid * QB + q
            pltpu.sync_copy(tok_hbm.at[:, tb], tokb)
            for s0 in range(NS):
                fire(s0, s0)

            @pl.loop(0, NT)
            def _(t):
                s = t % NS
                w = t % 2

                @pl.when(t >= 2)
                def _():
                    wait_w(w)

                wait_g(s)
                transpose(s, w)

                @pl.when(t < NT - NS)
                def _():
                    fire(t + NS, s)

                fire_w(t, tb, w)

            for w0 in range(2):
                wait_w(w0)

    return k(tok_p, weight)


def kernel(token_ids, weight):
    assert token_ids.shape == (NB, NT) and weight.shape[1] == D
    tok = token_ids.astype(jnp.int32)
    tok_p = jnp.transpose(tok).reshape(TT, 8, TB, 128).transpose(0, 2, 1, 3)
    out_p = _lookup(tok_p, weight)
    return (out_p.transpose(0, 1, 3, 2, 4)
            .reshape(NT, D, NB)
            .transpose(2, 0, 1))

# --- scband reference (transcript-rebuilt; emitter-appended) ---
"""Pipeline reference for scband-my-embedding-23115513987087 (READ-ONLY COPY).

The authoritative reference and input builder live on the scoring server;
editing this copy changes nothing except your own understanding.
"""

import jax, jax.numpy as jnp
import numpy as np

NUM_EMBEDDINGS = 1000000
EMBEDDING_DIM = 32

def setup_inputs(seed: int = 0) -> dict:
    key = jax.random.key(seed)
    k_idx, k_w = jax.random.split(key)
    token_ids = jax.random.randint(k_idx, (16384, 200), 0, NUM_EMBEDDINGS, dtype=jnp.int64 if jax.config.jax_enable_x64 else jnp.int32)
    # trunc_normal_(mean=0, std=0.02, a=-0.04, b=-0.04..0.04) approximated by clipped normal
    weight = jnp.clip(jax.random.normal(k_w, (NUM_EMBEDDINGS, EMBEDDING_DIM), dtype=jnp.float32) * 0.02, -0.04, 0.04)
    return {"token_ids": token_ids, "weight": weight}

def reference(token_ids, weight):
    # MyEmbedding.forward: return self.weight[token_ids]
    return jnp.take(weight, token_ids, axis=0)

if __name__ == "__main__":
    import jax
    _d = setup_inputs()
    print(jax.jit(kernel)(*tuple(_d.values())))

</pallas_src>

<mosaic_0001>
#map = affine_map<(d0, d1) -> (0, 0, 0, 0)>
#map1 = affine_map<(d0, d1) -> (0, 0)>
#map2 = affine_map<(d0, d1) -> (0, 0, 0, 0, 0)>
module attributes {stable_mosaic.version = 14 : i64} {
  func.func @k(%arg0: i32, %arg1: i32, %arg2: memref<25x128x8x128xi32, #tpu.memory_space<hbm>>, %arg3: memref<1000000x32xf32, #tpu.memory_space<hbm>>, %arg4: memref<200x4x128x8x128xf32, #tpu.memory_space<hbm>>, %arg5: memref<25x8x128xi32, #tpu.memory_space<vmem>>, %arg6: memref<1024x32xf32, #tpu.memory_space<vmem>>, %arg7: memref<64x128xf32, #tpu.memory_space<vmem>>, %arg8: memref<8x!tpu.dma_semaphore, #tpu.memory_space<semaphore_mem>>, %arg9: memref<2x!tpu.dma_semaphore, #tpu.memory_space<semaphore_mem>>) attributes {dimension_semantics = [#tpu.dimension_semantics<core_parallel>, #tpu.dimension_semantics<subcore_parallel>], iteration_bounds = array<i64: 2, 16>, scalar_prefetch = 0 : i64, scratch_operands = 5 : i64, tpu.core_type = #tpu.core_type<sc_vector_subcore>, window_params = [{transform_indices = #map}, {transform_indices = #map1}, {transform_indices = #map2}]} {
    %mul3A = arith.constant 2 : i32
    %mul3A_0 = arith.muli %arg1, %mul3A : i32
    %add3A = arith.addi %mul3A_0, %arg0 : i32
    %iota3A = tpu.iota {dimensions = array<i32: 0>} : vector<16xi32>
    %scan3A = arith.constant 0 : i32
    %scan3A_1 = arith.constant 4 : i32
    %scan3A_2 = arith.addi %scan3A, %scan3A_1 : i32
    %scan3A_3 = arith.constant 1 : i32
    scf.for %scan3A_5 = %scan3A to %scan3A_2 step %scan3A_3  : i32 {
      %mul3A_6 = arith.constant 1 : i32
      %mul3A_7 = arith.muli %scan3A_5, %mul3A_6 : i32
      %add3A_8 = arith.constant 0 : i32
      %add3A_9 = arith.addi %add3A_8, %mul3A_7 : i32
      %mul3A_10 = arith.constant 4 : i32
      %mul3A_11 = arith.muli %add3A, %mul3A_10 : i32
      %add3A_12 = arith.addi %mul3A_11, %add3A_9 : i32
      "tpu.region"() ({
        %run_scoped3A = tpu.sem_alloc : memref<!tpu.dma_semaphore, #tpu.memory_space<semaphore_mem>>
        %dma_start3A_288 = arith.constant 0 : i32
        %dma_start3A_289 = arith.constant 0 : i32
        %dma_start3A_290 = arith.constant 0 : i32
        %dma_start3A_291 = tpu.memref_slice %arg2[%dma_start3A_288, %add3A_12, %dma_start3A_289, %dma_start3A_290] : memref<25x128x8x128xi32, #tpu.memory_space<hbm>> -> memref<25x1x8x128xi32, #tpu.memory_space<hbm>>
        %dma_start3A_292 = tpu.memref_squeeze %dma_start3A_291 : memref<25x1x8x128xi32, #tpu.memory_space<hbm>> -> memref<25x8x128xi32, #tpu.memory_space<hbm>>
        %dma_start3A_293 = arith.constant 0 : i32
        %dma_start3A_294 = arith.constant 0 : i32
        %dma_start3A_295 = arith.constant 0 : i32
        %dma_start3A_296 = tpu.memref_slice %arg2[%dma_start3A_293, %add3A_12, %dma_start3A_294, %dma_start3A_295] : memref<25x128x8x128xi32, #tpu.memory_space<hbm>> -> memref<25x1x8x128xi32, #tpu.memory_space<hbm>>
        %dma_start3A_297 = tpu.memref_squeeze %dma_start3A_296 : memref<25x1x8x128xi32, #tpu.memory_space<hbm>> -> memref<25x8x128xi32, #tpu.memory_space<hbm>>
        tpu.enqueue_dma source(%dma_start3A_297 : memref<25x8x128xi32, #tpu.memory_space<hbm>>) target(%arg5 : memref<25x8x128xi32, #tpu.memory_space<vmem>>) target_semaphore(%run_scoped3A : memref<!tpu.dma_semaphore, #tpu.memory_space<semaphore_mem>>)
        %dma_wait3A_298 = arith.constant 0 : i32
        %dma_wait3A_299 = arith.constant 0 : i32
        %dma_wait3A_300 = arith.constant 0 : i32
        %dma_wait3A_301 = tpu.memref_slice %arg2[%dma_wait3A_298, %add3A_12, %dma_wait3A_299, %dma_wait3A_300] : memref<25x128x8x128xi32, #tpu.memory_space<hbm>> -> memref<25x1x8x128xi32, #tpu.memory_space<hbm>>
        %dma_wait3A_302 = tpu.memref_squeeze %dma_wait3A_301 : memref<25x1x8x128xi32, #tpu.memory_space<hbm>> -> memref<25x8x128xi32, #tpu.memory_space<hbm>>
        %dma_wait3A_303 = arith.constant 0 : i32
        %dma_wait3A_304 = arith.constant 0 : i32
        %dma_wait3A_305 = arith.constant 0 : i32
        %dma_wait3A_306 = tpu.memref_slice %arg2[%dma_wait3A_303, %add3A_12, %dma_wait3A_304, %dma_wait3A_305] : memref<25x128x8x128xi32, #tpu.memory_space<hbm>> -> memref<25x1x8x128xi32, #tpu.memory_space<hbm>>
        %dma_wait3A_307 = tpu.memref_squeeze %dma_wait3A_306 : memref<25x1x8x128xi32, #tpu.memory_space<hbm>> -> memref<25x8x128xi32, #tpu.memory_space<hbm>>
        tpu.wait_dma2 semaphore(%run_scoped3A : memref<!tpu.dma_semaphore, #tpu.memory_space<semaphore_mem>>) src(%dma_wait3A_307 : memref<25x8x128xi32, #tpu.memory_space<hbm>>) dst(%arg5 : memref<25x8x128xi32, #tpu.memory_space<vmem>>)
        tpu.yield
      }) : () -> ()
      %dma_start3A = arith.constant 0 : i32
      %dma_start3A_13 = arith.constant 0 : i32
      %dma_start3A_14 = arith.constant 0 : i32
      %dma_start3A_15 = arith.constant 0 : i32
      %dma_start3A_16 = arith.constant 0 : i32
      %dma_start3A_17 = tpu.memref_slice %arg6[%dma_start3A_15, %dma_start3A_16] : memref<1024x32xf32, #tpu.memory_space<vmem>> -> memref<128x32xf32, #tpu.memory_space<vmem>>
      %dma_start3A_18 = arith.constant 0 : i32
      %dma_start3A_19 = tpu.memref_slice %arg5[%dma_start3A, %dma_start3A_13, %dma_start3A_18] : memref<25x8x128xi32, #tpu.memory_space<vmem>> -> memref<1x1x128xi32, #tpu.memory_space<vmem>>
      %dma_start3A_20 = tpu.memref_squeeze %dma_start3A_19 : memref<1x1x128xi32, #tpu.memory_space<vmem>> -> memref<128xi32, #tpu.memory_space<vmem>>
      %dma_start3A_21 = arith.constant 0 : i32
      %dma_start3A_22 = arith.constant 0 : i32
      %dma_start3A_23 = tpu.memref_slice %arg3[%dma_start3A_21, %dma_start3A_22] : memref<1000000x32xf32, #tpu.memory_space<hbm>> -> memref<1000000x32xf32, #tpu.memory_space<hbm>>
      %dma_start3A_24 = tpu.memref_slice %arg8[%dma_start3A_14] : memref<8x!tpu.dma_semaphore, #tpu.memory_space<semaphore_mem>> -> memref<1x!tpu.dma_semaphore, #tpu.memory_space<semaphore_mem>>
      %dma_start3A_25 = tpu.memref_squeeze %dma_start3A_24 : memref<1x!tpu.dma_semaphore, #tpu.memory_space<semaphore_mem>> -> memref<!tpu.dma_semaphore, #tpu.memory_space<semaphore_mem>>
      tpu.enqueue_indirect_dma source(%dma_start3A_23 : memref<1000000x32xf32, #tpu.memory_space<hbm>>) target(%dma_start3A_17 : memref<128x32xf32, #tpu.memory_space<vmem>>) offsets(%dma_start3A_20 : memref<128xi32, #tpu.memory_space<vmem>>) semaphore(%dma_start3A_25 : memref<!tpu.dma_semaphore, #tpu.memory_space<semaphore_mem>>)
      %dma_start3A_26 = arith.constant 0 : i32
      %dma_start3A_27 = arith.constant 1 : i32
      %dma_start3A_28 = arith.constant 1 : i32
      %dma_start3A_29 = arith.constant 128 : i32
      %dma_start3A_30 = arith.constant 0 : i32
      %dma_start3A_31 = tpu.memref_slice %arg6[%dma_start3A_29, %dma_start3A_30] : memref<1024x32xf32, #tpu.memory_space<vmem>> -> memref<128x32xf32, #tpu.memory_space<vmem>>
      %dma_start3A_32 = arith.constant 0 : i32
      %dma_start3A_33 = tpu.memref_slice %arg5[%dma_start3A_26, %dma_start3A_27, %dma_start3A_32] : memref<25x8x128xi32, #tpu.memory_space<vmem>> -> memref<1x1x128xi32, #tpu.memory_space<vmem>>
      %dma_start3A_34 = tpu.memref_squeeze %dma_start3A_33 : memref<1x1x128xi32, #tpu.memory_space<vmem>> -> memref<128xi32, #tpu.memory_space<vmem>>
      %dma_start3A_35 = arith.constant 0 : i32
      %dma_start3A_36 = arith.constant 0 : i32
      %dma_start3A_37 = tpu.memref_slice %arg3[%dma_start3A_35, %dma_start3A_36] : memref<1000000x32xf32, #tpu.memory_space<hbm>> -> memref<1000000x32xf32, #tpu.memory_space<hbm>>
      %dma_start3A_38 = tpu.memref_slice %arg8[%dma_start3A_28] : memref<8x!tpu.dma_semaphore, #tpu.memory_space<semaphore_mem>> -> memref<1x!tpu.dma_semaphore, #tpu.memory_space<semaphore_mem>>
      %dma_start3A_39 = tpu.memref_squeeze %dma_start3A_38 : memref<1x!tpu.dma_semaphore, #tpu.memory_space<semaphore_mem>> -> memref<!tpu.dma_semaphore, #tpu.memory_space<semaphore_mem>>
      tpu.enqueue_indirect_dma source(%dma_start3A_37 : memref<1000000x32xf32, #tpu.memory_space<hbm>>) target(%dma_start3A_31 : memref<128x32xf32, #tpu.memory_space<vmem>>) offsets(%dma_start3A_34 : memref<128xi32, #tpu.memory_space<vmem>>) semaphore(%dma_start3A_39 : memref<!tpu.dma_semaphore, #tpu.memory_space<semaphore_mem>>)
      %dma_start3A_40 = arith.constant 0 : i32
      %dma_start3A_41 = arith.constant 2 : i32
      %dma_start3A_42 = arith.constant 2 : i32
      %dma_start3A_43 = arith.constant 256 : i32
      %dma_start3A_44 = arith.constant 0 : i32
      %dma_start3A_45 = tpu.memref_slice %arg6[%dma_start3A_43, %dma_start3A_44] : memref<1024x32xf32, #tpu.memory_space<vmem>> -> memref<128x32xf32, #tpu.memory_space<vmem>>
      %dma_start3A_46 = arith.constant 0 : i32
      %dma_start3A_47 = tpu.memref_slice %arg5[%dma_start3A_40, %dma_start3A_41, %dma_start3A_46] : memref<25x8x128xi32, #tpu.memory_space<vmem>> -> memref<1x1x128xi32, #tpu.memory_space<vmem>>
      %dma_start3A_48 = tpu.memref_squeeze %dma_start3A_47 : memref<1x1x128xi32, #tpu.memory_space<vmem>> -> memref<128xi32, #tpu.memory_space<vmem>>
      %dma_start3A_49 = arith.constant 0 : i32
      %dma_start3A_50 = arith.constant 0 : i32
      %dma_start3A_51 = tpu.memref_slice %arg3[%dma_start3A_49, %dma_start3A_50] : memref<1000000x32xf32, #tpu.memory_space<hbm>> -> memref<1000000x32xf32, #tpu.memory_space<hbm>>
      %dma_start3A_52 = tpu.memref_slice %arg8[%dma_start3A_42] : memref<8x!tpu.dma_semaphore, #tpu.memory_space<semaphore_mem>> -> memref<1x!tpu.dma_semaphore, #tpu.memory_space<semaphore_mem>>
      %dma_start3A_53 = tpu.memref_squeeze %dma_start3A_52 : memref<1x!tpu.dma_semaphore, #tpu.memory_space<semaphore_mem>> -> memref<!tpu.dma_semaphore, #tpu.memory_space<semaphore_mem>>
      tpu.enqueue_indirect_dma source(%dma_start3A_51 : memref<1000000x32xf32, #tpu.memory_space<hbm>>) target(%dma_start3A_45 : memref<128x32xf32, #tpu.memory_space<vmem>>) offsets(%dma_start3A_48 : memref<128xi32, #tpu.memory_space<vmem>>) semaphore(%dma_start3A_53 : memref<!tpu.dma_semaphore, #tpu.memory_space<semaphore_mem>>)
      %dma_start3A_54 = arith.constant 0 : i32
      %dma_start3A_55 = arith.constant 3 : i32
      %dma_start3A_56 = arith.constant 3 : i32
      %dma_start3A_57 = arith.constant 384 : i32
      %dma_start3A_58 = arith.constant 0 : i32
      %dma_start3A_59 = tpu.memref_slice %arg6[%dma_start3A_57, %dma_start3A_58] : memref<1024x32xf32, #tpu.memory_space<vmem>> -> memref<128x32xf32, #tpu.memory_space<vmem>>
      %dma_start3A_60 = arith.constant 0 : i32
      %dma_start3A_61 = tpu.memref_slice %arg5[%dma_start3A_54, %dma_start3A_55, %dma_start3A_60] : memref<25x8x128xi32, #tpu.memory_space<vmem>> -> memref<1x1x128xi32, #tpu.memory_space<vmem>>
      %dma_start3A_62 = tpu.memref_squeeze %dma_start3A_61 : memref<1x1x128xi32, #tpu.memory_space<vmem>> -> memref<128xi32, #tpu.memory_space<vmem>>
      %dma_start3A_63 = arith.constant 0 : i32
      %dma_start3A_64 = arith.constant 0 : i32
      %dma_start3A_65 = tpu.memref_slice %arg3[%dma_start3A_63, %dma_start3A_64] : memref<1000000x32xf32, #tpu.memory_space<hbm>> -> memref<1000000x32xf32, #tpu.memory_space<hbm>>
      %dma_start3A_66 = tpu.memref_slice %arg8[%dma_start3A_56] : memref<8x!tpu.dma_semaphore, #tpu.memory_space<semaphore_mem>> -> memref<1x!tpu.dma_semaphore, #tpu.memory_space<semaphore_mem>>
      %dma_start3A_67 = tpu.memref_squeeze %dma_start3A_66 : memref<1x!tpu.dma_semaphore, #tpu.memory_space<semaphore_mem>> -> memref<!tpu.dma_semaphore, #tpu.memory_space<semaphore_mem>>
      tpu.enqueue_indirect_dma source(%dma_start3A_65 : memref<1000000x32xf32, #tpu.memory_space<hbm>>) target(%dma_start3A_59 : memref<128x32xf32, #tpu.memory_space<vmem>>) offsets(%dma_start3A_62 : memref<128xi32, #tpu.memory_space<vmem>>) semaphore(%dma_start3A_67 : memref<!tpu.dma_semaphore, #tpu.memory_space<semaphore_mem>>)
      %dma_start3A_68 = arith.constant 0 : i32
      %dma_start3A_69 = arith.constant 4 : i32
      %dma_start3A_70 = arith.constant 4 : i32
      %dma_start3A_71 = arith.constant 512 : i32
      %dma_start3A_72 = arith.constant 0 : i32
      %dma_start3A_73 = tpu.memref_slice %arg6[%dma_start3A_71, %dma_start3A_72] : memref<1024x32xf32, #tpu.memory_space<vmem>> -> memref<128x32xf32, #tpu.memory_space<vmem>>
      %dma_start3A_74 = arith.constant 0 : i32
      %dma_start3A_75 = tpu.memref_slice %arg5[%dma_start3A_68, %dma_start3A_69, %dma_start3A_74] : memref<25x8x128xi32, #tpu.memory_space<vmem>> -> memref<1x1x128xi32, #tpu.memory_space<vmem>>
      %dma_start3A_76 = tpu.memref_squeeze %dma_start3A_75 : memref<1x1x128xi32, #tpu.memory_space<vmem>> -> memref<128xi32, #tpu.memory_space<vmem>>
      %dma_start3A_77 = arith.constant 0 : i32
      %dma_start3A_78 = arith.constant 0 : i32
      %dma_start3A_79 = tpu.memref_slice %arg3[%dma_start3A_77, %dma_start3A_78] : memref<1000000x32xf32, #tpu.memory_space<hbm>> -> memref<1000000x32xf32, #tpu.memory_space<hbm>>
      %dma_start3A_80 = tpu.memref_slice %arg8[%dma_start3A_70] : memref<8x!tpu.dma_semaphore, #tpu.memory_space<semaphore_mem>> -> memref<1x!tpu.dma_semaphore, #tpu.memory_space<semaphore_mem>>
      %dma_start3A_81 = tpu.memref_squeeze %dma_start3A_80 : memref<1x!tpu.dma_semaphore, #tpu.memory_space<semaphore_mem>> -> memref<!tpu.dma_semaphore, #tpu.memory_space<semaphore_mem>>
      tpu.enqueue_indirect_dma source(%dma_start3A_79 : memref<1000000x32xf32, #tpu.memory_space<hbm>>) target(%dma_start3A_73 : memref<128x32xf32, #tpu.memory_space<vmem>>) offsets(%dma_start3A_76 : memref<128xi32, #tpu.memory_space<vmem>>) semaphore(%dma_start3A_81 : memref<!tpu.dma_semaphore, #tpu.memory_space<semaphore_mem>>)
      %dma_start3A_82 = arith.constant 0 : i32
      %dma_start3A_83 = arith.constant 5 : i32
      %dma_start3A_84 = arith.constant 5 : i32
      %dma_start3A_85 = arith.constant 640 : i32
      %dma_start3A_86 = arith.constant 0 : i32
      %dma_start3A_87 = tpu.memref_slice %arg6[%dma_start3A_85, %dma_start3A_86] : memref<1024x32xf32, #tpu.memory_space<vmem>> -> memref<128x32xf32, #tpu.memory_space<vmem>>
      %dma_start3A_88 = arith.constant 0 : i32
      %dma_start3A_89 = tpu.memref_slice %arg5[%dma_start3A_82, %dma_start3A_83, %dma_start3A_88] : memref<25x8x128xi32, #tpu.memory_space<vmem>> -> memref<1x1x128xi32, #tpu.memory_space<vmem>>
      %dma_start3A_90 = tpu.memref_squeeze %dma_start3A_89 : memref<1x1x128xi32, #tpu.memory_space<vmem>> -> memref<128xi32, #tpu.memory_space<vmem>>
      %dma_start3A_91 = arith.constant 0 : i32
      %dma_start3A_92 = arith.constant 0 : i32
      %dma_start3A_93 = tpu.memref_slice %arg3[%dma_start3A_91, %dma_start3A_92] : memref<1000000x32xf32, #tpu.memory_space<hbm>> -> memref<1000000x32xf32, #tpu.memory_space<hbm>>
      %dma_start3A_94 = tpu.memref_slice %arg8[%dma_start3A_84] : memref<8x!tpu.dma_semaphore, #tpu.memory_space<semaphore_mem>> -> memref<1x!tpu.dma_semaphore, #tpu.memory_space<semaphore_mem>>
      %dma_start3A_95 = tpu.memref_squeeze %dma_start3A_94 : memref<1x!tpu.dma_semaphore, #tpu.memory_space<semaphore_mem>> -> memref<!tpu.dma_semaphore, #tpu.memory_space<semaphore_mem>>
      tpu.enqueue_indirect_dma source(%dma_start3A_93 : memref<1000000x32xf32, #tpu.memory_space<hbm>>) target(%dma_start3A_87 : memref<128x32xf32, #tpu.memory_space<vmem>>) offsets(%dma_start3A_90 : memref<128xi32, #tpu.memory_space<vmem>>) semaphore(%dma_start3A_95 : memref<!tpu.dma_semaphore, #tpu.memory_space<semaphore_mem>>)
      %dma_start3A_96 = arith.constant 0 : i32
      %dma_start3A_97 = arith.constant 6 : i32
      %dma_start3A_98 = arith.constant 6 : i32
      %dma_start3A_99 = arith.constant 768 : i32
      %dma_start3A_100 = arith.constant 0 : i32
      %dma_start3A_101 = tpu.memref_slice %arg6[%dma_start3A_99, %dma_start3A_100] : memref<1024x32xf32, #tpu.memory_space<vmem>> -> memref<128x32xf32, #tpu.memory_space<vmem>>
      %dma_start3A_102 = arith.constant 0 : i32
      %dma_start3A_103 = tpu.memref_slice %arg5[%dma_start3A_96, %dma_start3A_97, %dma_start3A_102] : memref<25x8x128xi32, #tpu.memory_space<vmem>> -> memref<1x1x128xi32, #tpu.memory_space<vmem>>
      %dma_start3A_104 = tpu.memref_squeeze %dma_start3A_103 : memref<1x1x128xi32, #tpu.memory_space<vmem>> -> memref<128xi32, #tpu.memory_space<vmem>>
      %dma_start3A_105 = arith.constant 0 : i32
      %dma_start3A_106 = arith.constant 0 : i32
      %dma_start3A_107 = tpu.memref_slice %arg3[%dma_start3A_105, %dma_start3A_106] : memref<1000000x32xf32, #tpu.memory_space<hbm>> -> memref<1000000x32xf32, #tpu.memory_space<hbm>>
      %dma_start3A_108 = tpu.memref_slice %arg8[%dma_start3A_98] : memref<8x!tpu.dma_semaphore, #tpu.memory_space<semaphore_mem>> -> memref<1x!tpu.dma_semaphore, #tpu.memory_space<semaphore_mem>>
      %dma_start3A_109 = tpu.memref_squeeze %dma_start3A_108 : memref<1x!tpu.dma_semaphore, #tpu.memory_space<semaphore_mem>> -> memref<!tpu.dma_semaphore, #tpu.memory_space<semaphore_mem>>
      tpu.enqueue_indirect_dma source(%dma_start3A_107 : memref<1000000x32xf32, #tpu.memory_space<hbm>>) target(%dma_start3A_101 : memref<128x32xf32, #tpu.memory_space<vmem>>) offsets(%dma_start3A_104 : memref<128xi32, #tpu.memory_space<vmem>>) semaphore(%dma_start3A_109 : memref<!tpu.dma_semaphore, #tpu.memory_space<semaphore_mem>>)
      %dma_start3A_110 = arith.constant 0 : i32
      %dma_start3A_111 = arith.constant 7 : i32
      %dma_start3A_112 = arith.constant 7 : i32
      %dma_start3A_113 = arith.constant 896 : i32
      %dma_start3A_114 = arith.constant 0 : i32
      %dma_start3A_115 = tpu.memref_slice %arg6[%dma_start3A_113, %dma_start3A_114] : memref<1024x32xf32, #tpu.memory_space<vmem>> -> memref<128x32xf32, #tpu.memory_space<vmem>>
      %dma_start3A_116 = arith.constant 0 : i32
      %dma_start3A_117 = tpu.memref_slice %arg5[%dma_start3A_110, %dma_start3A_111, %dma_start3A_116] : memref<25x8x128xi32, #tpu.memory_space<vmem>> -> memref<1x1x128xi32, #tpu.memory_space<vmem>>
      %dma_start3A_118 = tpu.memref_squeeze %dma_start3A_117 : memref<1x1x128xi32, #tpu.memory_space<vmem>> -> memref<128xi32, #tpu.memory_space<vmem>>
      %dma_start3A_119 = arith.constant 0 : i32
      %dma_start3A_120 = arith.constant 0 : i32
      %dma_start3A_121 = tpu.memref_slice %arg3[%dma_start3A_119, %dma_start3A_120] : memref<1000000x32xf32, #tpu.memory_space<hbm>> -> memref<1000000x32xf32, #tpu.memory_space<hbm>>
      %dma_start3A_122 = tpu.memref_slice %arg8[%dma_start3A_112] : memref<8x!tpu.dma_semaphore, #tpu.memory_space<semaphore_mem>> -> memref<1x!tpu.dma_semaphore, #tpu.memory_space<semaphore_mem>>
      %dma_start3A_123 = tpu.memref_squeeze %dma_start3A_122 : memref<1x!tpu.dma_semaphore, #tpu.memory_space<semaphore_mem>> -> memref<!tpu.dma_semaphore, #tpu.memory_space<semaphore_mem>>
      tpu.enqueue_indirect_dma source(%dma_start3A_121 : memref<1000000x32xf32, #tpu.memory_space<hbm>>) target(%dma_start3A_115 : memref<128x32xf32, #tpu.memory_space<vmem>>) offsets(%dma_start3A_118 : memref<128xi32, #tpu.memory_space<vmem>>) semaphore(%dma_start3A_123 : memref<!tpu.dma_semaphore, #tpu.memory_space<semaphore_mem>>)
      %scan3A_124 = arith.constant 0 : i32
      %scan3A_125 = arith.constant 200 : i32
      %scan3A_126 = arith.addi %scan3A_124, %scan3A_125 : i32
      %scan3A_127 = arith.constant 1 : i32
      scf.for %scan3A_288 = %scan3A_124 to %scan3A_126 step %scan3A_127  : i32 {
        %mul3A_289 = arith.constant 1 : i32
        %mul3A_290 = arith.muli %scan3A_288, %mul3A_289 : i32
        %add3A_291 = arith.constant 0 : i32
        %add3A_292 = arith.addi %add3A_291, %mul3A_290 : i32
        %jit3A = arith.constant 8 : i32
        %eq3A = arith.constant 0 : i32
        %eq3A_293 = arith.cmpi eq, %jit3A, %eq3A : i32
        %jit3A_294 = arith.constant 1 : i32
        %select_n3A = arith.select %eq3A_293, %jit3A_294, %jit3A : i32
        %rem3A = arith.remsi %add3A_292, %select_n3A : i32
        %ne3A = arith.constant 0 : i32
        %ne3A_295 = arith.cmpi ne, %rem3A, %ne3A : i32
        %lt3A = arith.constant 0 : i32
        %lt3A_296 = arith.cmpi slt, %rem3A, %lt3A : i32
        %lt3A_297 = arith.constant 0 : i32
        %lt3A_298 = arith.cmpi slt, %select_n3A, %lt3A_297 : i32
        %ne3A_299 = arith.xori %lt3A_296, %lt3A_298 : i1
        %and3A = arith.andi %ne3A_299, %ne3A_295 : i1
        %add3A_300 = arith.addi %rem3A, %select_n3A : i32
        %select_n3A_301 = arith.select %and3A, %add3A_300, %rem3A : i32
        %jit3A_302 = arith.constant 2 : i32
        %eq3A_303 = arith.constant 0 : i32
        %eq3A_304 = arith.cmpi eq, %jit3A_302, %eq3A_303 : i32
        %jit3A_305 = arith.constant 1 : i32
        %select_n3A_306 = arith.select %eq3A_304, %jit3A_305, %jit3A_302 : i32
        %rem3A_307 = arith.remsi %add3A_292, %select_n3A_306 : i32
        %ne3A_308 = arith.constant 0 : i32
        %ne3A_309 = arith.cmpi ne, %rem3A_307, %ne3A_308 : i32
        %lt3A_310 = arith.constant 0 : i32
        %lt3A_311 = arith.cmpi slt, %rem3A_307, %lt3A_310 : i32
        %lt3A_312 = arith.constant 0 : i32
        %lt3A_313 = arith.cmpi slt, %select_n3A_306, %lt3A_312 : i32
        %ne3A_314 = arith.xori %lt3A_311, %lt3A_313 : i1
        %and3A_315 = arith.andi %ne3A_314, %ne3A_309 : i1
        %add3A_316 = arith.addi %rem3A_307, %select_n3A_306 : i32
        %select_n3A_317 = arith.select %and3A_315, %add3A_316, %rem3A_307 : i32
        %ge3A = arith.constant 2 : i32
        %ge3A_318 = arith.cmpi sge, %add3A_292, %ge3A : i32
        %convert_element_type3A = arith.extui %ge3A_318 : i1 to i32
        %cond3A = arith.constant 0 : i32
        %cond3A_319 = arith.cmpi ne, %convert_element_type3A, %cond3A : i32
        scf.if %cond3A_319 {
          %dma_wait3A_1130 = arith.constant 0 : i32
          %dma_wait3A_1131 = arith.constant 0 : i32
          %dma_wait3A_1132 = arith.constant 0 : i32
          %dma_wait3A_1133 = arith.constant 0 : i32
          %dma_wait3A_1134 = arith.constant 0 : i32
          %dma_wait3A_1135 = tpu.memref_slice %arg7[%dma_wait3A_1133, %dma_wait3A_1134] : memref<64x128xf32, #tpu.memory_space<vmem>> -> memref<8x128xf32, #tpu.memory_space<vmem>>
          %dma_wait3A_1136 = arith.constant 0 : i32
          %dma_wait3A_1137 = arith.constant 0 : i32
          %dma_wait3A_1138 = tpu.memref_slice %arg4[%dma_wait3A_1130, %dma_wait3A_1131, %dma_wait3A_1132, %dma_wait3A_1136, %dma_wait3A_1137] : memref<200x4x128x8x128xf32, #tpu.memory_space<hbm>> -> memref<1x1x1x8x128xf32, #tpu.memory_space<hbm>>
          %dma_wait3A_1139 = tpu.memref_squeeze %dma_wait3A_1138 : memref<1x1x1x8x128xf32, #tpu.memory_space<hbm>> -> memref<8x128xf32, #tpu.memory_space<hbm>>
          %dma_wait3A_1140 = tpu.memref_slice %arg9[%select_n3A_317] : memref<2x!tpu.dma_semaphore, #tpu.memory_space<semaphore_mem>> -> memref<1x!tpu.dma_semaphore, #tpu.memory_space<semaphore_mem>>
          %dma_wait3A_1141 = tpu.memref_squeeze %dma_wait3A_1140 : memref<1x!tpu.dma_semaphore, #tpu.memory_space<semaphore_mem>> -> memref<!tpu.dma_semaphore, #tpu.memory_space<semaphore_mem>>
          %dma_wait3A_1142 = arith.constant 0 : i32
          %dma_wait3A_1143 = arith.constant 0 : i32
          %dma_wait3A_1144 = tpu.memref_slice %arg4[%dma_wait3A_1130, %dma_wait3A_1131, %dma_wait3A_1132, %dma_wait3A_1142, %dma_wait3A_1143] : memref<200x4x128x8x128xf32, #tpu.memory_space<hbm>> -> memref<1x1x1x8x128xf32, #tpu.memory_space<hbm>>
          %dma_wait3A_1145 = tpu.memref_squeeze %dma_wait3A_1144 : memref<1x1x1x8x128xf32, #tpu.memory_space<hbm>> -> memref<8x128xf32, #tpu.memory_space<hbm>>
          %dma_wait3A_1146 = arith.constant 0 : i32
          %dma_wait3A_1147 = arith.constant 0 : i32
          %dma_wait3A_1148 = tpu.memref_slice %arg7[%dma_wait3A_1146, %dma_wait3A_1147] : memref<64x128xf32, #tpu.memory_space<vmem>> -> memref<8x128xf32, #tpu.memory_space<vmem>>
          tpu.wait_dma2 semaphore(%dma_wait3A_1141 : memref<!tpu.dma_semaphore, #tpu.memory_space<semaphore_mem>>) src(%dma_wait3A_1148 : memref<8x128xf32, #tpu.memory_space<vmem>>) dst(%dma_wait3A_1145 : memref<8x128xf32, #tpu.memory_space<hbm>>)
          %dma_wait3A_1149 = arith.constant 0 : i32
          %dma_wait3A_1150 = arith.constant 1 : i32
          %dma_wait3A_1151 = arith.constant 0 : i32
          %dma_wait3A_1152 = arith.constant 8 : i32
          %dma_wait3A_1153 = arith.constant 0 : i32
          %dma_wait3A_1154 = tpu.memref_slice %arg7[%dma_wait3A_1152, %dma_wait3A_1153] : memref<64x128xf32, #tpu.memory_space<vmem>> -> memref<8x128xf32, #tpu.memory_space<vmem>>
          %dma_wait3A_1155 = arith.constant 0 : i32
          %dma_wait3A_1156 = arith.constant 0 : i32
          %dma_wait3A_1157 = tpu.memref_slice %arg4[%dma_wait3A_1149, %dma_wait3A_1150, %dma_wait3A_1151, %dma_wait3A_1155, %dma_wait3A_1156] : memref<200x4x128x8x128xf32, #tpu.memory_space<hbm>> -> memref<1x1x1x8x128xf32, #tpu.memory_space<hbm>>
          %dma_wait3A_1158 = tpu.memref_squeeze %dma_wait3A_1157 : memref<1x1x1x8x128xf32, #tpu.memory_space<hbm>> -> memref<8x128xf32, #tpu.memory_space<hbm>>
          %dma_wait3A_1159 = tpu.memref_slice %arg9[%select_n3A_317] : memref<2x!tpu.dma_semaphore, #tpu.memory_space<semaphore_mem>> -> memref<1x!tpu.dma_semaphore, #tpu.memory_space<semaphore_mem>>
          %dma_wait3A_1160 = tpu.memref_squeeze %dma_wait3A_1159 : memref<1x!tpu.dma_semaphore, #tpu.memory_space<semaphore_mem>> -> memref<!tpu.dma_semaphore, #tpu.memory_space<semaphore_mem>>
          %dma_wait3A_1161 = arith.constant 0 : i32
          %dma_wait3A_1162 = arith.constant 0 : i32
          %dma_wait3A_1163 = tpu.memref_slice %arg4[%dma_wait3A_1149, %dma_wait3A_1150, %dma_wait3A_1151, %dma_wait3A_1161, %dma_wait3A_1162] : memref<200x4x128x8x128xf32, #tpu.memory_space<hbm>> -> memref<1x1x1x8x128xf32, #tpu.memory_space<hbm>>
          %dma_wait3A_1164 = tpu.memref_squeeze %dma_wait3A_1163 : memref<1x1x1x8x128xf32, #tpu.memory_space<hbm>> -> memref<8x128xf32, #tpu.memory_space<hbm>>
          %dma_wait3A_1165 = arith.constant 8 : i32
          %dma_wait3A_1166 = arith.constant 0 : i32
          %dma_wait3A_1167 = tpu.memref_slice %arg7[%dma_wait3A_1165, %dma_wait3A_1166] : memref<64x128xf32, #tpu.memory_space<vmem>> -> memref<8x128xf32, #tpu.memory_space<vmem>>
          tpu.wait_dma2 semaphore(%dma_wait3A_1160 : memref<!tpu.dma_semaphore, #tpu.memory_space<semaphore_mem>>) src(%dma_wait3A_1167 : memref<8x128xf32, #tpu.memory_space<vmem>>) dst(%dma_wait3A_1164 : memref<8x128xf32, #tpu.memory_space<hbm>>)
          %dma_wait3A_1168 = arith.constant 0 : i32
          %dma_wait3A_1169 = arith.constant 2 : i32
          %dma_wait3A_1170 = arith.constant 0 : i32
          %dma_wait3A_1171 = arith.constant 16 : i32
          %dma_wait3A_1172 = arith.constant 0 : i32
          %dma_wait3A_1173 = tpu.memref_slice %arg7[%dma_wait3A_1171, %dma_wait3A_1172] : memref<64x128xf32, #tpu.memory_space<vmem>> -> memref<8x128xf32, #tpu.memory_space<vmem>>
          %dma_wait3A_1174 = arith.constant 0 : i32
          %dma_wait3A_1175 = arith.constant 0 : i32
          %dma_wait3A_1176 = tpu.memref_slice %arg4[%dma_wait3A_1168, %dma_wait3A_1169, %dma_wait3A_1170, %dma_wait3A_1174, %dma_wait3A_1175] : memref<200x4x128x8x128xf32, #tpu.memory_space<hbm>> -> memref<1x1x1x8x128xf32, #tpu.memory_space<hbm>>
          %dma_wait3A_1177 = tpu.memref_squeeze %dma_wait3A_1176 : memref<1x1x1x8x128xf32, #tpu.memory_space<hbm>> -> memref<8x128xf32, #tpu.memory_space<hbm>>
          %dma_wait3A_1178 = tpu.memref_slice %arg9[%select_n3A_317] : memref<2x!tpu.dma_semaphore, #tpu.memory_space<semaphore_mem>> -> memref<1x!tpu.dma_semaphore, #tpu.memory_space<semaphore_mem>>
          %dma_wait3A_1179 = tpu.memref_squeeze %dma_wait3A_1178 : memref<1x!tpu.dma_semaphore, #tpu.memory_space<semaphore_mem>> -> memref<!tpu.dma_semaphore, #tpu.memory_space<semaphore_mem>>
          %dma_wait3A_1180 = arith.constant 0 : i32
          %dma_wait3A_1181 = arith.constant 0 : i32
          %dma_wait3A_1182 = tpu.memref_slice %arg4[%dma_wait3A_1168, %dma_wait3A_1169, %dma_wait3A_1170, %dma_wait3A_1180, %dma_wait3A_1181] : memref<200x4x128x8x128xf32, #tpu.memory_space<hbm>> -> memref<1x1x1x8x128xf32, #tpu.memory_space<hbm>>
          %dma_wait3A_1183 = tpu.memref_squeeze %dma_wait3A_1182 : memref<1x1x1x8x128xf32, #tpu.memory_space<hbm>> -> memref<8x128xf32, #tpu.memory_space<hbm>>
          %dma_wait3A_1184 = arith.constant 16 : i32
          %dma_wait3A_1185 = arith.constant 0 : i32
          %dma_wait3A_1186 = tpu.memref_slice %arg7[%dma_wait3A_1184, %dma_wait3A_1185] : memref<64x128xf32, #tpu.memory_space<vmem>> -> memref<8x128xf32, #tpu.memory_space<vmem>>
          tpu.wait_dma2 semaphore(%dma_wait3A_1179 : memref<!tpu.dma_semaphore, #tpu.memory_space<semaphore_mem>>) src(%dma_wait3A_1186 : memref<8x128xf32, #tpu.memory_space<vmem>>) dst(%dma_wait3A_1183 : memref<8x128xf32, #tpu.memory_space<hbm>>)
          %dma_wait3A_1187 = arith.constant 0 : i32
          %dma_wait3A_1188 = arith.constant 3 : i32
          %dma_wait3A_1189 = arith.constant 0 : i32
          %dma_wait3A_1190 = arith.constant 24 : i32
          %dma_wait3A_1191 = arith.constant 0 : i32
          %dma_wait3A_1192 = tpu.memref_slice %arg7[%dma_wait3A_1190, %dma_wait3A_1191] : memref<64x128xf32, #tpu.memory_space<vmem>> -> memref<8x128xf32, #tpu.memory_space<vmem>>
          %dma_wait3A_1193 = arith.constant 0 : i32
          %dma_wait3A_1194 = arith.constant 0 : i32
          %dma_wait3A_1195 = tpu.memref_slice %arg4[%dma_wait3A_1187, %dma_wait3A_1188, %dma_wait3A_1189, %dma_wait3A_1193, %dma_wait3A_1194] : memref<200x4x128x8x128xf32, #tpu.memory_space<hbm>> -> memref<1x1x1x8x128xf32, #tpu.memory_space<hbm>>
          %dma_wait3A_1196 = tpu.memref_squeeze %dma_wait3A_1195 : memref<1x1x1x8x128xf32, #tpu.memory_space<hbm>> -> memref<8x128xf32, #tpu.memory_space<hbm>>
          %dma_wait3A_1197 = tpu.memref_slice %arg9[%select_n3A_317] : memref<2x!tpu.dma_semaphore, #tpu.memory_space<semaphore_mem>> -> memref<1x!tpu.dma_semaphore, #tpu.memory_space<semaphore_mem>>
          %dma_wait3A_1198 = tpu.memref_squeeze %dma_wait3A_1197 : memref<1x!tpu.dma_semaphore, #tpu.memory_space<semaphore_mem>> -> memref<!tpu.dma_semaphore, #tpu.memory_space<semaphore_mem>>
          %dma_wait3A_1199 = arith.constant 0 : i32
          %dma_wait3A_1200 = arith.constant 0 : i32
          %dma_wait3A_1201 = tpu.memref_slice %arg4[%dma_wait3A_1187, %dma_wait3A_1188, %dma_wait3A_1189, %dma_wait3A_1199, %dma_wait3A_1200] : memref<200x4x128x8x128xf32, #tpu.memory_space<hbm>> -> memref<1x1x1x8x128xf32, #tpu.memory_space<hbm>>
          %dma_wait3A_1202 = tpu.memref_squeeze %dma_wait3A_1201 : memref<1x1x1x8x128xf32, #tpu.memory_space<hbm>> -> memref<8x128xf32, #tpu.memory_space<hbm>>
          %dma_wait3A_1203 = arith.constant 24 : i32
          %dma_wait3A_1204 = arith.constant 0 : i32
          %dma_wait3A_1205 = tpu.memref_slice %arg7[%dma_wait3A_1203, %dma_wait3A_1204] : memref<64x128xf32, #tpu.memory_space<vmem>> -> memref<8x128xf32, #tpu.memory_space<vmem>>
          tpu.wait_dma2 semaphore(%dma_wait3A_1198 : memref<!tpu.dma_semaphore, #tpu.memory_space<semaphore_mem>>) src(%dma_wait3A_1205 : memref<8x128xf32, #tpu.memory_space<vmem>>) dst(%dma_wait3A_1202 : memref<8x128xf32, #tpu.memory_space<hbm>>)
        } else {
        }
        %dma_wait3A_320 = arith.constant 0 : i32
        %dma_wait3A_321 = arith.constant 0 : i32
        %dma_wait3A_322 = tpu.memref_slice %arg6[%dma_wait3A_320, %dma_wait3A_321] : memref<1024x32xf32, #tpu.memory_space<vmem>> -> memref<128x32xf32, #tpu.memory_space<vmem>>
        %dma_wait3A_323 = arith.constant 0 : i32
        %dma_wait3A_324 = arith.constant 0 : i32
        %dma_wait3A_325 = tpu.memref_slice %arg3[%dma_wait3A_323, %dma_wait3A_324] : memref<1000000x32xf32, #tpu.memory_space<hbm>> -> memref<128x32xf32, #tpu.memory_space<hbm>>
        %dma_wait3A_326 = tpu.memref_slice %arg8[%select_n3A_301] : memref<8x!tpu.dma_semaphore, #tpu.memory_space<semaphore_mem>> -> memref<1x!tpu.dma_semaphore, #tpu.memory_space<semaphore_mem>>
        %dma_wait3A_327 = tpu.memref_squeeze %dma_wait3A_326 : memref<1x!tpu.dma_semaphore, #tpu.memory_space<semaphore_mem>> -> memref<!tpu.dma_semaphore, #tpu.memory_space<semaphore_mem>>
        %dma_wait3A_328 = arith.constant 0 : i32
        %dma_wait3A_329 = arith.constant 0 : i32
        %dma_wait3A_330 = tpu.memref_slice %arg6[%dma_wait3A_328, %dma_wait3A_329] : memref<1024x32xf32, #tpu.memory_space<vmem>> -> memref<128x32xf32, #tpu.memory_space<vmem>>
        %dma_wait3A_331 = arith.constant 0 : i32
        %dma_wait3A_332 = arith.constant 0 : i32
        %dma_wait3A_333 = tpu.memref_slice %arg3[%dma_wait3A_331, %dma_wait3A_332] : memref<1000000x32xf32, #tpu.memory_space<hbm>> -> memref<128x32xf32, #tpu.memory_space<hbm>>
        tpu.wait_dma2 semaphore(%dma_wait3A_327 : memref<!tpu.dma_semaphore, #tpu.memory_space<semaphore_mem>>) src(%dma_wait3A_333 : memref<128x32xf32, #tpu.memory_space<hbm>>) dst(%dma_wait3A_330 : memref<128x32xf32, #tpu.memory_space<vmem>>)
        %mul3A_334 = arith.constant 128 : i32
        %mul3A_335 = arith.muli %select_n3A_301, %mul3A_334 : i32
        %mul3A_336 = arith.constant 32 : i32
        %mul3A_337 = arith.muli %select_n3A_317, %mul3A_336 : i32
        %add3A_338 = arith.constant 0 : i32
        %add3A_339 = vector.broadcast %add3A_338 : i32 to vector<16xi32>
        %add3A_340 = arith.addi %iota3A, %add3A_339 : vector<16xi32>
        %add3A_341 = arith.constant 16 : i32
        %add3A_342 = vector.broadcast %add3A_341 : i32 to vector<16xi32>
        %add3A_343 = arith.addi %iota3A, %add3A_342 : vector<16xi32>
        %add3A_344 = arith.constant 32 : i32
        %add3A_345 = vector.broadcast %add3A_344 : i32 to vector<16xi32>
        %add3A_346 = arith.addi %iota3A, %add3A_345 : vector<16xi32>
        %add3A_347 = arith.constant 48 : i32
        %add3A_348 = vector.broadcast %add3A_347 : i32 to vector<16xi32>
        %add3A_349 = arith.addi %iota3A, %add3A_348 : vector<16xi32>
        %add3A_350 = arith.constant 64 : i32
        %add3A_351 = vector.broadcast %add3A_350 : i32 to vector<16xi32>
        %add3A_352 = arith.addi %iota3A, %add3A_351 : vector<16xi32>
        %add3A_353 = arith.constant 80 : i32
        %add3A_354 = vector.broadcast %add3A_353 : i32 to vector<16xi32>
        %add3A_355 = arith.addi %iota3A, %add3A_354 : vector<16xi32>
        %add3A_356 = arith.constant 96 : i32
        %add3A_357 = vector.broadcast %add3A_356 : i32 to vector<16xi32>
        %add3A_358 = arith.addi %iota3A, %add3A_357 : vector<16xi32>
        %add3A_359 = arith.constant 112 : i32
        %add3A_360 = vector.broadcast %add3A_359 : i32 to vector<16xi32>
        %add3A_361 = arith.addi %iota3A, %add3A_360 : vector<16xi32>
        %add3A_362 = vector.broadcast %mul3A_335 : i32 to vector<16xi32>
        %add3A_363 = arith.addi %add3A_340, %add3A_362 : vector<16xi32>
        %add3A_364 = vector.broadcast %mul3A_335 : i32 to vector<16xi32>
        %add3A_365 = arith.addi %add3A_343, %add3A_364 : vector<16xi32>
        %add3A_366 = vector.broadcast %mul3A_335 : i32 to vector<16xi32>
        %add3A_367 = arith.addi %add3A_346, %add3A_366 : vector<16xi32>
        %add3A_368 = vector.broadcast %mul3A_335 : i32 to vector<16xi32>
        %add3A_369 = arith.addi %add3A_349, %add3A_368 : vector<16xi32>
        %add3A_370 = vector.broadcast %mul3A_335 : i32 to vector<16xi32>
        %add3A_371 = arith.addi %add3A_352, %add3A_370 : vector<16xi32>
        %add3A_372 = vector.broadcast %mul3A_335 : i32 to vector<16xi32>
        %add3A_373 = arith.addi %add3A_355, %add3A_372 : vector<16xi32>
        %add3A_374 = vector.broadcast %mul3A_335 : i32 to vector<16xi32>
        %add3A_375 = arith.addi %add3A_358, %add3A_374 : vector<16xi32>
        %add3A_376 = vector.broadcast %mul3A_335 : i32 to vector<16xi32>
        %add3A_377 = arith.addi %add3A_361, %add3A_376 : vector<16xi32>
        %add3A_378 = arith.constant 0 : i32
        %add3A_379 = vector.broadcast %add3A_378 : i32 to vector<16xi32>
        %add3A_380 = arith.addi %iota3A, %add3A_379 : vector<16xi32>
        %and3A_381 = arith.constant 15 : i32
        %and3A_382 = vector.broadcast %and3A_381 : i32 to vector<16xi32>
        %and3A_383 = arith.andi %add3A_380, %and3A_382 : vector<16xi32>
        %add3A_384 = arith.constant 0 : i32
        %add3A_385 = vector.broadcast %add3A_384 : i32 to vector<16xi32>
        %add3A_386 = arith.addi %and3A_383, %add3A_385 : vector<16xi32>
        %add3A_387 = arith.constant 0 : i32
        %add3A_388 = arith.addi %mul3A_337, %add3A_387 : i32
        %add3A_389 = vector.broadcast %add3A_388 : i32 to vector<16xi32>
        %add3A_390 = arith.addi %and3A_383, %add3A_389 : vector<16xi32>
        %gather3A = tpu.vector_load_idx %arg6[%add3A_363, %add3A_386] : memref<1024x32xf32, #tpu.memory_space<vmem>>[vector<16xi32>, vector<16xi32>], vector<16xf32>,
        tpu.vector_store_idx %arg7[%add3A_390, %add3A_340], %gather3A : memref<64x128xf32, #tpu.memory_space<vmem>>[vector<16xi32>, vector<16xi32>], vector<16xf32>,
        %gather3A_391 = tpu.vector_load_idx %arg6[%add3A_365, %add3A_386] : memref<1024x32xf32, #tpu.memory_space<vmem>>[vector<16xi32>, vector<16xi32>], vector<16xf32>,
        tpu.vector_store_idx %arg7[%add3A_390, %add3A_343], %gather3A_391 : memref<64x128xf32, #tpu.memory_space<vmem>>[vector<16xi32>, vector<16xi32>], vector<16xf32>,
        %gather3A_392 = tpu.vector_load_idx %arg6[%add3A_367, %add3A_386] : memref<1024x32xf32, #tpu.memory_space<vmem>>[vector<16xi32>, vector<16xi32>], vector<16xf32>,
        tpu.vector_store_idx %arg7[%add3A_390, %add3A_346], %gather3A_392 : memref<64x128xf32, #tpu.memory_space<vmem>>[vector<16xi32>, vector<16xi32>], vector<16xf32>,
        %gather3A_393 = tpu.vector_load_idx %arg6[%add3A_369, %add3A_386] : memref<1024x32xf32, #tpu.memory_space<vmem>>[vector<16xi32>, vector<16xi32>], vector<16xf32>,
        tpu.vector_store_idx %arg7[%add3A_390, %add3A_349], %gather3A_393 : memref<64x128xf32, #tpu.memory_space<vmem>>[vector<16xi32>, vector<16xi32>], vector<16xf32>,
        %gather3A_394 = tpu.vector_load_idx %arg6[%add3A_371, %add3A_386] : memref<1024x32xf32, #tpu.memory_space<vmem>>[vector<16xi32>, vector<16xi32>], vector<16xf32>,
        tpu.vector_store_idx %arg7[%add3A_390, %add3A_352], %gather3A_394 : memref<64x128xf32, #tpu.memory_space<vmem>>[vector<16xi32>, vector<16xi32>], vector<16xf32>,
        %gather3A_395 = tpu.vector_load_idx %arg6[%add3A_373, %add3A_386] : memref<1024x32xf32, #tpu.memory_space<vmem>>[vector<16xi32>, vector<16xi32>], vector<16xf32>,
        tpu.vector_store_idx %arg7[%add3A_390, %add3A_355], %gather3A_395 : memref<64x128xf32, #tpu.memory_space<vmem>>[vector<16xi32>, vector<16xi32>], vector<16xf32>,
        %gather3A_396 = tpu.vector_load_idx %arg6[%add3A_375, %add3A_386] : memref<1024x32xf32, #tpu.memory_space<vmem>>[vector<16xi32>, vector<16xi32>], vector<16xf32>,
        tpu.vector_store_idx %arg7[%add3A_390, %add3A_358], %gather3A_396 : memref<64x128xf32, #tpu.memory_space<vmem>>[vector<16xi32>, vector<16xi32>], vector<16xf32>,
        %gather3A_397 = tpu.vector_load_idx %arg6[%add3A_377, %add3A_386] : memref<1024x32xf32, #tpu.memory_space<vmem>>[vector<16xi32>, vector<16xi32>], vector<16xf32>,
        tpu.vector_store_idx %arg7[%add3A_390, %add3A_361], %gather3A_397 : memref<64x128xf32, #tpu.memory_space<vmem>>[vector<16xi32>, vector<16xi32>], vector<16xf32>,
        %add3A_398 = arith.constant 1 : i32
        %add3A_399 = vector.broadcast %add3A_398 : i32 to vector<16xi32>
        %add3A_400 = arith.addi %iota3A, %add3A_399 : vector<16xi32>
        %and3A_401 = arith.constant 15 : i32
        %and3A_402 = vector.broadcast %and3A_401 : i32 to vector<16xi32>
        %and3A_403 = arith.andi %add3A_400, %and3A_402 : vector<16xi32>
        %add3A_404 = arith.constant 0 : i32
        %add3A_405 = vector.broadcast %add3A_404 : i32 to vector<16xi32>
        %add3A_406 = arith.addi %and3A_403, %add3A_405 : vector<16xi32>
        %add3A_407 = arith.constant 0 : i32
        %add3A_408 = arith.addi %mul3A_337, %add3A_407 : i32
        %add3A_409 = vector.broadcast %add3A_408 : i32 to vector<16xi32>
        %add3A_410 = arith.addi %and3A_403, %add3A_409 : vector<16xi32>
        %gather3A_411 = tpu.vector_load_idx %arg6[%add3A_363, %add3A_406] : memref<1024x32xf32, #tpu.memory_space<vmem>>[vector<16xi32>, vector<16xi32>], vector<16xf32>,
        tpu.vector_store_idx %arg7[%add3A_410, %add3A_340], %gather3A_411 : memref<64x128xf32, #tpu.memory_space<vmem>>[vector<16xi32>, vector<16xi32>], vector<16xf32>,
        %gather3A_412 = tpu.vector_load_idx %arg6[%add3A_365, %add3A_406] : memref<1024x32xf32, #tpu.memory_space<vmem>>[vector<16xi32>, vector<16xi32>], vector<16xf32>,
        tpu.vector_store_idx %arg7[%add3A_410, %add3A_343], %gather3A_412 : memref<64x128xf32, #tpu.memory_space<vmem>>[vector<16xi32>, vector<16xi32>], vector<16xf32>,
        %gather3A_413 = tpu.vector_load_idx %arg6[%add3A_367, %add3A_406] : memref<1024x32xf32, #tpu.memory_space<vmem>>[vector<16xi32>, vector<16xi32>], vector<16xf32>,
        tpu.vector_store_idx %arg7[%add3A_410, %add3A_346], %gather3A_413 : memref<64x128xf32, #tpu.memory_space<vmem>>[vector<16xi32>, vector<16xi32>], vector<16xf32>,
        %gather3A_414 = tpu.vector_load_idx %arg6[%add3A_369, %add3A_406] : memref<1024x32xf32, #tpu.memory_space<vmem>>[vector<16xi32>, vector<16xi32>], vector<16xf32>,
        tpu.vector_store_idx %arg7[%add3A_410, %add3A_349], %gather3A_414 : memref<64x128xf32, #tpu.memory_space<vmem>>[vector<16xi32>, vector<16xi32>], vector<16xf32>,
        %gather3A_415 = tpu.vector_load_idx %arg6[%add3A_371, %add3A_406] : memref<1024x32xf32, #tpu.memory_space<vmem>>[vector<16xi32>, vector<16xi32>], vector<16xf32>,
        tpu.vector_store_idx %arg7[%add3A_410, %add3A_352], %gather3A_415 : memref<64x128xf32, #tpu.memory_space<vmem>>[vector<16xi32>, vector<16xi32>], vector<16xf32>,
        %gather3A_416 = tpu.vector_load_idx %arg6[%add3A_373, %add3A_406] : memref<1024x32xf32, #tpu.memory_space<vmem>>[vector<16xi32>, vector<16xi32>], vector<16xf32>,
        tpu.vector_store_idx %arg7[%add3A_410, %add3A_355], %gather3A_416 : memref<64x128xf32, #tpu.memory_space<vmem>>[vector<16xi32>, vector<16xi32>], vector<16xf32>,
        %gather3A_417 = tpu.vector_load_idx %arg6[%add3A_375, %add3A_406] : memref<1024x32xf32, #tpu.memory_space<vmem>>[vector<16xi32>, vector<16xi32>], vector<16xf32>,
        tpu.vector_store_idx %arg7[%add3A_410, %add3A_358], %gather3A_417 : memref<64x128xf32, #tpu.memory_space<vmem>>[vector<16xi32>, vector<16xi32>], vector<16xf32>,
        %gather3A_418 = tpu.vector_load_idx %arg6[%add3A_377, %add3A_406] : memref<1024x32xf32, #tpu.memory_space<vmem>>[vector<16xi32>, vector<16xi32>], vector<16xf32>,
        tpu.vector_store_idx %arg7[%add3A_410, %add3A_361], %gather3A_418 : memref<64x128xf32, #tpu.memory_space<vmem>>[vector<16xi32>, vector<16xi32>], vector<16xf32>,
        %add3A_419 = arith.constant 2 : i32
        %add3A_420 = vector.broadcast %add3A_419 : i32 to vector<16xi32>
        %add3A_421 = arith.addi %iota3A, %add3A_420 : vector<16xi32>
        %and3A_422 = arith.constant 15 : i32
        %and3A_423 = vector.broadcast %and3A_422 : i32 to vector<16xi32>
        %and3A_424 = arith.andi %add3A_421, %and3A_423 : vector<16xi32>
        %add3A_425 = arith.constant 0 : i32
        %add3A_426 = vector.broadcast %add3A_425 : i32 to vector<16xi32>
        %add3A_427 = arith.addi %and3A_424, %add3A_426 : vector<16xi32>
        %add3A_428 = arith.constant 0 : i32
        %add3A_429 = arith.addi %mul3A_337, %add3A_428 : i32
        %add3A_430 = vector.broadcast %add3A_429 : i32 to vector<16xi32>
        %add3A_431 = arith.addi %and3A_424, %add3A_430 : vector<16xi32>
        %gather3A_432 = tpu.vector_load_idx %arg6[%add3A_363, %add3A_427] : memref<1024x32xf32, #tpu.memory_space<vmem>>[vector<16xi32>, vector<16xi32>], vector<16xf32>,
        tpu.vector_store_idx %arg7[%add3A_431, %add3A_340], %gather3A_432 : memref<64x128xf32, #tpu.memory_space<vmem>>[vector<16xi32>, vector<16xi32>], vector<16xf32>,
        %gather3A_433 = tpu.vector_load_idx %arg6[%add3A_365, %add3A_427] : memref<1024x32xf32, #tpu.memory_space<vmem>>[vector<16xi32>, vector<16xi32>], vector<16xf32>,
        tpu.vector_store_idx %arg7[%add3A_431, %add3A_343], %gather3A_433 : memref<64x128xf32, #tpu.memory_space<vmem>>[vector<16xi32>, vector<16xi32>], vector<16xf32>,
        %gather3A_434 = tpu.vector_load_idx %arg6[%add3A_367, %add3A_427] : memref<1024x32xf32, #tpu.memory_space<vmem>>[vector<16xi32>, vector<16xi32>], vector<16xf32>,
        tpu.vector_store_idx %arg7[%add3A_431, %add3A_346], %gather3A_434 : memref<64x128xf32, #tpu.memory_space<vmem>>[vector<16xi32>, vector<16xi32>], vector<16xf32>,
        %gather3A_435 = tpu.vector_load_idx %arg6[%add3A_369, %add3A_427] : memref<1024x32xf32, #tpu.memory_space<vmem>>[vector<16xi32>, vector<16xi32>], vector<16xf32>,
        tpu.vector_store_idx %arg7[%add3A_431, %add3A_349], %gather3A_435 : memref<64x128xf32, #tpu.memory_space<vmem>>[vector<16xi32>, vector<16xi32>], vector<16xf32>,
        %gather3A_436 = tpu.vector_load_idx %arg6[%add3A_371, %add3A_427] : memref<1024x32xf32, #tpu.memory_space<vmem>>[vector<16xi32>, vector<16xi32>], vector<16xf32>,
        tpu.vector_store_idx %arg7[%add3A_431, %add3A_352], %gather3A_436 : memref<64x128xf32, #tpu.memory_space<vmem>>[vector<16xi32>, vector<16xi32>], vector<16xf32>,
        %gather3A_437 = tpu.vector_load_idx %arg6[%add3A_373, %add3A_427] : memref<1024x32xf32, #tpu.memory_space<vmem>>[vector<16xi32>, vector<16xi32>], vector<16xf32>,
        tpu.vector_store_idx %arg7[%add3A_431, %add3A_355], %gather3A_437 : memref<64x128xf32, #tpu.memory_space<vmem>>[vector<16xi32>, vector<16xi32>], vector<16xf32>,
        %gather3A_438 = tpu.vector_load_idx %arg6[%add3A_375, %add3A_427] : memref<1024x32xf32, #tpu.memory_space<vmem>>[vector<16xi32>, vector<16xi32>], vector<16xf32>,
        tpu.vector_store_idx %arg7[%add3A_431, %add3A_358], %gather3A_438 : memref<64x128xf32, #tpu.memory_space<vmem>>[vector<16xi32>, vector<16xi32>], vector<16xf32>,
        %gather3A_439 = tpu.vector_load_idx %arg6[%add3A_377, %add3A_427] : memref<1024x32xf32, #tpu.memory_space<vmem>>[vector<16xi32>, vector<16xi32>], vector<16xf32>,
        tpu.vector_store_idx %arg7[%add3A_431, %add3A_361], %gather3A_439 : memref<64x128xf32, #tpu.memory_space<vmem>>[vector<16xi32>, vector<16xi32>], vector<16xf32>,
        %add3A_440 = arith.constant 3 : i32
        %add3A_441 = vector.broadcast %add3A_440 : i32 to vector<16xi32>
        %add3A_442 = arith.addi %iota3A, %add3A_441 : vector<16xi32>
        %and3A_443 = arith.constant 15 : i32
        %and3A_444 = vector.broadcast %and3A_443 : i32 to vector<16xi32>
        %and3A_445 = arith.andi %add3A_442, %and3A_444 : vector<16xi32>
        %add3A_446 = arith.constant 0 : i32
        %add3A_447 = vector.broadcast %add3A_446 : i32 to vector<16xi32>
        %add3A_448 = arith.addi %and3A_445, %add3A_447 : vector<16xi32>
        %add3A_449 = arith.constant 0 : i32
        %add3A_450 = arith.addi %mul3A_337, %add3A_449 : i32
        %add3A_451 = vector.broadcast %add3A_450 : i32 to vector<16xi32>
        %add3A_452 = arith.addi %and3A_445, %add3A_451 : vector<16xi32>
        %gather3A_453 = tpu.vector_load_idx %arg6[%add3A_363, %add3A_448] : memref<1024x32xf32, #tpu.memory_space<vmem>>[vector<16xi32>, vector<16xi32>], vector<16xf32>,
        tpu.vector_store_idx %arg7[%add3A_452, %add3A_340], %gather3A_453 : memref<64x128xf32, #tpu.memory_space<vmem>>[vector<16xi32>, vector<16xi32>], vector<16xf32>,
        %gather3A_454 = tpu.vector_load_idx %arg6[%add3A_365, %add3A_448] : memref<1024x32xf32, #tpu.memory_space<vmem>>[vector<16xi32>, vector<16xi32>], vector<16xf32>,
        tpu.vector_store_idx %arg7[%add3A_452, %add3A_343], %gather3A_454 : memref<64x128xf32, #tpu.memory_space<vmem>>[vector<16xi32>, vector<16xi32>], vector<16xf32>,
        %gather3A_455 = tpu.vector_load_idx %arg6[%add3A_367, %add3A_448] : memref<1024x32xf32, #tpu.memory_space<vmem>>[vector<16xi32>, vector<16xi32>], vector<16xf32>,
        tpu.vector_store_idx %arg7[%add3A_452, %add3A_346], %gather3A_455 : memref<64x128xf32, #tpu.memory_space<vmem>>[vector<16xi32>, vector<16xi32>], vector<16xf32>,
        %gather3A_456 = tpu.vector_load_idx %arg6[%add3A_369, %add3A_448] : memref<1024x32xf32, #tpu.memory_space<vmem>>[vector<16xi32>, vector<16xi32>], vector<16xf32>,
        tpu.vector_store_idx %arg7[%add3A_452, %add3A_349], %gather3A_456 : memref<64x128xf32, #tpu.memory_space<vmem>>[vector<16xi32>, vector<16xi32>], vector<16xf32>,
        %gather3A_457 = tpu.vector_load_idx %arg6[%add3A_371, %add3A_448] : memref<1024x32xf32, #tpu.memory_space<vmem>>[vector<16xi32>, vector<16xi32>], vector<16xf32>,
        tpu.vector_store_idx %arg7[%add3A_452, %add3A_352], %gather3A_457 : memref<64x128xf32, #tpu.memory_space<vmem>>[vector<16xi32>, vector<16xi32>], vector<16xf32>,
        %gather3A_458 = tpu.vector_load_idx %arg6[%add3A_373, %add3A_448] : memref<1024x32xf32, #tpu.memory_space<vmem>>[vector<16xi32>, vector<16xi32>], vector<16xf32>,
        tpu.vector_store_idx %arg7[%add3A_452, %add3A_355], %gather3A_458 : memref<64x128xf32, #tpu.memory_space<vmem>>[vector<16xi32>, vector<16xi32>], vector<16xf32>,
        %gather3A_459 = tpu.vector_load_idx %arg6[%add3A_375, %add3A_448] : memref<1024x32xf32, #tpu.memory_space<vmem>>[vector<16xi32>, vector<16xi32>], vector<16xf32>,
        tpu.vector_store_idx %arg7[%add3A_452, %add3A_358], %gather3A_459 : memref<64x128xf32, #tpu.memory_space<vmem>>[vector<16xi32>, vector<16xi32>], vector<16xf32>,
        %gather3A_460 = tpu.vector_load_idx %arg6[%add3A_377, %add3A_448] : memref<1024x32xf32, #tpu.memory_space<vmem>>[vector<16xi32>, vector<16xi32>], vector<16xf32>,
        tpu.vector_store_idx %arg7[%add3A_452, %add3A_361], %gather3A_460 : memref<64x128xf32, #tpu.memory_space<vmem>>[vector<16xi32>, vector<16xi32>], vector<16xf32>,
        %add3A_461 = arith.constant 4 : i32
        %add3A_462 = vector.broadcast %add3A_461 : i32 to vector<16xi32>
        %add3A_463 = arith.addi %iota3A, %add3A_462 : vector<16xi32>
        %and3A_464 = arith.constant 15 : i32
        %and3A_465 = vector.broadcast %and3A_464 : i32 to vector<16xi32>
        %and3A_466 = arith.andi %add3A_463, %and3A_465 : vector<16xi32>
        %add3A_467 = arith.constant 0 : i32
        %add3A_468 = vector.broadcast %add3A_467 : i32 to vector<16xi32>
        %add3A_469 = arith.addi %and3A_466, %add3A_468 : vector<16xi32>
        %add3A_470 = arith.constant 0 : i32
        %add3A_471 = arith.addi %mul3A_337, %add3A_470 : i32
        %add3A_472 = vector.broadcast %add3A_471 : i32 to vector<16xi32>
        %add3A_473 = arith.addi %and3A_466, %add3A_472 : vector<16xi32>
        %gather3A_474 = tpu.vector_load_idx %arg6[%add3A_363, %add3A_469] : memref<1024x32xf32, #tpu.memory_space<vmem>>[vector<16xi32>, vector<16xi32>], vector<16xf32>,
        tpu.vector_store_idx %arg7[%add3A_473, %add3A_340], %gather3A_474 : memref<64x128xf32, #tpu.memory_space<vmem>>[vector<16xi32>, vector<16xi32>], vector<16xf32>,
        %gather3A_475 = tpu.vector_load_idx %arg6[%add3A_365, %add3A_469] : memref<1024x32xf32, #tpu.memory_space<vmem>>[vector<16xi32>, vector<16xi32>], vector<16xf32>,
        tpu.vector_store_idx %arg7[%add3A_473, %add3A_343], %gather3A_475 : memref<64x128xf32, #tpu.memory_space<vmem>>[vector<16xi32>, vector<16xi32>], vector<16xf32>,
        %gather3A_476 = tpu.vector_load_idx %arg6[%add3A_367, %add3A_469] : memref<1024x32xf32, #tpu.memory_space<vmem>>[vector<16xi32>, vector<16xi32>], vector<16xf32>,
        tpu.vector_store_idx %arg7[%add3A_473, %add3A_346], %gather3A_476 : memref<64x128xf32, #tpu.memory_space<vmem>>[vector<16xi32>, vector<16xi32>], vector<16xf32>,
        %gather3A_477 = tpu.vector_load_idx %arg6[%add3A_369, %add3A_469] : memref<1024x32xf32, #tpu.memory_space<vmem>>[vector<16xi32>, vector<16xi32>], vector<16xf32>,
        tpu.vector_store_idx %arg7[%add3A_473, %add3A_349], %gather3A_477 : memref<64x128xf32, #tpu.memory_space<vmem>>[vector<16xi32>, vector<16xi32>], vector<16xf32>,
        %gather3A_478 = tpu.vector_load_idx %arg6[%add3A_371, %add3A_469] : memref<1024x32xf32, #tpu.memory_space<vmem>>[vector<16xi32>, vector<16xi32>], vector<16xf32>,
        tpu.vector_store_idx %arg7[%add3A_473, %add3A_352], %gather3A_478 : memref<64x128xf32, #tpu.memory_space<vmem>>[vector<16xi32>, vector<16xi32>], vector<16xf32>,
        %gather3A_479 = tpu.vector_load_idx %arg6[%add3A_373, %add3A_469] : memref<1024x32xf32, #tpu.memory_space<vmem>>[vector<16xi32>, vector<16xi32>], vector<16xf32>,
        tpu.vector_store_idx %arg7[%add3A_473, %add3A_355], %gather3A_479 : memref<64x128xf32, #tpu.memory_space<vmem>>[vector<16xi32>, vector<16xi32>], vector<16xf32>,
        %gather3A_480 = tpu.vector_load_idx %arg6[%add3A_375, %add3A_469] : memref<1024x32xf32, #tpu.memory_space<vmem>>[vector<16xi32>, vector<16xi32>], vector<16xf32>,
        tpu.vector_store_idx %arg7[%add3A_473, %add3A_358], %gather3A_480 : memref<64x128xf32, #tpu.memory_space<vmem>>[vector<16xi32>, vector<16xi32>], vector<16xf32>,
        %gather3A_481 = tpu.vector_load_idx %arg6[%add3A_377, %add3A_469] : memref<1024x32xf32, #tpu.memory_space<vmem>>[vector<16xi32>, vector<16xi32>], vector<16xf32>,
        tpu.vector_store_idx %arg7[%add3A_473, %add3A_361], %gather3A_481 : memref<64x128xf32, #tpu.memory_space<vmem>>[vector<16xi32>, vector<16xi32>], vector<16xf32>,
        %add3A_482 = arith.constant 5 : i32
        %add3A_483 = vector.broadcast %add3A_482 : i32 to vector<16xi32>
        %add3A_484 = arith.addi %iota3A, %add3A_483 : vector<16xi32>
        %and3A_485 = arith.constant 15 : i32
        %and3A_486 = vector.broadcast %and3A_485 : i32 to vector<16xi32>
        %and3A_487 = arith.andi %add3A_484, %and3A_486 : vector<16xi32>
        %add3A_488 = arith.constant 0 : i32
        %add3A_489 = vector.broadcast %add3A_488 : i32 to vector<16xi32>
        %add3A_490 = arith.addi %and3A_487, %add3A_489 : vector<16xi32>
        %add3A_491 = arith.constant 0 : i32
        %add3A_492 = arith.addi %mul3A_337, %add3A_491 : i32
        %add3A_493 = vector.broadcast %add3A_492 : i32 to vector<16xi32>
        %add3A_494 = arith.addi %and3A_487, %add3A_493 : vector<16xi32>
        %gather3A_495 = tpu.vector_load_idx %arg6[%add3A_363, %add3A_490] : memref<1024x32xf32, #tpu.memory_space<vmem>>[vector<16xi32>, vector<16xi32>], vector<16xf32>,
        tpu.vector_store_idx %arg7[%add3A_494, %add3A_340], %gather3A_495 : memref<64x128xf32, #tpu.memory_space<vmem>>[vector<16xi32>, vector<16xi32>], vector<16xf32>,
        %gather3A_496 = tpu.vector_load_idx %arg6[%add3A_365, %add3A_490] : memref<1024x32xf32, #tpu.memory_space<vmem>>[vector<16xi32>, vector<16xi32>], vector<16xf32>,
        tpu.vector_store_idx %arg7[%add3A_494, %add3A_343], %gather3A_496 : memref<64x128xf32, #tpu.memory_space<vmem>>[vector<16xi32>, vector<16xi32>], vector<16xf32>,
        %gather3A_497 = tpu.vector_load_idx %arg6[%add3A_367, %add3A_490] : memref<1024x32xf32, #tpu.memory_space<vmem>>[vector<16xi32>, vector<16xi32>], vector<16xf32>,
        tpu.vector_store_idx %arg7[%add3A_494, %add3A_346], %gather3A_497 : memref<64x128xf32, #tpu.memory_space<vmem>>[vector<16xi32>, vector<16xi32>], vector<16xf32>,
        %gather3A_498 = tpu.vector_load_idx %arg6[%add3A_369, %add3A_490] : memref<1024x32xf32, #tpu.memory_space<vmem>>[vector<16xi32>, vector<16xi32>], vector<16xf32>,
        tpu.vector_store_idx %arg7[%add3A_494, %add3A_349], %gather3A_498 : memref<64x128xf32, #tpu.memory_space<vmem>>[vector<16xi32>, vector<16xi32>], vector<16xf32>,
        %gather3A_499 = tpu.vector_load_idx %arg6[%add3A_371, %add3A_490] : memref<1024x32xf32, #tpu.memory_space<vmem>>[vector<16xi32>, vector<16xi32>], vector<16xf32>,
        tpu.vector_store_idx %arg7[%add3A_494, %add3A_352], %gather3A_499 : memref<64x128xf32, #tpu.memory_space<vmem>>[vector<16xi32>, vector<16xi32>], vector<16xf32>,
        %gather3A_500 = tpu.vector_load_idx %arg6[%add3A_373, %add3A_490] : memref<1024x32xf32, #tpu.memory_space<vmem>>[vector<16xi32>, vector<16xi32>], vector<16xf32>,
        tpu.vector_store_idx %arg7[%add3A_494, %add3A_355], %gather3A_500 : memref<64x128xf32, #tpu.memory_space<vmem>>[vector<16xi32>, vector<16xi32>], vector<16xf32>,
        %gather3A_501 = tpu.vector_load_idx %arg6[%add3A_375, %add3A_490] : memref<1024x32xf32, #tpu.memory_space<vmem>>[vector<16xi32>, vector<16xi32>], vector<16xf32>,
        tpu.vector_store_idx %arg7[%add3A_494, %add3A_358], %gather3A_501 : memref<64x128xf32, #tpu.memory_space<vmem>>[vector<16xi32>, vector<16xi32>], vector<16xf32>,
        %gather3A_502 = tpu.vector_load_idx %arg6[%add3A_377, %add3A_490] : memref<1024x32xf32, #tpu.memory_space<vmem>>[vector<16xi32>, vector<16xi32>], vector<16xf32>,
        tpu.vector_store_idx %arg7[%add3A_494, %add3A_361], %gather3A_502 : memref<64x128xf32, #tpu.memory_space<vmem>>[vector<16xi32>, vector<16xi32>], vector<16xf32>,
        %add3A_503 = arith.constant 6 : i32
        %add3A_504 = vector.broadcast %add3A_503 : i32 to vector<16xi32>
        %add3A_505 = arith.addi %iota3A, %add3A_504 : vector<16xi32>
        %and3A_506 = arith.constant 15 : i32
        %and3A_507 = vector.broadcast %and3A_506 : i32 to vector<16xi32>
        %and3A_508 = arith.andi %add3A_505, %and3A_507 : vector<16xi32>
        %add3A_509 = arith.constant 0 : i32
        %add3A_510 = vector.broadcast %add3A_509 : i32 to vector<16xi32>
        %add3A_511 = arith.addi %and3A_508, %add3A_510 : vector<16xi32>
        %add3A_512 = arith.constant 0 : i32
        %add3A_513 = arith.addi %mul3A_337, %add3A_512 : i32
        %add3A_514 = vector.broadcast %add3A_513 : i32 to vector<16xi32>
        %add3A_515 = arith.addi %and3A_508, %add3A_514 : vector<16xi32>
        %gather3A_516 = tpu.vector_load_idx %arg6[%add3A_363, %add3A_511] : memref<1024x32xf32, #tpu.memory_space<vmem>>[vector<16xi32>, vector<16xi32>], vector<16xf32>,
        tpu.vector_store_idx %arg7[%add3A_515, %add3A_340], %gather3A_516 : memref<64x128xf32, #tpu.memory_space<vmem>>[vector<16xi32>, vector<16xi32>], vector<16xf32>,
        %gather3A_517 = tpu.vector_load_idx %arg6[%add3A_365, %add3A_511] : memref<1024x32xf32, #tpu.memory_space<vmem>>[vector<16xi32>, vector<16xi32>], vector<16xf32>,
        tpu.vector_store_idx %arg7[%add3A_515, %add3A_343], %gather3A_517 : memref<64x128xf32, #tpu.memory_space<vmem>>[vector<16xi32>, vector<16xi32>], vector<16xf32>,
        %gather3A_518 = tpu.vector_load_idx %arg6[%add3A_367, %add3A_511] : memref<1024x32xf32, #tpu.memory_space<vmem>>[vector<16xi32>, vector<16xi32>], vector<16xf32>,
        tpu.vector_store_idx %arg7[%add3A_515, %add3A_346], %gather3A_518 : memref<64x128xf32, #tpu.memory_space<vmem>>[vector<16xi32>, vector<16xi32>], vector<16xf32>,
        %gather3A_519 = tpu.vector_load_idx %arg6[%add3A_369, %add3A_511] : memref<1024x32xf32, #tpu.memory_space<vmem>>[vector<16xi32>, vector<16xi32>], vector<16xf32>,
        tpu.vector_store_idx %arg7[%add3A_515, %add3A_349], %gather3A_519 : memref<64x128xf32, #tpu.memory_space<vmem>>[vector<16xi32>, vector<16xi32>], vector<16xf32>,
        %gather3A_520 = tpu.vector_load_idx %arg6[%add3A_371, %add3A_511] : memref<1024x32xf32, #tpu.memory_space<vmem>>[vector<16xi32>, vector<16xi32>], vector<16xf32>,
        tpu.vector_store_idx %arg7[%add3A_515, %add3A_352], %gather3A_520 : memref<64x128xf32, #tpu.memory_space<vmem>>[vector<16xi32>, vector<16xi32>], vector<16xf32>,
        %gather3A_521 = tpu.vector_load_idx %arg6[%add3A_373, %add3A_511] : memref<1024x32xf32, #tpu.memory_space<vmem>>[vector<16xi32>, vector<16xi32>], vector<16xf32>,
        tpu.vector_store_idx %arg7[%add3A_515, %add3A_355], %gather3A_521 : memref<64x128xf32, #tpu.memory_space<vmem>>[vector<16xi32>, vector<16xi32>], vector<16xf32>,
        %gather3A_522 = tpu.vector_load_idx %arg6[%add3A_375, %add3A_511] : memref<1024x32xf32, #tpu.memory_space<vmem>>[vector<16xi32>, vector<16xi32>], vector<16xf32>,
        tpu.vector_store_idx %arg7[%add3A_515, %add3A_358], %gather3A_522 : memref<64x128xf32, #tpu.memory_space<vmem>>[vector<16xi32>, vector<16xi32>], vector<16xf32>,
        %gather3A_523 = tpu.vector_load_idx %arg6[%add3A_377, %add3A_511] : memref<1024x32xf32, #tpu.memory_space<vmem>>[vector<16xi32>, vector<16xi32>], vector<16xf32>,
        tpu.vector_store_idx %arg7[%add3A_515, %add3A_361], %gather3A_523 : memref<64x128xf32, #tpu.memory_space<vmem>>[vector<16xi32>, vector<16xi32>], vector<16xf32>,
        %add3A_524 = arith.constant 7 : i32
        %add3A_525 = vector.broadcast %add3A_524 : i32 to vector<16xi32>
        %add3A_526 = arith.addi %iota3A, %add3A_525 : vector<16xi32>
        %and3A_527 = arith.constant 15 : i32
        %and3A_528 = vector.broadcast %and3A_527 : i32 to vector<16xi32>
        %and3A_529 = arith.andi %add3A_526, %and3A_528 : vector<16xi32>
        %add3A_530 = arith.constant 0 : i32
        %add3A_531 = vector.broadcast %add3A_530 : i32 to vector<16xi32>
        %add3A_532 = arith.addi %and3A_529, %add3A_531 : vector<16xi32>
        %add3A_533 = arith.constant 0 : i32
        %add3A_534 = arith.addi %mul3A_337, %add3A_533 : i32
        %add3A_535 = vector.broadcast %add3A_534 : i32 to vector<16xi32>
        %add3A_536 = arith.addi %and3A_529, %add3A_535 : vector<16xi32>
        %gather3A_537 = tpu.vector_load_idx %arg6[%add3A_363, %add3A_532] : memref<1024x32xf32, #tpu.memory_space<vmem>>[vector<16xi32>, vector<16xi32>], vector<16xf32>,
        tpu.vector_store_idx %arg7[%add3A_536, %add3A_340], %gather3A_537 : memref<64x128xf32, #tpu.memory_space<vmem>>[vector<16xi32>, vector<16xi32>], vector<16xf32>,
        %gather3A_538 = tpu.vector_load_idx %arg6[%add3A_365, %add3A_532] : memref<1024x32xf32, #tpu.memory_space<vmem>>[vector<16xi32>, vector<16xi32>], vector<16xf32>,
        tpu.vector_store_idx %arg7[%add3A_536, %add3A_343], %gather3A_538 : memref<64x128xf32, #tpu.memory_space<vmem>>[vector<16xi32>, vector<16xi32>], vector<16xf32>,
        %gather3A_539 = tpu.vector_load_idx %arg6[%add3A_367, %add3A_532] : memref<1024x32xf32, #tpu.memory_space<vmem>>[vector<16xi32>, vector<16xi32>], vector<16xf32>,
        tpu.vector_store_idx %arg7[%add3A_536, %add3A_346], %gather3A_539 : memref<64x128xf32, #tpu.memory_space<vmem>>[vector<16xi32>, vector<16xi32>], vector<16xf32>,
        %gather3A_540 = tpu.vector_load_idx %arg6[%add3A_369, %add3A_532] : memref<1024x32xf32, #tpu.memory_space<vmem>>[vector<16xi32>, vector<16xi32>], vector<16xf32>,
        tpu.vector_store_idx %arg7[%add3A_536, %add3A_349], %gather3A_540 : memref<64x128xf32, #tpu.memory_space<vmem>>[vector<16xi32>, vector<16xi32>], vector<16xf32>,
        %gather3A_541 = tpu.vector_load_idx %arg6[%add3A_371, %add3A_532] : memref<1024x32xf32, #tpu.memory_space<vmem>>[vector<16xi32>, vector<16xi32>], vector<16xf32>,
        tpu.vector_store_idx %arg7[%add3A_536, %add3A_352], %gather3A_541 : memref<64x128xf32, #tpu.memory_space<vmem>>[vector<16xi32>, vector<16xi32>], vector<16xf32>,
        %gather3A_542 = tpu.vector_load_idx %arg6[%add3A_373, %add3A_532] : memref<1024x32xf32, #tpu.memory_space<vmem>>[vector<16xi32>, vector<16xi32>], vector<16xf32>,
        tpu.vector_store_idx %arg7[%add3A_536, %add3A_355], %gather3A_542 : memref<64x128xf32, #tpu.memory_space<vmem>>[vector<16xi32>, vector<16xi32>], vector<16xf32>,
        %gather3A_543 = tpu.vector_load_idx %arg6[%add3A_375, %add3A_532] : memref<1024x32xf32, #tpu.memory_space<vmem>>[vector<16xi32>, vector<16xi32>], vector<16xf32>,
        tpu.vector_store_idx %arg7[%add3A_536, %add3A_358], %gather3A_543 : memref<64x128xf32, #tpu.memory_space<vmem>>[vector<16xi32>, vector<16xi32>], vector<16xf32>,
        %gather3A_544 = tpu.vector_load_idx %arg6[%add3A_377, %add3A_532] : memref<1024x32xf32, #tpu.memory_space<vmem>>[vector<16xi32>, vector<16xi32>], vector<16xf32>,
        tpu.vector_store_idx %arg7[%add3A_536, %add3A_361], %gather3A_544 : memref<64x128xf32, #tpu.memory_space<vmem>>[vector<16xi32>, vector<16xi32>], vector<16xf32>,
        %add3A_545 = arith.constant 8 : i32
        %add3A_546 = vector.broadcast %add3A_545 : i32 to vector<16xi32>
        %add3A_547 = arith.addi %iota3A, %add3A_546 : vector<16xi32>
        %and3A_548 = arith.constant 15 : i32
        %and3A_549 = vector.broadcast %and3A_548 : i32 to vector<16xi32>
        %and3A_550 = arith.andi %add3A_547, %and3A_549 : vector<16xi32>
        %add3A_551 = arith.constant 0 : i32
        %add3A_552 = vector.broadcast %add3A_551 : i32 to vector<16xi32>
        %add3A_553 = arith.addi %and3A_550, %add3A_552 : vector<16xi32>
        %add3A_554 = arith.constant 0 : i32
        %add3A_555 = arith.addi %mul3A_337, %add3A_554 : i32
        %add3A_556 = vector.broadcast %add3A_555 : i32 to vector<16xi32>
        %add3A_557 = arith.addi %and3A_550, %add3A_556 : vector<16xi32>
        %gather3A_558 = tpu.vector_load_idx %arg6[%add3A_363, %add3A_553] : memref<1024x32xf32, #tpu.memory_space<vmem>>[vector<16xi32>, vector<16xi32>], vector<16xf32>,
        tpu.vector_store_idx %arg7[%add3A_557, %add3A_340], %gather3A_558 : memref<64x128xf32, #tpu.memory_space<vmem>>[vector<16xi32>, vector<16xi32>], vector<16xf32>,
        %gather3A_559 = tpu.vector_load_idx %arg6[%add3A_365, %add3A_553] : memref<1024x32xf32, #tpu.memory_space<vmem>>[vector<16xi32>, vector<16xi32>], vector<16xf32>,
        tpu.vector_store_idx %arg7[%add3A_557, %add3A_343], %gather3A_559 : memref<64x128xf32, #tpu.memory_space<vmem>>[vector<16xi32>, vector<16xi32>], vector<16xf32>,
        %gather3A_560 = tpu.vector_load_idx %arg6[%add3A_367, %add3A_553] : memref<1024x32xf32, #tpu.memory_space<vmem>>[vector<16xi32>, vector<16xi32>], vector<16xf32>,
        tpu.vector_store_idx %arg7[%add3A_557, %add3A_346], %gather3A_560 : memref<64x128xf32, #tpu.memory_space<vmem>>[vector<16xi32>, vector<16xi32>], vector<16xf32>,
        %gather3A_561 = tpu.vector_load_idx %arg6[%add3A_369, %add3A_553] : memref<1024x32xf32, #tpu.memory_space<vmem>>[vector<16xi32>, vector<16xi32>], vector<16xf32>,
        tpu.vector_store_idx %arg7[%add3A_557, %add3A_349], %gather3A_561 : memref<64x128xf32, #tpu.memory_space<vmem>>[vector<16xi32>, vector<16xi32>], vector<16xf32>,
        %gather3A_562 = tpu.vector_load_idx %arg6[%add3A_371, %add3A_553] : memref<1024x32xf32, #tpu.memory_space<vmem>>[vector<16xi32>, vector<16xi32>], vector<16xf32>,
        tpu.vector_store_idx %arg7[%add3A_557, %add3A_352], %gather3A_562 : memref<64x128xf32, #tpu.memory_space<vmem>>[vector<16xi32>, vector<16xi32>], vector<16xf32>,
        %gather3A_563 = tpu.vector_load_idx %arg6[%add3A_373, %add3A_553] : memref<1024x32xf32, #tpu.memory_space<vmem>>[vector<16xi32>, vector<16xi32>], vector<16xf32>,
        tpu.vector_store_idx %arg7[%add3A_557, %add3A_355], %gather3A_563 : memref<64x128xf32, #tpu.memory_space<vmem>>[vector<16xi32>, vector<16xi32>], vector<16xf32>,
        %gather3A_564 = tpu.vector_load_idx %arg6[%add3A_375, %add3A_553] : memref<1024x32xf32, #tpu.memory_space<vmem>>[vector<16xi32>, vector<16xi32>], vector<16xf32>,
        tpu.vector_store_idx %arg7[%add3A_557, %add3A_358], %gather3A_564 : memref<64x128xf32, #tpu.memory_space<vmem>>[vector<16xi32>, vector<16xi32>], vector<16xf32>,
        %gather3A_565 = tpu.vector_load_idx %arg6[%add3A_377, %add3A_553] : memref<1024x32xf32, #tpu.memory_space<vmem>>[vector<16xi32>, vector<16xi32>], vector<16xf32>,
        tpu.vector_store_idx %arg7[%add3A_557, %add3A_361], %gather3A_565 : memref<64x128xf32, #tpu.memory_space<vmem>>[vector<16xi32>, vector<16xi32>], vector<16xf32>,
        %add3A_566 = arith.constant 9 : i32
        %add3A_567 = vector.broadcast %add3A_566 : i32 to vector<16xi32>
        %add3A_568 = arith.addi %iota3A, %add3A_567 : vector<16xi32>
        %and3A_569 = arith.constant 15 : i32
        %and3A_570 = vector.broadcast %and3A_569 : i32 to vector<16xi32>
        %and3A_571 = arith.andi %add3A_568, %and3A_570 : vector<16xi32>
        %add3A_572 = arith.constant 0 : i32
        %add3A_573 = vector.broadcast %add3A_572 : i32 to vector<16xi32>
        %add3A_574 = arith.addi %and3A_571, %add3A_573 : vector<16xi32>
        %add3A_575 = arith.constant 0 : i32
        %add3A_576 = arith.addi %mul3A_337, %add3A_575 : i32
        %add3A_577 = vector.broadcast %add3A_576 : i32 to vector<16xi32>
        %add3A_578 = arith.addi %and3A_571, %add3A_577 : vector<16xi32>
        %gather3A_579 = tpu.vector_load_idx %arg6[%add3A_363, %add3A_574] : memref<1024x32xf32, #tpu.memory_space<vmem>>[vector<16xi32>, vector<16xi32>], vector<16xf32>,
        tpu.vector_store_idx %arg7[%add3A_578, %add3A_340], %gather3A_579 : memref<64x128xf32, #tpu.memory_space<vmem>>[vector<16xi32>, vector<16xi32>], vector<16xf32>,
        %gather3A_580 = tpu.vector_load_idx %arg6[%add3A_365, %add3A_574] : memref<1024x32xf32, #tpu.memory_space<vmem>>[vector<16xi32>, vector<16xi32>], vector<16xf32>,
        tpu.vector_store_idx %arg7[%add3A_578, %add3A_343], %gather3A_580 : memref<64x128xf32, #tpu.memory_space<vmem>>[vector<16xi32>, vector<16xi32>], vector<16xf32>,
        %gather3A_581 = tpu.vector_load_idx %arg6[%add3A_367, %add3A_574] : memref<1024x32xf32, #tpu.memory_space<vmem>>[vector<16xi32>, vector<16xi32>], vector<16xf32>,
        tpu.vector_store_idx %arg7[%add3A_578, %add3A_346], %gather3A_581 : memref<64x128xf32, #tpu.memory_space<vmem>>[vector<16xi32>, vector<16xi32>], vector<16xf32>,
        %gather3A_582 = tpu.vector_load_idx %arg6[%add3A_369, %add3A_574] : memref<1024x32xf32, #tpu.memory_space<vmem>>[vector<16xi32>, vector<16xi32>], vector<16xf32>,
        tpu.vector_store_idx %arg7[%add3A_578, %add3A_349], %gather3A_582 : memref<64x128xf32, #tpu.memory_space<vmem>>[vector<16xi32>, vector<16xi32>], vector<16xf32>,
        %gather3A_583 = tpu.vector_load_idx %arg6[%add3A_371, %add3A_574] : memref<1024x32xf32, #tpu.memory_space<vmem>>[vector<16xi32>, vector<16xi32>], vector<16xf32>,
        tpu.vector_store_idx %arg7[%add3A_578, %add3A_352], %gather3A_583 : memref<64x128xf32, #tpu.memory_space<vmem>>[vector<16xi32>, vector<16xi32>], vector<16xf32>,
        %gather3A_584 = tpu.vector_load_idx %arg6[%add3A_373, %add3A_574] : memref<1024x32xf32, #tpu.memory_space<vmem>>[vector<16xi32>, vector<16xi32>], vector<16xf32>,
        tpu.vector_store_idx %arg7[%add3A_578, %add3A_355], %gather3A_584 : memref<64x128xf32, #tpu.memory_space<vmem>>[vector<16xi32>, vector<16xi32>], vector<16xf32>,
        %gather3A_585 = tpu.vector_load_idx %arg6[%add3A_375, %add3A_574] : memref<1024x32xf32, #tpu.memory_space<vmem>>[vector<16xi32>, vector<16xi32>], vector<16xf32>,
        tpu.vector_store_idx %arg7[%add3A_578, %add3A_358], %gather3A_585 : memref<64x128xf32, #tpu.memory_space<vmem>>[vector<16xi32>, vector<16xi32>], vector<16xf32>,
        %gather3A_586 = tpu.vector_load_idx %arg6[%add3A_377, %add3A_574] : memref<1024x32xf32, #tpu.memory_space<vmem>>[vector<16xi32>, vector<16xi32>], vector<16xf32>,
        tpu.vector_store_idx %arg7[%add3A_578, %add3A_361], %gather3A_586 : memref<64x128xf32, #tpu.memory_space<vmem>>[vector<16xi32>, vector<16xi32>], vector<16xf32>,
        %add3A_587 = arith.constant 10 : i32
        %add3A_588 = vector.broadcast %add3A_587 : i32 to vector<16xi32>
        %add3A_589 = arith.addi %iota3A, %add3A_588 : vector<16xi32>
        %and3A_590 = arith.constant 15 : i32
        %and3A_591 = vector.broadcast %and3A_590 : i32 to vector<16xi32>
        %and3A_592 = arith.andi %add3A_589, %and3A_591 : vector<16xi32>
        %add3A_593 = arith.constant 0 : i32
        %add3A_594 = vector.broadcast %add3A_593 : i32 to vector<16xi32>
        %add3A_595 = arith.addi %and3A_592, %add3A_594 : vector<16xi32>
        %add3A_596 = arith.constant 0 : i32
        %add3A_597 = arith.addi %mul3A_337, %add3A_596 : i32
        %add3A_598 = vector.broadcast %add3A_597 : i32 to vector<16xi32>
        %add3A_599 = arith.addi %and3A_592, %add3A_598 : vector<16xi32>
        %gather3A_600 = tpu.vector_load_idx %arg6[%add3A_363, %add3A_595] : memref<1024x32xf32, #tpu.memory_space<vmem>>[vector<16xi32>, vector<16xi32>], vector<16xf32>,
        tpu.vector_store_idx %arg7[%add3A_599, %add3A_340], %gather3A_600 : memref<64x128xf32, #tpu.memory_space<vmem>>[vector<16xi32>, vector<16xi32>], vector<16xf32>,
        %gather3A_601 = tpu.vector_load_idx %arg6[%add3A_365, %add3A_595] : memref<1024x32xf32, #tpu.memory_space<vmem>>[vector<16xi32>, vector<16xi32>], vector<16xf32>,
        tpu.vector_store_idx %arg7[%add3A_599, %add3A_343], %gather3A_601 : memref<64x128xf32, #tpu.memory_space<vmem>>[vector<16xi32>, vector<16xi32>], vector<16xf32>,
        %gather3A_602 = tpu.vector_load_idx %arg6[%add3A_367, %add3A_595] : memref<1024x32xf32, #tpu.memory_space<vmem>>[vector<16xi32>, vector<16xi32>], vector<16xf32>,
        tpu.vector_store_idx %arg7[%add3A_599, %add3A_346], %gather3A_602 : memref<64x128xf32, #tpu.memory_space<vmem>>[vector<16xi32>, vector<16xi32>], vector<16xf32>,
        %gather3A_603 = tpu.vector_load_idx %arg6[%add3A_369, %add3A_595] : memref<1024x32xf32, #tpu.memory_space<vmem>>[vector<16xi32>, vector<16xi32>], vector<16xf32>,
        tpu.vector_store_idx %arg7[%add3A_599, %add3A_349], %gather3A_603 : memref<64x128xf32, #tpu.memory_space<vmem>>[vector<16xi32>, vector<16xi32>], vector<16xf32>,
        %gather3A_604 = tpu.vector_load_idx %arg6[%add3A_371, %add3A_595] : memref<1024x32xf32, #tpu.memory_space<vmem>>[vector<16xi32>, vector<16xi32>], vector<16xf32>,
        tpu.vector_store_idx %arg7[%add3A_599, %add3A_352], %gather3A_604 : memref<64x128xf32, #tpu.memory_space<vmem>>[vector<16xi32>, vector<16xi32>], vector<16xf32>,
        %gather3A_605 = tpu.vector_load_idx %arg6[%add3A_373, %add3A_595] : memref<1024x32xf32, #tpu.memory_space<vmem>>[vector<16xi32>, vector<16xi32>], vector<16xf32>,
        tpu.vector_store_idx %arg7[%add3A_599, %add3A_355], %gather3A_605 : memref<64x128xf32, #tpu.memory_space<vmem>>[vector<16xi32>, vector<16xi32>], vector<16xf32>,
        %gather3A_606 = tpu.vector_load_idx %arg6[%add3A_375, %add3A_595] : memref<1024x32xf32, #tpu.memory_space<vmem>>[vector<16xi32>, vector<16xi32>], vector<16xf32>,
        tpu.vector_store_idx %arg7[%add3A_599, %add3A_358], %gather3A_606 : memref<64x128xf32, #tpu.memory_space<vmem>>[vector<16xi32>, vector<16xi32>], vector<16xf32>,
        %gather3A_607 = tpu.vector_load_idx %arg6[%add3A_377, %add3A_595] : memref<1024x32xf32, #tpu.memory_space<vmem>>[vector<16xi32>, vector<16xi32>], vector<16xf32>,
        tpu.vector_store_idx %arg7[%add3A_599, %add3A_361], %gather3A_607 : memref<64x128xf32, #tpu.memory_space<vmem>>[vector<16xi32>, vector<16xi32>], vector<16xf32>,
        %add3A_608 = arith.constant 11 : i32
        %add3A_609 = vector.broadcast %add3A_608 : i32 to vector<16xi32>
        %add3A_610 = arith.addi %iota3A, %add3A_609 : vector<16xi32>
        %and3A_611 = arith.constant 15 : i32
        %and3A_612 = vector.broadcast %and3A_611 : i32 to vector<16xi32>
        %and3A_613 = arith.andi %add3A_610, %and3A_612 : vector<16xi32>
        %add3A_614 = arith.constant 0 : i32
        %add3A_615 = vector.broadcast %add3A_614 : i32 to vector<16xi32>
        %add3A_616 = arith.addi %and3A_613, %add3A_615 : vector<16xi32>
        %add3A_617 = arith.constant 0 : i32
        %add3A_618 = arith.addi %mul3A_337, %add3A_617 : i32
        %add3A_619 = vector.broadcast %add3A_618 : i32 to vector<16xi32>
        %add3A_620 = arith.addi %and3A_613, %add3A_619 : vector<16xi32>
        %gather3A_621 = tpu.vector_load_idx %arg6[%add3A_363, %add3A_616] : memref<1024x32xf32, #tpu.memory_space<vmem>>[vector<16xi32>, vector<16xi32>], vector<16xf32>,
        tpu.vector_store_idx %arg7[%add3A_620, %add3A_340], %gather3A_621 : memref<64x128xf32, #tpu.memory_space<vmem>>[vector<16xi32>, vector<16xi32>], vector<16xf32>,
        %gather3A_622 = tpu.vector_load_idx %arg6[%add3A_365, %add3A_616] : memref<1024x32xf32, #tpu.memory_space<vmem>>[vector<16xi32>, vector<16xi32>], vector<16xf32>,
        tpu.vector_store_idx %arg7[%add3A_620, %add3A_343], %gather3A_622 : memref<64x128xf32, #tpu.memory_space<vmem>>[vector<16xi32>, vector<16xi32>], vector<16xf32>,
        %gather3A_623 = tpu.vector_load_idx %arg6[%add3A_367, %add3A_616] : memref<1024x32xf32, #tpu.memory_space<vmem>>[vector<16xi32>, vector<16xi32>], vector<16xf32>,
        tpu.vector_store_idx %arg7[%add3A_620, %add3A_346], %gather3A_623 : memref<64x128xf32, #tpu.memory_space<vmem>>[vector<16xi32>, vector<16xi32>], vector<16xf32>,
        %gather3A_624 = tpu.vector_load_idx %arg6[%add3A_369, %add3A_616] : memref<1024x32xf32, #tpu.memory_space<vmem>>[vector<16xi32>, vector<16xi32>], vector<16xf32>,
        tpu.vector_store_idx %arg7[%add3A_620, %add3A_349], %gather3A_624 : memref<64x128xf32, #tpu.memory_space<vmem>>[vector<16xi32>, vector<16xi32>], vector<16xf32>,
        %gather3A_625 = tpu.vector_load_idx %arg6[%add3A_371, %add3A_616] : memref<1024x32xf32, #tpu.memory_space<vmem>>[vector<16xi32>, vector<16xi32>], vector<16xf32>,
        tpu.vector_store_idx %arg7[%add3A_620, %add3A_352], %gather3A_625 : memref<64x128xf32, #tpu.memory_space<vmem>>[vector<16xi32>, vector<16xi32>], vector<16xf32>,
        %gather3A_626 = tpu.vector_load_idx %arg6[%add3A_373, %add3A_616] : memref<1024x32xf32, #tpu.memory_space<vmem>>[vector<16xi32>, vector<16xi32>], vector<16xf32>,
        tpu.vector_store_idx %arg7[%add3A_620, %add3A_355], %gather3A_626 : memref<64x128xf32, #tpu.memory_space<vmem>>[vector<16xi32>, vector<16xi32>], vector<16xf32>,
        %gather3A_627 = tpu.vector_load_idx %arg6[%add3A_375, %add3A_616] : memref<1024x32xf32, #tpu.memory_space<vmem>>[vector<16xi32>, vector<16xi32>], vector<16xf32>,
        tpu.vector_store_idx %arg7[%add3A_620, %add3A_358], %gather3A_627 : memref<64x128xf32, #tpu.memory_space<vmem>>[vector<16xi32>, vector<16xi32>], vector<16xf32>,
        %gather3A_628 = tpu.vector_load_idx %arg6[%add3A_377, %add3A_616] : memref<1024x32xf32, #tpu.memory_space<vmem>>[vector<16xi32>, vector<16xi32>], vector<16xf32>,
        tpu.vector_store_idx %arg7[%add3A_620, %add3A_361], %gather3A_628 : memref<64x128xf32, #tpu.memory_space<vmem>>[vector<16xi32>, vector<16xi32>], vector<16xf32>,
        %add3A_629 = arith.constant 12 : i32
        %add3A_630 = vector.broadcast %add3A_629 : i32 to vector<16xi32>
        %add3A_631 = arith.addi %iota3A, %add3A_630 : vector<16xi32>
        %and3A_632 = arith.constant 15 : i32
        %and3A_633 = vector.broadcast %and3A_632 : i32 to vector<16xi32>
        %and3A_634 = arith.andi %add3A_631, %and3A_633 : vector<16xi32>
        %add3A_635 = arith.constant 0 : i32
        %add3A_636 = vector.broadcast %add3A_635 : i32 to vector<16xi32>
        %add3A_637 = arith.addi %and3A_634, %add3A_636 : vector<16xi32>
        %add3A_638 = arith.constant 0 : i32
        %add3A_639 = arith.addi %mul3A_337, %add3A_638 : i32
        %add3A_640 = vector.broadcast %add3A_639 : i32 to vector<16xi32>
        %add3A_641 = arith.addi %and3A_634, %add3A_640 : vector<16xi32>
        %gather3A_642 = tpu.vector_load_idx %arg6[%add3A_363, %add3A_637] : memref<1024x32xf32, #tpu.memory_space<vmem>>[vector<16xi32>, vector<16xi32>], vector<16xf32>,
        tpu.vector_store_idx %arg7[%add3A_641, %add3A_340], %gather3A_642 : memref<64x128xf32, #tpu.memory_space<vmem>>[vector<16xi32>, vector<16xi32>], vector<16xf32>,
        %gather3A_643 = tpu.vector_load_idx %arg6[%add3A_365, %add3A_637] : memref<1024x32xf32, #tpu.memory_space<vmem>>[vector<16xi32>, vector<16xi32>], vector<16xf32>,
        tpu.vector_store_idx %arg7[%add3A_641, %add3A_343], %gather3A_643 : memref<64x128xf32, #tpu.memory_space<vmem>>[vector<16xi32>, vector<16xi32>], vector<16xf32>,
        %gather3A_644 = tpu.vector_load_idx %arg6[%add3A_367, %add3A_637] : memref<1024x32xf32, #tpu.memory_space<vmem>>[vector<16xi32>, vector<16xi32>], vector<16xf32>,
        tpu.vector_store_idx %arg7[%add3A_641, %add3A_346], %gather3A_644 : memref<64x128xf32, #tpu.memory_space<vmem>>[vector<16xi32>, vector<16xi32>], vector<16xf32>,
        %gather3A_645 = tpu.vector_load_idx %arg6[%add3A_369, %add3A_637] : memref<1024x32xf32, #tpu.memory_space<vmem>>[vector<16xi32>, vector<16xi32>], vector<16xf32>,
        tpu.vector_store_idx %arg7[%add3A_641, %add3A_349], %gather3A_645 : memref<64x128xf32, #tpu.memory_space<vmem>>[vector<16xi32>, vector<16xi32>], vector<16xf32>,
        %gather3A_646 = tpu.vector_load_idx %arg6[%add3A_371, %add3A_637] : memref<1024x32xf32, #tpu.memory_space<vmem>>[vector<16xi32>, vector<16xi32>], vector<16xf32>,
        tpu.vector_store_idx %arg7[%add3A_641, %add3A_352], %gather3A_646 : memref<64x128xf32, #tpu.memory_space<vmem>>[vector<16xi32>, vector<16xi32>], vector<16xf32>,
        %gather3A_647 = tpu.vector_load_idx %arg6[%add3A_373, %add3A_637] : memref<1024x32xf32, #tpu.memory_space<vmem>>[vector<16xi32>, vector<16xi32>], vector<16xf32>,
        tpu.vector_store_idx %arg7[%add3A_641, %add3A_355], %gather3A_647 : memref<64x128xf32, #tpu.memory_space<vmem>>[vector<16xi32>, vector<16xi32>], vector<16xf32>,
        %gather3A_648 = tpu.vector_load_idx %arg6[%add3A_375, %add3A_637] : memref<1024x32xf32, #tpu.memory_space<vmem>>[vector<16xi32>, vector<16xi32>], vector<16xf32>,
        tpu.vector_store_idx %arg7[%add3A_641, %add3A_358], %gather3A_648 : memref<64x128xf32, #tpu.memory_space<vmem>>[vector<16xi32>, vector<16xi32>], vector<16xf32>,
        %gather3A_649 = tpu.vector_load_idx %arg6[%add3A_377, %add3A_637] : memref<1024x32xf32, #tpu.memory_space<vmem>>[vector<16xi32>, vector<16xi32>], vector<16xf32>,
        tpu.vector_store_idx %arg7[%add3A_641, %add3A_361], %gather3A_649 : memref<64x128xf32, #tpu.memory_space<vmem>>[vector<16xi32>, vector<16xi32>], vector<16xf32>,
        %add3A_650 = arith.constant 13 : i32
        %add3A_651 = vector.broadcast %add3A_650 : i32 to vector<16xi32>
        %add3A_652 = arith.addi %iota3A, %add3A_651 : vector<16xi32>
        %and3A_653 = arith.constant 15 : i32
        %and3A_654 = vector.broadcast %and3A_653 : i32 to vector<16xi32>
        %and3A_655 = arith.andi %add3A_652, %and3A_654 : vector<16xi32>
        %add3A_656 = arith.constant 0 : i32
        %add3A_657 = vector.broadcast %add3A_656 : i32 to vector<16xi32>
        %add3A_658 = arith.addi %and3A_655, %add3A_657 : vector<16xi32>
        %add3A_659 = arith.constant 0 : i32
        %add3A_660 = arith.addi %mul3A_337, %add3A_659 : i32
        %add3A_661 = vector.broadcast %add3A_660 : i32 to vector<16xi32>
        %add3A_662 = arith.addi %and3A_655, %add3A_661 : vector<16xi32>
        %gather3A_663 = tpu.vector_load_idx %arg6[%add3A_363, %add3A_658] : memref<1024x32xf32, #tpu.memory_space<vmem>>[vector<16xi32>, vector<16xi32>], vector<16xf32>,
        tpu.vector_store_idx %arg7[%add3A_662, %add3A_340], %gather3A_663 : memref<64x128xf32, #tpu.memory_space<vmem>>[vector<16xi32>, vector<16xi32>], vector<16xf32>,
        %gather3A_664 = tpu.vector_load_idx %arg6[%add3A_365, %add3A_658] : memref<1024x32xf32, #tpu.memory_space<vmem>>[vector<16xi32>, vector<16xi32>], vector<16xf32>,
        tpu.vector_store_idx %arg7[%add3A_662, %add3A_343], %gather3A_664 : memref<64x128xf32, #tpu.memory_space<vmem>>[vector<16xi32>, vector<16xi32>], vector<16xf32>,
        %gather3A_665 = tpu.vector_load_idx %arg6[%add3A_367, %add3A_658] : memref<1024x32xf32, #tpu.memory_space<vmem>>[vector<16xi32>, vector<16xi32>], vector<16xf32>,
        tpu.vector_store_idx %arg7[%add3A_662, %add3A_346], %gather3A_665 : memref<64x128xf32, #tpu.memory_space<vmem>>[vector<16xi32>, vector<16xi32>], vector<16xf32>,
        %gather3A_666 = tpu.vector_load_idx %arg6[%add3A_369, %add3A_658] : memref<1024x32xf32, #tpu.memory_space<vmem>>[vector<16xi32>, vector<16xi32>], vector<16xf32>,
        tpu.vector_store_idx %arg7[%add3A_662, %add3A_349], %gather3A_666 : memref<64x128xf32, #tpu.memory_space<vmem>>[vector<16xi32>, vector<16xi32>], vector<16xf32>,
        %gather3A_667 = tpu.vector_load_idx %arg6[%add3A_371, %add3A_658] : memref<1024x32xf32, #tpu.memory_space<vmem>>[vector<16xi32>, vector<16xi32>], vector<16xf32>,
        tpu.vector_store_idx %arg7[%add3A_662, %add3A_352], %gather3A_667 : memref<64x128xf32, #tpu.memory_space<vmem>>[vector<16xi32>, vector<16xi32>], vector<16xf32>,
        %gather3A_668 = tpu.vector_load_idx %arg6[%add3A_373, %add3A_658] : memref<1024x32xf32, #tpu.memory_space<vmem>>[vector<16xi32>, vector<16xi32>], vector<16xf32>,
        tpu.vector_store_idx %arg7[%add3A_662, %add3A_355], %gather3A_668 : memref<64x128xf32, #tpu.memory_space<vmem>>[vector<16xi32>, vector<16xi32>], vector<16xf32>,
        %gather3A_669 = tpu.vector_load_idx %arg6[%add3A_375, %add3A_658] : memref<1024x32xf32, #tpu.memory_space<vmem>>[vector<16xi32>, vector<16xi32>], vector<16xf32>,
        tpu.vector_store_idx %arg7[%add3A_662, %add3A_358], %gather3A_669 : memref<64x128xf32, #tpu.memory_space<vmem>>[vector<16xi32>, vector<16xi32>], vector<16xf32>,
        %gather3A_670 = tpu.vector_load_idx %arg6[%add3A_377, %add3A_658] : memref<1024x32xf32, #tpu.memory_space<vmem>>[vector<16xi32>, vector<16xi32>], vector<16xf32>,
        tpu.vector_store_idx %arg7[%add3A_662, %add3A_361], %gather3A_670 : memref<64x128xf32, #tpu.memory_space<vmem>>[vector<16xi32>, vector<16xi32>], vector<16xf32>,
        %add3A_671 = arith.constant 14 : i32
        %add3A_672 = vector.broadcast %add3A_671 : i32 to vector<16xi32>
        %add3A_673 = arith.addi %iota3A, %add3A_672 : vector<16xi32>
        %and3A_674 = arith.constant 15 : i32
        %and3A_675 = vector.broadcast %and3A_674 : i32 to vector<16xi32>
        %and3A_676 = arith.andi %add3A_673, %and3A_675 : vector<16xi32>
        %add3A_677 = arith.constant 0 : i32
        %add3A_678 = vector.broadcast %add3A_677 : i32 to vector<16xi32>
        %add3A_679 = arith.addi %and3A_676, %add3A_678 : vector<16xi32>
        %add3A_680 = arith.constant 0 : i32
        %add3A_681 = arith.addi %mul3A_337, %add3A_680 : i32
        %add3A_682 = vector.broadcast %add3A_681 : i32 to vector<16xi32>
        %add3A_683 = arith.addi %and3A_676, %add3A_682 : vector<16xi32>
        %gather3A_684 = tpu.vector_load_idx %arg6[%add3A_363, %add3A_679] : memref<1024x32xf32, #tpu.memory_space<vmem>>[vector<16xi32>, vector<16xi32>], vector<16xf32>,
        tpu.vector_store_idx %arg7[%add3A_683, %add3A_340], %gather3A_684 : memref<64x128xf32, #tpu.memory_space<vmem>>[vector<16xi32>, vector<16xi32>], vector<16xf32>,
        %gather3A_685 = tpu.vector_load_idx %arg6[%add3A_365, %add3A_679] : memref<1024x32xf32, #tpu.memory_space<vmem>>[vector<16xi32>, vector<16xi32>], vector<16xf32>,
        tpu.vector_store_idx %arg7[%add3A_683, %add3A_343], %gather3A_685 : memref<64x128xf32, #tpu.memory_space<vmem>>[vector<16xi32>, vector<16xi32>], vector<16xf32>,
        %gather3A_686 = tpu.vector_load_idx %arg6[%add3A_367, %add3A_679] : memref<1024x32xf32, #tpu.memory_space<vmem>>[vector<16xi32>, vector<16xi32>], vector<16xf32>,
        tpu.vector_store_idx %arg7[%add3A_683, %add3A_346], %gather3A_686 : memref<64x128xf32, #tpu.memory_space<vmem>>[vector<16xi32>, vector<16xi32>], vector<16xf32>,
        %gather3A_687 = tpu.vector_load_idx %arg6[%add3A_369, %add3A_679] : memref<1024x32xf32, #tpu.memory_space<vmem>>[vector<16xi32>, vector<16xi32>], vector<16xf32>,
        tpu.vector_store_idx %arg7[%add3A_683, %add3A_349], %gather3A_687 : memref<64x128xf32, #tpu.memory_space<vmem>>[vector<16xi32>, vector<16xi32>], vector<16xf32>,
        %gather3A_688 = tpu.vector_load_idx %arg6[%add3A_371, %add3A_679] : memref<1024x32xf32, #tpu.memory_space<vmem>>[vector<16xi32>, vector<16xi32>], vector<16xf32>,
        tpu.vector_store_idx %arg7[%add3A_683, %add3A_352], %gather3A_688 : memref<64x128xf32, #tpu.memory_space<vmem>>[vector<16xi32>, vector<16xi32>], vector<16xf32>,
        %gather3A_689 = tpu.vector_load_idx %arg6[%add3A_373, %add3A_679] : memref<1024x32xf32, #tpu.memory_space<vmem>>[vector<16xi32>, vector<16xi32>], vector<16xf32>,
        tpu.vector_store_idx %arg7[%add3A_683, %add3A_355], %gather3A_689 : memref<64x128xf32, #tpu.memory_space<vmem>>[vector<16xi32>, vector<16xi32>], vector<16xf32>,
        %gather3A_690 = tpu.vector_load_idx %arg6[%add3A_375, %add3A_679] : memref<1024x32xf32, #tpu.memory_space<vmem>>[vector<16xi32>, vector<16xi32>], vector<16xf32>,
        tpu.vector_store_idx %arg7[%add3A_683, %add3A_358], %gather3A_690 : memref<64x128xf32, #tpu.memory_space<vmem>>[vector<16xi32>, vector<16xi32>], vector<16xf32>,
        %gather3A_691 = tpu.vector_load_idx %arg6[%add3A_377, %add3A_679] : memref<1024x32xf32, #tpu.memory_space<vmem>>[vector<16xi32>, vector<16xi32>], vector<16xf32>,
        tpu.vector_store_idx %arg7[%add3A_683, %add3A_361], %gather3A_691 : memref<64x128xf32, #tpu.memory_space<vmem>>[vector<16xi32>, vector<16xi32>], vector<16xf32>,
        %add3A_692 = arith.constant 15 : i32
        %add3A_693 = vector.broadcast %add3A_692 : i32 to vector<16xi32>
        %add3A_694 = arith.addi %iota3A, %add3A_693 : vector<16xi32>
        %and3A_695 = arith.constant 15 : i32
        %and3A_696 = vector.broadcast %and3A_695 : i32 to vector<16xi32>
        %and3A_697 = arith.andi %add3A_694, %and3A_696 : vector<16xi32>
        %add3A_698 = arith.constant 0 : i32
        %add3A_699 = vector.broadcast %add3A_698 : i32 to vector<16xi32>
        %add3A_700 = arith.addi %and3A_697, %add3A_699 : vector<16xi32>
        %add3A_701 = arith.constant 0 : i32
        %add3A_702 = arith.addi %mul3A_337, %add3A_701 : i32
        %add3A_703 = vector.broadcast %add3A_702 : i32 to vector<16xi32>
        %add3A_704 = arith.addi %and3A_697, %add3A_703 : vector<16xi32>
        %gather3A_705 = tpu.vector_load_idx %arg6[%add3A_363, %add3A_700] : memref<1024x32xf32, #tpu.memory_space<vmem>>[vector<16xi32>, vector<16xi32>], vector<16xf32>,
        tpu.vector_store_idx %arg7[%add3A_704, %add3A_340], %gather3A_705 : memref<64x128xf32, #tpu.memory_space<vmem>>[vector<16xi32>, vector<16xi32>], vector<16xf32>,
        %gather3A_706 = tpu.vector_load_idx %arg6[%add3A_365, %add3A_700] : memref<1024x32xf32, #tpu.memory_space<vmem>>[vector<16xi32>, vector<16xi32>], vector<16xf32>,
        tpu.vector_store_idx %arg7[%add3A_704, %add3A_343], %gather3A_706 : memref<64x128xf32, #tpu.memory_space<vmem>>[vector<16xi32>, vector<16xi32>], vector<16xf32>,
        %gather3A_707 = tpu.vector_load_idx %arg6[%add3A_367, %add3A_700] : memref<1024x32xf32, #tpu.memory_space<vmem>>[vector<16xi32>, vector<16xi32>], vector<16xf32>,
        tpu.vector_store_idx %arg7[%add3A_704, %add3A_346], %gather3A_707 : memref<64x128xf32, #tpu.memory_space<vmem>>[vector<16xi32>, vector<16xi32>], vector<16xf32>,
        %gather3A_708 = tpu.vector_load_idx %arg6[%add3A_369, %add3A_700] : memref<1024x32xf32, #tpu.memory_space<vmem>>[vector<16xi32>, vector<16xi32>], vector<16xf32>,
        tpu.vector_store_idx %arg7[%add3A_704, %add3A_349], %gather3A_708 : memref<64x128xf32, #tpu.memory_space<vmem>>[vector<16xi32>, vector<16xi32>], vector<16xf32>,
        %gather3A_709 = tpu.vector_load_idx %arg6[%add3A_371, %add3A_700] : memref<1024x32xf32, #tpu.memory_space<vmem>>[vector<16xi32>, vector<16xi32>], vector<16xf32>,
        tpu.vector_store_idx %arg7[%add3A_704, %add3A_352], %gather3A_709 : memref<64x128xf32, #tpu.memory_space<vmem>>[vector<16xi32>, vector<16xi32>], vector<16xf32>,
        %gather3A_710 = tpu.vector_load_idx %arg6[%add3A_373, %add3A_700] : memref<1024x32xf32, #tpu.memory_space<vmem>>[vector<16xi32>, vector<16xi32>], vector<16xf32>,
        tpu.vector_store_idx %arg7[%add3A_704, %add3A_355], %gather3A_710 : memref<64x128xf32, #tpu.memory_space<vmem>>[vector<16xi32>, vector<16xi32>], vector<16xf32>,
        %gather3A_711 = tpu.vector_load_idx %arg6[%add3A_375, %add3A_700] : memref<1024x32xf32, #tpu.memory_space<vmem>>[vector<16xi32>, vector<16xi32>], vector<16xf32>,
        tpu.vector_store_idx %arg7[%add3A_704, %add3A_358], %gather3A_711 : memref<64x128xf32, #tpu.memory_space<vmem>>[vector<16xi32>, vector<16xi32>], vector<16xf32>,
        %gather3A_712 = tpu.vector_load_idx %arg6[%add3A_377, %add3A_700] : memref<1024x32xf32, #tpu.memory_space<vmem>>[vector<16xi32>, vector<16xi32>], vector<16xf32>,
        tpu.vector_store_idx %arg7[%add3A_704, %add3A_361], %gather3A_712 : memref<64x128xf32, #tpu.memory_space<vmem>>[vector<16xi32>, vector<16xi32>], vector<16xf32>,
        %add3A_713 = arith.constant 0 : i32
        %add3A_714 = vector.broadcast %add3A_713 : i32 to vector<16xi32>
        %add3A_715 = arith.addi %iota3A, %add3A_714 : vector<16xi32>
        %and3A_716 = arith.constant 15 : i32
        %and3A_717 = vector.broadcast %and3A_716 : i32 to vector<16xi32>
        %and3A_718 = arith.andi %add3A_715, %and3A_717 : vector<16xi32>
        %add3A_719 = arith.constant 16 : i32
        %add3A_720 = vector.broadcast %add3A_719 : i32 to vector<16xi32>
        %add3A_721 = arith.addi %and3A_718, %add3A_720 : vector<16xi32>
        %add3A_722 = arith.constant 16 : i32
        %add3A_723 = arith.addi %mul3A_337, %add3A_722 : i32
        %add3A_724 = vector.broadcast %add3A_723 : i32 to vector<16xi32>
        %add3A_725 = arith.addi %and3A_718, %add3A_724 : vector<16xi32>
        %gather3A_726 = tpu.vector_load_idx %arg6[%add3A_363, %add3A_721] : memref<1024x32xf32, #tpu.memory_space<vmem>>[vector<16xi32>, vector<16xi32>], vector<16xf32>,
        tpu.vector_store_idx %arg7[%add3A_725, %add3A_340], %gather3A_726 : memref<64x128xf32, #tpu.memory_space<vmem>>[vector<16xi32>, vector<16xi32>], vector<16xf32>,
        %gather3A_727 = tpu.vector_load_idx %arg6[%add3A_365, %add3A_721] : memref<1024x32xf32, #tpu.memory_space<vmem>>[vector<16xi32>, vector<16xi32>], vector<16xf32>,
        tpu.vector_store_idx %arg7[%add3A_725, %add3A_343], %gather3A_727 : memref<64x128xf32, #tpu.memory_space<vmem>>[vector<16xi32>, vector<16xi32>], vector<16xf32>,
        %gather3A_728 = tpu.vector_load_idx %arg6[%add3A_367, %add3A_721] : memref<1024x32xf32, #tpu.memory_space<vmem>>[vector<16xi32>, vector<16xi32>], vector<16xf32>,
        tpu.vector_store_idx %arg7[%add3A_725, %add3A_346], %gather3A_728 : memref<64x128xf32, #tpu.memory_space<vmem>>[vector<16xi32>, vector<16xi32>], vector<16xf32>,
        %gather3A_729 = tpu.vector_load_idx %arg6[%add3A_369, %add3A_721] : memref<1024x32xf32, #tpu.memory_space<vmem>>[vector<16xi32>, vector<16xi32>], vector<16xf32>,
        tpu.vector_store_idx %arg7[%add3A_725, %add3A_349], %gather3A_729 : memref<64x128xf32, #tpu.memory_space<vmem>>[vector<16xi32>, vector<16xi32>], vector<16xf32>,
        %gather3A_730 = tpu.vector_load_idx %arg6[%add3A_371, %add3A_721] : memref<1024x32xf32, #tpu.memory_space<vmem>>[vector<16xi32>, vector<16xi32>], vector<16xf32>,
        tpu.vector_store_idx %arg7[%add3A_725, %add3A_352], %gather3A_730 : memref<64x128xf32, #tpu.memory_space<vmem>>[vector<16xi32>, vector<16xi32>], vector<16xf32>,
        %gather3A_731 = tpu.vector_load_idx %arg6[%add3A_373, %add3A_721] : memref<1024x32xf32, #tpu.memory_space<vmem>>[vector<16xi32>, vector<16xi32>], vector<16xf32>,
        tpu.vector_store_idx %arg7[%add3A_725, %add3A_355], %gather3A_731 : memref<64x128xf32, #tpu.memory_space<vmem>>[vector<16xi32>, vector<16xi32>], vector<16xf32>,
        %gather3A_732 = tpu.vector_load_idx %arg6[%add3A_375, %add3A_721] : memref<1024x32xf32, #tpu.memory_space<vmem>>[vector<16xi32>, vector<16xi32>], vector<16xf32>,
        tpu.vector_store_idx %arg7[%add3A_725, %add3A_358], %gather3A_732 : memref<64x128xf32, #tpu.memory_space<vmem>>[vector<16xi32>, vector<16xi32>], vector<16xf32>,
        %gather3A_733 = tpu.vector_load_idx %arg6[%add3A_377, %add3A_721] : memref<1024x32xf32, #tpu.memory_space<vmem>>[vector<16xi32>, vector<16xi32>], vector<16xf32>,
        tpu.vector_store_idx %arg7[%add3A_725, %add3A_361], %gather3A_733 : memref<64x128xf32, #tpu.memory_space<vmem>>[vector<16xi32>, vector<16xi32>], vector<16xf32>,
        %add3A_734 = arith.constant 1 : i32
        %add3A_735 = vector.broadcast %add3A_734 : i32 to vector<16xi32>
        %add3A_736 = arith.addi %iota3A, %add3A_735 : vector<16xi32>
        %and3A_737 = arith.constant 15 : i32
        %and3A_738 = vector.broadcast %and3A_737 : i32 to vector<16xi32>
        %and3A_739 = arith.andi %add3A_736, %and3A_738 : vector<16xi32>
        %add3A_740 = arith.constant 16 : i32
        %add3A_741 = vector.broadcast %add3A_740 : i32 to vector<16xi32>
        %add3A_742 = arith.addi %and3A_739, %add3A_741 : vector<16xi32>
        %add3A_743 = arith.constant 16 : i32
        %add3A_744 = arith.addi %mul3A_337, %add3A_743 : i32
        %add3A_745 = vector.broadcast %add3A_744 : i32 to vector<16xi32>
        %add3A_746 = arith.addi %and3A_739, %add3A_745 : vector<16xi32>
        %gather3A_747 = tpu.vector_load_idx %arg6[%add3A_363, %add3A_742] : memref<1024x32xf32, #tpu.memory_space<vmem>>[vector<16xi32>, vector<16xi32>], vector<16xf32>,
        tpu.vector_store_idx %arg7[%add3A_746, %add3A_340], %gather3A_747 : memref<64x128xf32, #tpu.memory_space<vmem>>[vector<16xi32>, vector<16xi32>], vector<16xf32>,
        %gather3A_748 = tpu.vector_load_idx %arg6[%add3A_365, %add3A_742] : memref<1024x32xf32, #tpu.memory_space<vmem>>[vector<16xi32>, vector<16xi32>], vector<16xf32>,
        tpu.vector_store_idx %arg7[%add3A_746, %add3A_343], %gather3A_748 : memref<64x128xf32, #tpu.memory_space<vmem>>[vector<16xi32>, vector<16xi32>], vector<16xf32>,
        %gather3A_749 = tpu.vector_load_idx %arg6[%add3A_367, %add3A_742] : memref<1024x32xf32, #tpu.memory_space<vmem>>[vector<16xi32>, vector<16xi32>], vector<16xf32>,
        tpu.vector_store_idx %arg7[%add3A_746, %add3A_346], %gather3A_749 : memref<64x128xf32, #tpu.memory_space<vmem>>[vector<16xi32>, vector<16xi32>], vector<16xf32>,
        %gather3A_750 = tpu.vector_load_idx %arg6[%add3A_369, %add3A_742] : memref<1024x32xf32, #tpu.memory_space<vmem>>[vector<16xi32>, vector<16xi32>], vector<16xf32>,
        tpu.vector_store_idx %arg7[%add3A_746, %add3A_349], %gather3A_750 : memref<64x128xf32, #tpu.memory_space<vmem>>[vector<16xi32>, vector<16xi32>], vector<16xf32>,
        %gather3A_751 = tpu.vector_load_idx %arg6[%add3A_371, %add3A_742] : memref<1024x32xf32, #tpu.memory_space<vmem>>[vector<16xi32>, vector<16xi32>], vector<16xf32>,
        tpu.vector_store_idx %arg7[%add3A_746, %add3A_352], %gather3A_751 : memref<64x128xf32, #tpu.memory_space<vmem>>[vector<16xi32>, vector<16xi32>], vector<16xf32>,
        %gather3A_752 = tpu.vector_load_idx %arg6[%add3A_373, %add3A_742] : memref<1024x32xf32, #tpu.memory_space<vmem>>[vector<16xi32>, vector<16xi32>], vector<16xf32>,
        tpu.vector_store_idx %arg7[%add3A_746, %add3A_355], %gather3A_752 : memref<64x128xf32, #tpu.memory_space<vmem>>[vector<16xi32>, vector<16xi32>], vector<16xf32>,
        %gather3A_753 = tpu.vector_load_idx %arg6[%add3A_375, %add3A_742] : memref<1024x32xf32, #tpu.memory_space<vmem>>[vector<16xi32>, vector<16xi32>], vector<16xf32>,
        tpu.vector_store_idx %arg7[%add3A_746, %add3A_358], %gather3A_753 : memref<64x128xf32, #tpu.memory_space<vmem>>[vector<16xi32>, vector<16xi32>], vector<16xf32>,
        %gather3A_754 = tpu.vector_load_idx %arg6[%add3A_377, %add3A_742] : memref<1024x32xf32, #tpu.memory_space<vmem>>[vector<16xi32>, vector<16xi32>], vector<16xf32>,
        tpu.vector_store_idx %arg7[%add3A_746, %add3A_361], %gather3A_754 : memref<64x128xf32, #tpu.memory_space<vmem>>[vector<16xi32>, vector<16xi32>], vector<16xf32>,
        %add3A_755 = arith.constant 2 : i32
        %add3A_756 = vector.broadcast %add3A_755 : i32 to vector<16xi32>
        %add3A_757 = arith.addi %iota3A, %add3A_756 : vector<16xi32>
        %and3A_758 = arith.constant 15 : i32
        %and3A_759 = vector.broadcast %and3A_758 : i32 to vector<16xi32>
        %and3A_760 = arith.andi %add3A_757, %and3A_759 : vector<16xi32>
        %add3A_761 = arith.constant 16 : i32
        %add3A_762 = vector.broadcast %add3A_761 : i32 to vector<16xi32>
        %add3A_763 = arith.addi %and3A_760, %add3A_762 : vector<16xi32>
        %add3A_764 = arith.constant 16 : i32
        %add3A_765 = arith.addi %mul3A_337, %add3A_764 : i32
        %add3A_766 = vector.broadcast %add3A_765 : i32 to vector<16xi32>
        %add3A_767 = arith.addi %and3A_760, %add3A_766 : vector<16xi32>
        %gather3A_768 = tpu.vector_load_idx %arg6[%add3A_363, %add3A_763] : memref<1024x32xf32, #tpu.memory_space<vmem>>[vector<16xi32>, vector<16xi32>], vector<16xf32>,
        tpu.vector_store_idx %arg7[%add3A_767, %add3A_340], %gather3A_768 : memref<64x128xf32, #tpu.memory_space<vmem>>[vector<16xi32>, vector<16xi32>], vector<16xf32>,
        %gather3A_769 = tpu.vector_load_idx %arg6[%add3A_365, %add3A_763] : memref<1024x32xf32, #tpu.memory_space<vmem>>[vector<16xi32>, vector<16xi32>], vector<16xf32>,
        tpu.vector_store_idx %arg7[%add3A_767, %add3A_343], %gather3A_769 : memref<64x128xf32, #tpu.memory_space<vmem>>[vector<16xi32>, vector<16xi32>], vector<16xf32>,
        %gather3A_770 = tpu.vector_load_idx %arg6[%add3A_367, %add3A_763] : memref<1024x32xf32, #tpu.memory_space<vmem>>[vector<16xi32>, vector<16xi32>], vector<16xf32>,
        tpu.vector_store_idx %arg7[%add3A_767, %add3A_346], %gather3A_770 : memref<64x128xf32, #tpu.memory_space<vmem>>[vector<16xi32>, vector<16xi32>], vector<16xf32>,
        %gather3A_771 = tpu.vector_load_idx %arg6[%add3A_369, %add3A_763] : memref<1024x32xf32, #tpu.memory_space<vmem>>[vector<16xi32>, vector<16xi32>], vector<16xf32>,
        tpu.vector_store_idx %arg7[%add3A_767, %add3A_349], %gather3A_771 : memref<64x128xf32, #tpu.memory_space<vmem>>[vector<16xi32>, vector<16xi32>], vector<16xf32>,
        %gather3A_772 = tpu.vector_load_idx %arg6[%add3A_371, %add3A_763] : memref<1024x32xf32, #tpu.memory_space<vmem>>[vector<16xi32>, vector<16xi32>], vector<16xf32>,
        tpu.vector_store_idx %arg7[%add3A_767, %add3A_352], %gather3A_772 : memref<64x128xf32, #tpu.memory_space<vmem>>[vector<16xi32>, vector<16xi32>], vector<16xf32>,
        %gather3A_773 = tpu.vector_load_idx %arg6[%add3A_373, %add3A_763] : memref<1024x32xf32, #tpu.memory_space<vmem>>[vector<16xi32>, vector<16xi32>], vector<16xf32>,
        tpu.vector_store_idx %arg7[%add3A_767, %add3A_355], %gather3A_773 : memref<64x128xf32, #tpu.memory_space<vmem>>[vector<16xi32>, vector<16xi32>], vector<16xf32>,
        %gather3A_774 = tpu.vector_load_idx %arg6[%add3A_375, %add3A_763] : memref<1024x32xf32, #tpu.memory_space<vmem>>[vector<16xi32>, vector<16xi32>], vector<16xf32>,
        tpu.vector_store_idx %arg7[%add3A_767, %add3A_358], %gather3A_774 : memref<64x128xf32, #tpu.memory_space<vmem>>[vector<16xi32>, vector<16xi32>], vector<16xf32>,
        %gather3A_775 = tpu.vector_load_idx %arg6[%add3A_377, %add3A_763] : memref<1024x32xf32, #tpu.memory_space<vmem>>[vector<16xi32>, vector<16xi32>], vector<16xf32>,
        tpu.vector_store_idx %arg7[%add3A_767, %add3A_361], %gather3A_775 : memref<64x128xf32, #tpu.memory_space<vmem>>[vector<16xi32>, vector<16xi32>], vector<16xf32>,
        %add3A_776 = arith.constant 3 : i32
        %add3A_777 = vector.broadcast %add3A_776 : i32 to vector<16xi32>
        %add3A_778 = arith.addi %iota3A, %add3A_777 : vector<16xi32>
        %and3A_779 = arith.constant 15 : i32
        %and3A_780 = vector.broadcast %and3A_779 : i32 to vector<16xi32>
        %and3A_781 = arith.andi %add3A_778, %and3A_780 : vector<16xi32>
        %add3A_782 = arith.constant 16 : i32
        %add3A_783 = vector.broadcast %add3A_782 : i32 to vector<16xi32>
        %add3A_784 = arith.addi %and3A_781, %add3A_783 : vector<16xi32>
        %add3A_785 = arith.constant 16 : i32
        %add3A_786 = arith.addi %mul3A_337, %add3A_785 : i32
        %add3A_787 = vector.broadcast %add3A_786 : i32 to vector<16xi32>
        %add3A_788 = arith.addi %and3A_781, %add3A_787 : vector<16xi32>
        %gather3A_789 = tpu.vector_load_idx %arg6[%add3A_363, %add3A_784] : memref<1024x32xf32, #tpu.memory_space<vmem>>[vector<16xi32>, vector<16xi32>], vector<16xf32>,
        tpu.vector_store_idx %arg7[%add3A_788, %add3A_340], %gather3A_789 : memref<64x128xf32, #tpu.memory_space<vmem>>[vector<16xi32>, vector<16xi32>], vector<16xf32>,
        %gather3A_790 = tpu.vector_load_idx %arg6[%add3A_365, %add3A_784] : memref<1024x32xf32, #tpu.memory_space<vmem>>[vector<16xi32>, vector<16xi32>], vector<16xf32>,
        tpu.vector_store_idx %arg7[%add3A_788, %add3A_343], %gather3A_790 : memref<64x128xf32, #tpu.memory_space<vmem>>[vector<16xi32>, vector<16xi32>], vector<16xf32>,
        %gather3A_791 = tpu.vector_load_idx %arg6[%add3A_367, %add3A_784] : memref<1024x32xf32, #tpu.memory_space<vmem>>[vector<16xi32>, vector<16xi32>], vector<16xf32>,
        tpu.vector_store_idx %arg7[%add3A_788, %add3A_346], %gather3A_791 : memref<64x128xf32, #tpu.memory_space<vmem>>[vector<16xi32>, vector<16xi32>], vector<16xf32>,
        %gather3A_792 = tpu.vector_load_idx %arg6[%add3A_369, %add3A_784] : memref<1024x32xf32, #tpu.memory_space<vmem>>[vector<16xi32>, vector<16xi32>], vector<16xf32>,
        tpu.vector_store_idx %arg7[%add3A_788, %add3A_349], %gather3A_792 : memref<64x128xf32, #tpu.memory_space<vmem>>[vector<16xi32>, vector<16xi32>], vector<16xf32>,
        %gather3A_793 = tpu.vector_load_idx %arg6[%add3A_371, %add3A_784] : memref<1024x32xf32, #tpu.memory_space<vmem>>[vector<16xi32>, vector<16xi32>], vector<16xf32>,
        tpu.vector_store_idx %arg7[%add3A_788, %add3A_352], %gather3A_793 : memref<64x128xf32, #tpu.memory_space<vmem>>[vector<16xi32>, vector<16xi32>], vector<16xf32>,
        %gather3A_794 = tpu.vector_load_idx %arg6[%add3A_373, %add3A_784] : memref<1024x32xf32, #tpu.memory_space<vmem>>[vector<16xi32>, vector<16xi32>], vector<16xf32>,
        tpu.vector_store_idx %arg7[%add3A_788, %add3A_355], %gather3A_794 : memref<64x128xf32, #tpu.memory_space<vmem>>[vector<16xi32>, vector<16xi32>], vector<16xf32>,
        %gather3A_795 = tpu.vector_load_idx %arg6[%add3A_375, %add3A_784] : memref<1024x32xf32, #tpu.memory_space<vmem>>[vector<16xi32>, vector<16xi32>], vector<16xf32>,
        tpu.vector_store_idx %arg7[%add3A_788, %add3A_358], %gather3A_795 : memref<64x128xf32, #tpu.memory_space<vmem>>[vector<16xi32>, vector<16xi32>], vector<16xf32>,
        %gather3A_796 = tpu.vector_load_idx %arg6[%add3A_377, %add3A_784] : memref<1024x32xf32, #tpu.memory_space<vmem>>[vector<16xi32>, vector<16xi32>], vector<16xf32>,
        tpu.vector_store_idx %arg7[%add3A_788, %add3A_361], %gather3A_796 : memref<64x128xf32, #tpu.memory_space<vmem>>[vector<16xi32>, vector<16xi32>], vector<16xf32>,
        %add3A_797 = arith.constant 4 : i32
        %add3A_798 = vector.broadcast %add3A_797 : i32 to vector<16xi32>
        %add3A_799 = arith.addi %iota3A, %add3A_798 : vector<16xi32>
        %and3A_800 = arith.constant 15 : i32
        %and3A_801 = vector.broadcast %and3A_800 : i32 to vector<16xi32>
        %and3A_802 = arith.andi %add3A_799, %and3A_801 : vector<16xi32>
        %add3A_803 = arith.constant 16 : i32
        %add3A_804 = vector.broadcast %add3A_803 : i32 to vector<16xi32>
        %add3A_805 = arith.addi %and3A_802, %add3A_804 : vector<16xi32>
        %add3A_806 = arith.constant 16 : i32
        %add3A_807 = arith.addi %mul3A_337, %add3A_806 : i32
        %add3A_808 = vector.broadcast %add3A_807 : i32 to vector<16xi32>
        %add3A_809 = arith.addi %and3A_802, %add3A_808 : vector<16xi32>
        %gather3A_810 = tpu.vector_load_idx %arg6[%add3A_363, %add3A_805] : memref<1024x32xf32, #tpu.memory_space<vmem>>[vector<16xi32>, vector<16xi32>], vector<16xf32>,
        tpu.vector_store_idx %arg7[%add3A_809, %add3A_340], %gather3A_810 : memref<64x128xf32, #tpu.memory_space<vmem>>[vector<16xi32>, vector<16xi32>], vector<16xf32>,
        %gather3A_811 = tpu.vector_load_idx %arg6[%add3A_365, %add3A_805] : memref<1024x32xf32, #tpu.memory_space<vmem>>[vector<16xi32>, vector<16xi32>], vector<16xf32>,
        tpu.vector_store_idx %arg7[%add3A_809, %add3A_343], %gather3A_811 : memref<64x128xf32, #tpu.memory_space<vmem>>[vector<16xi32>, vector<16xi32>], vector<16xf32>,
        %gather3A_812 = tpu.vector_load_idx %arg6[%add3A_367, %add3A_805] : memref<1024x32xf32, #tpu.memory_space<vmem>>[vector<16xi32>, vector<16xi32>], vector<16xf32>,
        tpu.vector_store_idx %arg7[%add3A_809, %add3A_346], %gather3A_812 : memref<64x128xf32, #tpu.memory_space<vmem>>[vector<16xi32>, vector<16xi32>], vector<16xf32>,
        %gather3A_813 = tpu.vector_load_idx %arg6[%add3A_369, %add3A_805] : memref<1024x32xf32, #tpu.memory_space<vmem>>[vector<16xi32>, vector<16xi32>], vector<16xf32>,
        tpu.vector_store_idx %arg7[%add3A_809, %add3A_349], %gather3A_813 : memref<64x128xf32, #tpu.memory_space<vmem>>[vector<16xi32>, vector<16xi32>], vector<16xf32>,
        %gather3A_814 = tpu.vector_load_idx %arg6[%add3A_371, %add3A_805] : memref<1024x32xf32, #tpu.memory_space<vmem>>[vector<16xi32>, vector<16xi32>], vector<16xf32>,
        tpu.vector_store_idx %arg7[%add3A_809, %add3A_352], %gather3A_814 : memref<64x128xf32, #tpu.memory_space<vmem>>[vector<16xi32>, vector<16xi32>], vector<16xf32>,
        %gather3A_815 = tpu.vector_load_idx %arg6[%add3A_373, %add3A_805] : memref<1024x32xf32, #tpu.memory_space<vmem>>[vector<16xi32>, vector<16xi32>], vector<16xf32>,
        tpu.vector_store_idx %arg7[%add3A_809, %add3A_355], %gather3A_815 : memref<64x128xf32, #tpu.memory_space<vmem>>[vector<16xi32>, vector<16xi32>], vector<16xf32>,
        %gather3A_816 = tpu.vector_load_idx %arg6[%add3A_375, %add3A_805] : memref<1024x32xf32, #tpu.memory_space<vmem>>[vector<16xi32>, vector<16xi32>], vector<16xf32>,
        tpu.vector_store_idx %arg7[%add3A_809, %add3A_358], %gather3A_816 : memref<64x128xf32, #tpu.memory_space<vmem>>[vector<16xi32>, vector<16xi32>], vector<16xf32>,
        %gather3A_817 = tpu.vector_load_idx %arg6[%add3A_377, %add3A_805] : memref<1024x32xf32, #tpu.memory_space<vmem>>[vector<16xi32>, vector<16xi32>], vector<16xf32>,
        tpu.vector_store_idx %arg7[%add3A_809, %add3A_361], %gather3A_817 : memref<64x128xf32, #tpu.memory_space<vmem>>[vector<16xi32>, vector<16xi32>], vector<16xf32>,
        %add3A_818 = arith.constant 5 : i32
        %add3A_819 = vector.broadcast %add3A_818 : i32 to vector<16xi32>
        %add3A_820 = arith.addi %iota3A, %add3A_819 : vector<16xi32>
        %and3A_821 = arith.constant 15 : i32
        %and3A_822 = vector.broadcast %and3A_821 : i32 to vector<16xi32>
        %and3A_823 = arith.andi %add3A_820, %and3A_822 : vector<16xi32>
        %add3A_824 = arith.constant 16 : i32
        %add3A_825 = vector.broadcast %add3A_824 : i32 to vector<16xi32>
        %add3A_826 = arith.addi %and3A_823, %add3A_825 : vector<16xi32>
        %add3A_827 = arith.constant 16 : i32
        %add3A_828 = arith.addi %mul3A_337, %add3A_827 : i32
        %add3A_829 = vector.broadcast %add3A_828 : i32 to vector<16xi32>
        %add3A_830 = arith.addi %and3A_823, %add3A_829 : vector<16xi32>
        %gather3A_831 = tpu.vector_load_idx %arg6[%add3A_363, %add3A_826] : memref<1024x32xf32, #tpu.memory_space<vmem>>[vector<16xi32>, vector<16xi32>], vector<16xf32>,
        tpu.vector_store_idx %arg7[%add3A_830, %add3A_340], %gather3A_831 : memref<64x128xf32, #tpu.memory_space<vmem>>[vector<16xi32>, vector<16xi32>], vector<16xf32>,
        %gather3A_832 = tpu.vector_load_idx %arg6[%add3A_365, %add3A_826] : memref<1024x32xf32, #tpu.memory_space<vmem>>[vector<16xi32>, vector<16xi32>], vector<16xf32>,
        tpu.vector_store_idx %arg7[%add3A_830, %add3A_343], %gather3A_832 : memref<64x128xf32, #tpu.memory_space<vmem>>[vector<16xi32>, vector<16xi32>], vector<16xf32>,
        %gather3A_833 = tpu.vector_load_idx %arg6[%add3A_367, %add3A_826] : memref<1024x32xf32, #tpu.memory_space<vmem>>[vector<16xi32>, vector<16xi32>], vector<16xf32>,
        tpu.vector_store_idx %arg7[%add3A_830, %add3A_346], %gather3A_833 : memref<64x128xf32, #tpu.memory_space<vmem>>[vector<16xi32>, vector<16xi32>], vector<16xf32>,
        %gather3A_834 = tpu.vector_load_idx %arg6[%add3A_369, %add3A_826] : memref<1024x32xf32, #tpu.memory_space<vmem>>[vector<16xi32>, vector<16xi32>], vector<16xf32>,
        tpu.vector_store_idx %arg7[%add3A_830, %add3A_349], %gather3A_834 : memref<64x128xf32, #tpu.memory_space<vmem>>[vector<16xi32>, vector<16xi32>], vector<16xf32>,
        %gather3A_835 = tpu.vector_load_idx %arg6[%add3A_371, %add3A_826] : memref<1024x32xf32, #tpu.memory_space<vmem>>[vector<16xi32>, vector<16xi32>], vector<16xf32>,
        tpu.vector_store_idx %arg7[%add3A_830, %add3A_352], %gather3A_835 : memref<64x128xf32, #tpu.memory_space<vmem>>[vector<16xi32>, vector<16xi32>], vector<16xf32>,
        %gather3A_836 = tpu.vector_load_idx %arg6[%add3A_373, %add3A_826] : memref<1024x32xf32, #tpu.memory_space<vmem>>[vector<16xi32>, vector<16xi32>], vector<16xf32>,
        tpu.vector_store_idx %arg7[%add3A_830, %add3A_355], %gather3A_836 : memref<64x128xf32, #tpu.memory_space<vmem>>[vector<16xi32>, vector<16xi32>], vector<16xf32>,
        %gather3A_837 = tpu.vector_load_idx %arg6[%add3A_375, %add3A_826] : memref<1024x32xf32, #tpu.memory_space<vmem>>[vector<16xi32>, vector<16xi32>], vector<16xf32>,
        tpu.vector_store_idx %arg7[%add3A_830, %add3A_358], %gather3A_837 : memref<64x128xf32, #tpu.memory_space<vmem>>[vector<16xi32>, vector<16xi32>], vector<16xf32>,
        %gather3A_838 = tpu.vector_load_idx %arg6[%add3A_377, %add3A_826] : memref<1024x32xf32, #tpu.memory_space<vmem>>[vector<16xi32>, vector<16xi32>], vector<16xf32>,
        tpu.vector_store_idx %arg7[%add3A_830, %add3A_361], %gather3A_838 : memref<64x128xf32, #tpu.memory_space<vmem>>[vector<16xi32>, vector<16xi32>], vector<16xf32>,
        %add3A_839 = arith.constant 6 : i32
        %add3A_840 = vector.broadcast %add3A_839 : i32 to vector<16xi32>
        %add3A_841 = arith.addi %iota3A, %add3A_840 : vector<16xi32>
        %and3A_842 = arith.constant 15 : i32
        %and3A_843 = vector.broadcast %and3A_842 : i32 to vector<16xi32>
        %and3A_844 = arith.andi %add3A_841, %and3A_843 : vector<16xi32>
        %add3A_845 = arith.constant 16 : i32
        %add3A_846 = vector.broadcast %add3A_845 : i32 to vector<16xi32>
        %add3A_847 = arith.addi %and3A_844, %add3A_846 : vector<16xi32>
        %add3A_848 = arith.constant 16 : i32
        %add3A_849 = arith.addi %mul3A_337, %add3A_848 : i32
        %add3A_850 = vector.broadcast %add3A_849 : i32 to vector<16xi32>
        %add3A_851 = arith.addi %and3A_844, %add3A_850 : vector<16xi32>
        %gather3A_852 = tpu.vector_load_idx %arg6[%add3A_363, %add3A_847] : memref<1024x32xf32, #tpu.memory_space<vmem>>[vector<16xi32>, vector<16xi32>], vector<16xf32>,
        tpu.vector_store_idx %arg7[%add3A_851, %add3A_340], %gather3A_852 : memref<64x128xf32, #tpu.memory_space<vmem>>[vector<16xi32>, vector<16xi32>], vector<16xf32>,
        %gather3A_853 = tpu.vector_load_idx %arg6[%add3A_365, %add3A_847] : memref<1024x32xf32, #tpu.memory_space<vmem>>[vector<16xi32>, vector<16xi32>], vector<16xf32>,
        tpu.vector_store_idx %arg7[%add3A_851, %add3A_343], %gather3A_853 : memref<64x128xf32, #tpu.memory_space<vmem>>[vector<16xi32>, vector<16xi32>], vector<16xf32>,
        %gather3A_854 = tpu.vector_load_idx %arg6[%add3A_367, %add3A_847] : memref<1024x32xf32, #tpu.memory_space<vmem>>[vector<16xi32>, vector<16xi32>], vector<16xf32>,
        tpu.vector_store_idx %arg7[%add3A_851, %add3A_346], %gather3A_854 : memref<64x128xf32, #tpu.memory_space<vmem>>[vector<16xi32>, vector<16xi32>], vector<16xf32>,
        %gather3A_855 = tpu.vector_load_idx %arg6[%add3A_369, %add3A_847] : memref<1024x32xf32, #tpu.memory_space<vmem>>[vector<16xi32>, vector<16xi32>], vector<16xf32>,
        tpu.vector_store_idx %arg7[%add3A_851, %add3A_349], %gather3A_855 : memref<64x128xf32, #tpu.memory_space<vmem>>[vector<16xi32>, vector<16xi32>], vector<16xf32>,
        %gather3A_856 = tpu.vector_load_idx %arg6[%add3A_371, %add3A_847] : memref<1024x32xf32, #tpu.memory_space<vmem>>[vector<16xi32>, vector<16xi32>], vector<16xf32>,
        tpu.vector_store_idx %arg7[%add3A_851, %add3A_352], %gather3A_856 : memref<64x128xf32, #tpu.memory_space<vmem>>[vector<16xi32>, vector<16xi32>], vector<16xf32>,
        %gather3A_857 = tpu.vector_load_idx %arg6[%add3A_373, %add3A_847] : memref<1024x32xf32, #tpu.memory_space<vmem>>[vector<16xi32>, vector<16xi32>], vector<16xf32>,
        tpu.vector_store_idx %arg7[%add3A_851, %add3A_355], %gather3A_857 : memref<64x128xf32, #tpu.memory_space<vmem>>[vector<16xi32>, vector<16xi32>], vector<16xf32>,
        %gather3A_858 = tpu.vector_load_idx %arg6[%add3A_375, %add3A_847] : memref<1024x32xf32, #tpu.memory_space<vmem>>[vector<16xi32>, vector<16xi32>], vector<16xf32>,
        tpu.vector_store_idx %arg7[%add3A_851, %add3A_358], %gather3A_858 : memref<64x128xf32, #tpu.memory_space<vmem>>[vector<16xi32>, vector<16xi32>], vector<16xf32>,
        %gather3A_859 = tpu.vector_load_idx %arg6[%add3A_377, %add3A_847] : memref<1024x32xf32, #tpu.memory_space<vmem>>[vector<16xi32>, vector<16xi32>], vector<16xf32>,
        tpu.vector_store_idx %arg7[%add3A_851, %add3A_361], %gather3A_859 : memref<64x128xf32, #tpu.memory_space<vmem>>[vector<16xi32>, vector<16xi32>], vector<16xf32>,
        %add3A_860 = arith.constant 7 : i32
        %add3A_861 = vector.broadcast %add3A_860 : i32 to vector<16xi32>
        %add3A_862 = arith.addi %iota3A, %add3A_861 : vector<16xi32>
        %and3A_863 = arith.constant 15 : i32
        %and3A_864 = vector.broadcast %and3A_863 : i32 to vector<16xi32>
        %and3A_865 = arith.andi %add3A_862, %and3A_864 : vector<16xi32>
        %add3A_866 = arith.constant 16 : i32
        %add3A_867 = vector.broadcast %add3A_866 : i32 to vector<16xi32>
        %add3A_868 = arith.addi %and3A_865, %add3A_867 : vector<16xi32>
        %add3A_869 = arith.constant 16 : i32
        %add3A_870 = arith.addi %mul3A_337, %add3A_869 : i32
        %add3A_871 = vector.broadcast %add3A_870 : i32 to vector<16xi32>
        %add3A_872 = arith.addi %and3A_865, %add3A_871 : vector<16xi32>
        %gather3A_873 = tpu.vector_load_idx %arg6[%add3A_363, %add3A_868] : memref<1024x32xf32, #tpu.memory_space<vmem>>[vector<16xi32>, vector<16xi32>], vector<16xf32>,
        tpu.vector_store_idx %arg7[%add3A_872, %add3A_340], %gather3A_873 : memref<64x128xf32, #tpu.memory_space<vmem>>[vector<16xi32>, vector<16xi32>], vector<16xf32>,
        %gather3A_874 = tpu.vector_load_idx %arg6[%add3A_365, %add3A_868] : memref<1024x32xf32, #tpu.memory_space<vmem>>[vector<16xi32>, vector<16xi32>], vector<16xf32>,
        tpu.vector_store_idx %arg7[%add3A_872, %add3A_343], %gather3A_874 : memref<64x128xf32, #tpu.memory_space<vmem>>[vector<16xi32>, vector<16xi32>], vector<16xf32>,
        %gather3A_875 = tpu.vector_load_idx %arg6[%add3A_367, %add3A_868] : memref<1024x32xf32, #tpu.memory_space<vmem>>[vector<16xi32>, vector<16xi32>], vector<16xf32>,
        tpu.vector_store_idx %arg7[%add3A_872, %add3A_346], %gather3A_875 : memref<64x128xf32, #tpu.memory_space<vmem>>[vector<16xi32>, vector<16xi32>], vector<16xf32>,
        %gather3A_876 = tpu.vector_load_idx %arg6[%add3A_369, %add3A_868] : memref<1024x32xf32, #tpu.memory_space<vmem>>[vector<16xi32>, vector<16xi32>], vector<16xf32>,
        tpu.vector_store_idx %arg7[%add3A_872, %add3A_349], %gather3A_876 : memref<64x128xf32, #tpu.memory_space<vmem>>[vector<16xi32>, vector<16xi32>], vector<16xf32>,
        %gather3A_877 = tpu.vector_load_idx %arg6[%add3A_371, %add3A_868] : memref<1024x32xf32, #tpu.memory_space<vmem>>[vector<16xi32>, vector<16xi32>], vector<16xf32>,
        tpu.vector_store_idx %arg7[%add3A_872, %add3A_352], %gather3A_877 : memref<64x128xf32, #tpu.memory_space<vmem>>[vector<16xi32>, vector<16xi32>], vector<16xf32>,
        %gather3A_878 = tpu.vector_load_idx %arg6[%add3A_373, %add3A_868] : memref<1024x32xf32, #tpu.memory_space<vmem>>[vector<16xi32>, vector<16xi32>], vector<16xf32>,
        tpu.vector_store_idx %arg7[%add3A_872, %add3A_355], %gather3A_878 : memref<64x128xf32, #tpu.memory_space<vmem>>[vector<16xi32>, vector<16xi32>], vector<16xf32>,
        %gather3A_879 = tpu.vector_load_idx %arg6[%add3A_375, %add3A_868] : memref<1024x32xf32, #tpu.memory_space<vmem>>[vector<16xi32>, vector<16xi32>], vector<16xf32>,
        tpu.vector_store_idx %arg7[%add3A_872, %add3A_358], %gather3A_879 : memref<64x128xf32, #tpu.memory_space<vmem>>[vector<16xi32>, vector<16xi32>], vector<16xf32>,
        %gather3A_880 = tpu.vector_load_idx %arg6[%add3A_377, %add3A_868] : memref<1024x32xf32, #tpu.memory_space<vmem>>[vector<16xi32>, vector<16xi32>], vector<16xf32>,
        tpu.vector_store_idx %arg7[%add3A_872, %add3A_361], %gather3A_880 : memref<64x128xf32, #tpu.memory_space<vmem>>[vector<16xi32>, vector<16xi32>], vector<16xf32>,
        %add3A_881 = arith.constant 8 : i32
        %add3A_882 = vector.broadcast %add3A_881 : i32 to vector<16xi32>
        %add3A_883 = arith.addi %iota3A, %add3A_882 : vector<16xi32>
        %and3A_884 = arith.constant 15 : i32
        %and3A_885 = vector.broadcast %and3A_884 : i32 to vector<16xi32>
        %and3A_886 = arith.andi %add3A_883, %and3A_885 : vector<16xi32>
        %add3A_887 = arith.constant 16 : i32
        %add3A_888 = vector.broadcast %add3A_887 : i32 to vector<16xi32>
        %add3A_889 = arith.addi %and3A_886, %add3A_888 : vector<16xi32>
        %add3A_890 = arith.constant 16 : i32
        %add3A_891 = arith.addi %mul3A_337, %add3A_890 : i32
        %add3A_892 = vector.broadcast %add3A_891 : i32 to vector<16xi32>
        %add3A_893 = arith.addi %and3A_886, %add3A_892 : vector<16xi32>
        %gather3A_894 = tpu.vector_load_idx %arg6[%add3A_363, %add3A_889] : memref<1024x32xf32, #tpu.memory_space<vmem>>[vector<16xi32>, vector<16xi32>], vector<16xf32>,
        tpu.vector_store_idx %arg7[%add3A_893, %add3A_340], %gather3A_894 : memref<64x128xf32, #tpu.memory_space<vmem>>[vector<16xi32>, vector<16xi32>], vector<16xf32>,
        %gather3A_895 = tpu.vector_load_idx %arg6[%add3A_365, %add3A_889] : memref<1024x32xf32, #tpu.memory_space<vmem>>[vector<16xi32>, vector<16xi32>], vector<16xf32>,
        tpu.vector_store_idx %arg7[%add3A_893, %add3A_343], %gather3A_895 : memref<64x128xf32, #tpu.memory_space<vmem>>[vector<16xi32>, vector<16xi32>], vector<16xf32>,
        %gather3A_896 = tpu.vector_load_idx %arg6[%add3A_367, %add3A_889] : memref<1024x32xf32, #tpu.memory_space<vmem>>[vector<16xi32>, vector<16xi32>], vector<16xf32>,
        tpu.vector_store_idx %arg7[%add3A_893, %add3A_346], %gather3A_896 : memref<64x128xf32, #tpu.memory_space<vmem>>[vector<16xi32>, vector<16xi32>], vector<16xf32>,
        %gather3A_897 = tpu.vector_load_idx %arg6[%add3A_369, %add3A_889] : memref<1024x32xf32, #tpu.memory_space<vmem>>[vector<16xi32>, vector<16xi32>], vector<16xf32>,
        tpu.vector_store_idx %arg7[%add3A_893, %add3A_349], %gather3A_897 : memref<64x128xf32, #tpu.memory_space<vmem>>[vector<16xi32>, vector<16xi32>], vector<16xf32>,
        %gather3A_898 = tpu.vector_load_idx %arg6[%add3A_371, %add3A_889] : memref<1024x32xf32, #tpu.memory_space<vmem>>[vector<16xi32>, vector<16xi32>], vector<16xf32>,
        tpu.vector_store_idx %arg7[%add3A_893, %add3A_352], %gather3A_898 : memref<64x128xf32, #tpu.memory_space<vmem>>[vector<16xi32>, vector<16xi32>], vector<16xf32>,
        %gather3A_899 = tpu.vector_load_idx %arg6[%add3A_373, %add3A_889] : memref<1024x32xf32, #tpu.memory_space<vmem>>[vector<16xi32>, vector<16xi32>], vector<16xf32>,
        tpu.vector_store_idx %arg7[%add3A_893, %add3A_355], %gather3A_899 : memref<64x128xf32, #tpu.memory_space<vmem>>[vector<16xi32>, vector<16xi32>], vector<16xf32>,
        %gather3A_900 = tpu.vector_load_idx %arg6[%add3A_375, %add3A_889] : memref<1024x32xf32, #tpu.memory_space<vmem>>[vector<16xi32>, vector<16xi32>], vector<16xf32>,
        tpu.vector_store_idx %arg7[%add3A_893, %add3A_358], %gather3A_900 : memref<64x128xf32, #tpu.memory_space<vmem>>[vector<16xi32>, vector<16xi32>], vector<16xf32>,
        %gather3A_901 = tpu.vector_load_idx %arg6[%add3A_377, %add3A_889] : memref<1024x32xf32, #tpu.memory_space<vmem>>[vector<16xi32>, vector<16xi32>], vector<16xf32>,
        tpu.vector_store_idx %arg7[%add3A_893, %add3A_361], %gather3A_901 : memref<64x128xf32, #tpu.memory_space<vmem>>[vector<16xi32>, vector<16xi32>], vector<16xf32>,
        %add3A_902 = arith.constant 9 : i32
        %add3A_903 = vector.broadcast %add3A_902 : i32 to vector<16xi32>
        %add3A_904 = arith.addi %iota3A, %add3A_903 : vector<16xi32>
        %and3A_905 = arith.constant 15 : i32
        %and3A_906 = vector.broadcast %and3A_905 : i32 to vector<16xi32>
        %and3A_907 = arith.andi %add3A_904, %and3A_906 : vector<16xi32>
        %add3A_908 = arith.constant 16 : i32
        %add3A_909 = vector.broadcast %add3A_908 : i32 to vector<16xi32>
        %add3A_910 = arith.addi %and3A_907, %add3A_909 : vector<16xi32>
        %add3A_911 = arith.constant 16 : i32
        %add3A_912 = arith.addi %mul3A_337, %add3A_911 : i32
        %add3A_913 = vector.broadcast %add3A_912 : i32 to vector<16xi32>
        %add3A_914 = arith.addi %and3A_907, %add3A_913 : vector<16xi32>
        %gather3A_915 = tpu.vector_load_idx %arg6[%add3A_363, %add3A_910] : memref<1024x32xf32, #tpu.memory_space<vmem>>[vector<16xi32>, vector<16xi32>], vector<16xf32>,
        tpu.vector_store_idx %arg7[%add3A_914, %add3A_340], %gather3A_915 : memref<64x128xf32, #tpu.memory_space<vmem>>[vector<16xi32>, vector<16xi32>], vector<16xf32>,
        %gather3A_916 = tpu.vector_load_idx %arg6[%add3A_365, %add3A_910] : memref<1024x32xf32, #tpu.memory_space<vmem>>[vector<16xi32>, vector<16xi32>], vector<16xf32>,
        tpu.vector_store_idx %arg7[%add3A_914, %add3A_343], %gather3A_916 : memref<64x128xf32, #tpu.memory_space<vmem>>[vector<16xi32>, vector<16xi32>], vector<16xf32>,
        %gather3A_917 = tpu.vector_load_idx %arg6[%add3A_367, %add3A_910] : memref<1024x32xf32, #tpu.memory_space<vmem>>[vector<16xi32>, vector<16xi32>], vector<16xf32>,
        tpu.vector_store_idx %arg7[%add3A_914, %add3A_346], %gather3A_917 : memref<64x128xf32, #tpu.memory_space<vmem>>[vector<16xi32>, vector<16xi32>], vector<16xf32>,
        %gather3A_918 = tpu.vector_load_idx %arg6[%add3A_369, %add3A_910] : memref<1024x32xf32, #tpu.memory_space<vmem>>[vector<16xi32>, vector<16xi32>], vector<16xf32>,
        tpu.vector_store_idx %arg7[%add3A_914, %add3A_349], %gather3A_918 : memref<64x128xf32, #tpu.memory_space<vmem>>[vector<16xi32>, vector<16xi32>], vector<16xf32>,
        %gather3A_919 = tpu.vector_load_idx %arg6[%add3A_371, %add3A_910] : memref<1024x32xf32, #tpu.memory_space<vmem>>[vector<16xi32>, vector<16xi32>], vector<16xf32>,
        tpu.vector_store_idx %arg7[%add3A_914, %add3A_352], %gather3A_919 : memref<64x128xf32, #tpu.memory_space<vmem>>[vector<16xi32>, vector<16xi32>], vector<16xf32>,
        %gather3A_920 = tpu.vector_load_idx %arg6[%add3A_373, %add3A_910] : memref<1024x32xf32, #tpu.memory_space<vmem>>[vector<16xi32>, vector<16xi32>], vector<16xf32>,
        tpu.vector_store_idx %arg7[%add3A_914, %add3A_355], %gather3A_920 : memref<64x128xf32, #tpu.memory_space<vmem>>[vector<16xi32>, vector<16xi32>], vector<16xf32>,
        %gather3A_921 = tpu.vector_load_idx %arg6[%add3A_375, %add3A_910] : memref<1024x32xf32, #tpu.memory_space<vmem>>[vector<16xi32>, vector<16xi32>], vector<16xf32>,
        tpu.vector_store_idx %arg7[%add3A_914, %add3A_358], %gather3A_921 : memref<64x128xf32, #tpu.memory_space<vmem>>[vector<16xi32>, vector<16xi32>], vector<16xf32>,
        %gather3A_922 = tpu.vector_load_idx %arg6[%add3A_377, %add3A_910] : memref<1024x32xf32, #tpu.memory_space<vmem>>[vector<16xi32>, vector<16xi32>], vector<16xf32>,
        tpu.vector_store_idx %arg7[%add3A_914, %add3A_361], %gather3A_922 : memref<64x128xf32, #tpu.memory_space<vmem>>[vector<16xi32>, vector<16xi32>], vector<16xf32>,
        %add3A_923 = arith.constant 10 : i32
        %add3A_924 = vector.broadcast %add3A_923 : i32 to vector<16xi32>
        %add3A_925 = arith.addi %iota3A, %add3A_924 : vector<16xi32>
        %and3A_926 = arith.constant 15 : i32
        %and3A_927 = vector.broadcast %and3A_926 : i32 to vector<16xi32>
        %and3A_928 = arith.andi %add3A_925, %and3A_927 : vector<16xi32>
        %add3A_929 = arith.constant 16 : i32
        %add3A_930 = vector.broadcast %add3A_929 : i32 to vector<16xi32>
        %add3A_931 = arith.addi %and3A_928, %add3A_930 : vector<16xi32>
        %add3A_932 = arith.constant 16 : i32
        %add3A_933 = arith.addi %mul3A_337, %add3A_932 : i32
        %add3A_934 = vector.broadcast %add3A_933 : i32 to vector<16xi32>
        %add3A_935 = arith.addi %and3A_928, %add3A_934 : vector<16xi32>
        %gather3A_936 = tpu.vector_load_idx %arg6[%add3A_363, %add3A_931] : memref<1024x32xf32, #tpu.memory_space<vmem>>[vector<16xi32>, vector<16xi32>], vector<16xf32>,
        tpu.vector_store_idx %arg7[%add3A_935, %add3A_340], %gather3A_936 : memref<64x128xf32, #tpu.memory_space<vmem>>[vector<16xi32>, vector<16xi32>], vector<16xf32>,
        %gather3A_937 = tpu.vector_load_idx %arg6[%add3A_365, %add3A_931] : memref<1024x32xf32, #tpu.memory_space<vmem>>[vector<16xi32>, vector<16xi32>], vector<16xf32>,
        tpu.vector_store_idx %arg7[%add3A_935, %add3A_343], %gather3A_937 : memref<64x128xf32, #tpu.memory_space<vmem>>[vector<16xi32>, vector<16xi32>], vector<16xf32>,
        %gather3A_938 = tpu.vector_load_idx %arg6[%add3A_367, %add3A_931] : memref<1024x32xf32, #tpu.memory_space<vmem>>[vector<16xi32>, vector<16xi32>], vector<16xf32>,
        tpu.vector_store_idx %arg7[%add3A_935, %add3A_346], %gather3A_938 : memref<64x128xf32, #tpu.memory_space<vmem>>[vector<16xi32>, vector<16xi32>], vector<16xf32>,
        %gather3A_939 = tpu.vector_load_idx %arg6[%add3A_369, %add3A_931] : memref<1024x32xf32, #tpu.memory_space<vmem>>[vector<16xi32>, vector<16xi32>], vector<16xf32>,
        tpu.vector_store_idx %arg7[%add3A_935, %add3A_349], %gather3A_939 : memref<64x128xf32, #tpu.memory_space<vmem>>[vector<16xi32>, vector<16xi32>], vector<16xf32>,
        %gather3A_940 = tpu.vector_load_idx %arg6[%add3A_371, %add3A_931] : memref<1024x32xf32, #tpu.memory_space<vmem>>[vector<16xi32>, vector<16xi32>], vector<16xf32>,
        tpu.vector_store_idx %arg7[%add3A_935, %add3A_352], %gather3A_940 : memref<64x128xf32, #tpu.memory_space<vmem>>[vector<16xi32>, vector<16xi32>], vector<16xf32>,
        %gather3A_941 = tpu.vector_load_idx %arg6[%add3A_373, %add3A_931] : memref<1024x32xf32, #tpu.memory_space<vmem>>[vector<16xi32>, vector<16xi32>], vector<16xf32>,
        tpu.vector_store_idx %arg7[%add3A_935, %add3A_355], %gather3A_941 : memref<64x128xf32, #tpu.memory_space<vmem>>[vector<16xi32>, vector<16xi32>], vector<16xf32>,
        %gather3A_942 = tpu.vector_load_idx %arg6[%add3A_375, %add3A_931] : memref<1024x32xf32, #tpu.memory_space<vmem>>[vector<16xi32>, vector<16xi32>], vector<16xf32>,
        tpu.vector_store_idx %arg7[%add3A_935, %add3A_358], %gather3A_942 : memref<64x128xf32, #tpu.memory_space<vmem>>[vector<16xi32>, vector<16xi32>], vector<16xf32>,
        %gather3A_943 = tpu.vector_load_idx %arg6[%add3A_377, %add3A_931] : memref<1024x32xf32, #tpu.memory_space<vmem>>[vector<16xi32>, vector<16xi32>], vector<16xf32>,
        tpu.vector_store_idx %arg7[%add3A_935, %add3A_361], %gather3A_943 : memref<64x128xf32, #tpu.memory_space<vmem>>[vector<16xi32>, vector<16xi32>], vector<16xf32>,
        %add3A_944 = arith.constant 11 : i32
        %add3A_945 = vector.broadcast %add3A_944 : i32 to vector<16xi32>
        %add3A_946 = arith.addi %iota3A, %add3A_945 : vector<16xi32>
        %and3A_947 = arith.constant 15 : i32
        %and3A_948 = vector.broadcast %and3A_947 : i32 to vector<16xi32>
        %and3A_949 = arith.andi %add3A_946, %and3A_948 : vector<16xi32>
        %add3A_950 = arith.constant 16 : i32
        %add3A_951 = vector.broadcast %add3A_950 : i32 to vector<16xi32>
        %add3A_952 = arith.addi %and3A_949, %add3A_951 : vector<16xi32>
        %add3A_953 = arith.constant 16 : i32
        %add3A_954 = arith.addi %mul3A_337, %add3A_953 : i32
        %add3A_955 = vector.broadcast %add3A_954 : i32 to vector<16xi32>
        %add3A_956 = arith.addi %and3A_949, %add3A_955 : vector<16xi32>
        %gather3A_957 = tpu.vector_load_idx %arg6[%add3A_363, %add3A_952] : memref<1024x32xf32, #tpu.memory_space<vmem>>[vector<16xi32>, vector<16xi32>], vector<16xf32>,
        tpu.vector_store_idx %arg7[%add3A_956, %add3A_340], %gather3A_957 : memref<64x128xf32, #tpu.memory_space<vmem>>[vector<16xi32>, vector<16xi32>], vector<16xf32>,
        %gather3A_958 = tpu.vector_load_idx %arg6[%add3A_365, %add3A_952] : memref<1024x32xf32, #tpu.memory_space<vmem>>[vector<16xi32>, vector<16xi32>], vector<16xf32>,
        tpu.vector_store_idx %arg7[%add3A_956, %add3A_343], %gather3A_958 : memref<64x128xf32, #tpu.memory_space<vmem>>[vector<16xi32>, vector<16xi32>], vector<16xf32>,
        %gather3A_959 = tpu.vector_load_idx %arg6[%add3A_367, %add3A_952] : memref<1024x32xf32, #tpu.memory_space<vmem>>[vector<16xi32>, vector<16xi32>], vector<16xf32>,
        tpu.vector_store_idx %arg7[%add3A_956, %add3A_346], %gather3A_959 : memref<64x128xf32, #tpu.memory_space<vmem>>[vector<16xi32>, vector<16xi32>], vector<16xf32>,
        %gather3A_960 = tpu.vector_load_idx %arg6[%add3A_369, %add3A_952] : memref<1024x32xf32, #tpu.memory_space<vmem>>[vector<16xi32>, vector<16xi32>], vector<16xf32>,
        tpu.vector_store_idx %arg7[%add3A_956, %add3A_349], %gather3A_960 : memref<64x128xf32, #tpu.memory_space<vmem>>[vector<16xi32>, vector<16xi32>], vector<16xf32>,
        %gather3A_961 = tpu.vector_load_idx %arg6[%add3A_371, %add3A_952] : memref<1024x32xf32, #tpu.memory_space<vmem>>[vector<16xi32>, vector<16xi32>], vector<16xf32>,
        tpu.vector_store_idx %arg7[%add3A_956, %add3A_352], %gather3A_961 : memref<64x128xf32, #tpu.memory_space<vmem>>[vector<16xi32>, vector<16xi32>], vector<16xf32>,
        %gather3A_962 = tpu.vector_load_idx %arg6[%add3A_373, %add3A_952] : memref<1024x32xf32, #tpu.memory_space<vmem>>[vector<16xi32>, vector<16xi32>], vector<16xf32>,
        tpu.vector_store_idx %arg7[%add3A_956, %add3A_355], %gather3A_962 : memref<64x128xf32, #tpu.memory_space<vmem>>[vector<16xi32>, vector<16xi32>], vector<16xf32>,
        %gather3A_963 = tpu.vector_load_idx %arg6[%add3A_375, %add3A_952] : memref<1024x32xf32, #tpu.memory_space<vmem>>[vector<16xi32>, vector<16xi32>], vector<16xf32>,
        tpu.vector_store_idx %arg7[%add3A_956, %add3A_358], %gather3A_963 : memref<64x128xf32, #tpu.memory_space<vmem>>[vector<16xi32>, vector<16xi32>], vector<16xf32>,
        %gather3A_964 = tpu.vector_load_idx %arg6[%add3A_377, %add3A_952] : memref<1024x32xf32, #tpu.memory_space<vmem>>[vector<16xi32>, vector<16xi32>], vector<16xf32>,
        tpu.vector_store_idx %arg7[%add3A_956, %add3A_361], %gather3A_964 : memref<64x128xf32, #tpu.memory_space<vmem>>[vector<16xi32>, vector<16xi32>], vector<16xf32>,
        %add3A_965 = arith.constant 12 : i32
        %add3A_966 = vector.broadcast %add3A_965 : i32 to vector<16xi32>
        %add3A_967 = arith.addi %iota3A, %add3A_966 : vector<16xi32>
        %and3A_968 = arith.constant 15 : i32
        %and3A_969 = vector.broadcast %and3A_968 : i32 to vector<16xi32>
        %and3A_970 = arith.andi %add3A_967, %and3A_969 : vector<16xi32>
        %add3A_971 = arith.constant 16 : i32
        %add3A_972 = vector.broadcast %add3A_971 : i32 to vector<16xi32>
        %add3A_973 = arith.addi %and3A_970, %add3A_972 : vector<16xi32>
        %add3A_974 = arith.constant 16 : i32
        %add3A_975 = arith.addi %mul3A_337, %add3A_974 : i32
        %add3A_976 = vector.broadcast %add3A_975 : i32 to vector<16xi32>
        %add3A_977 = arith.addi %and3A_970, %add3A_976 : vector<16xi32>
        %gather3A_978 = tpu.vector_load_idx %arg6[%add3A_363, %add3A_973] : memref<1024x32xf32, #tpu.memory_space<vmem>>[vector<16xi32>, vector<16xi32>], vector<16xf32>,
        tpu.vector_store_idx %arg7[%add3A_977, %add3A_340], %gather3A_978 : memref<64x128xf32, #tpu.memory_space<vmem>>[vector<16xi32>, vector<16xi32>], vector<16xf32>,
        %gather3A_979 = tpu.vector_load_idx %arg6[%add3A_365, %add3A_973] : memref<1024x32xf32, #tpu.memory_space<vmem>>[vector<16xi32>, vector<16xi32>], vector<16xf32>,
        tpu.vector_store_idx %arg7[%add3A_977, %add3A_343], %gather3A_979 : memref<64x128xf32, #tpu.memory_space<vmem>>[vector<16xi32>, vector<16xi32>], vector<16xf32>,
        %gather3A_980 = tpu.vector_load_idx %arg6[%add3A_367, %add3A_973] : memref<1024x32xf32, #tpu.memory_space<vmem>>[vector<16xi32>, vector<16xi32>], vector<16xf32>,
        tpu.vector_store_idx %arg7[%add3A_977, %add3A_346], %gather3A_980 : memref<64x128xf32, #tpu.memory_space<vmem>>[vector<16xi32>, vector<16xi32>], vector<16xf32>,
        %gather3A_981 = tpu.vector_load_idx %arg6[%add3A_369, %add3A_973] : memref<1024x32xf32, #tpu.memory_space<vmem>>[vector<16xi32>, vector<16xi32>], vector<16xf32>,
        tpu.vector_store_idx %arg7[%add3A_977, %add3A_349], %gather3A_981 : memref<64x128xf32, #tpu.memory_space<vmem>>[vector<16xi32>, vector<16xi32>], vector<16xf32>,
        %gather3A_982 = tpu.vector_load_idx %arg6[%add3A_371, %add3A_973] : memref<1024x32xf32, #tpu.memory_space<vmem>>[vector<16xi32>, vector<16xi32>], vector<16xf32>,
        tpu.vector_store_idx %arg7[%add3A_977, %add3A_352], %gather3A_982 : memref<64x128xf32, #tpu.memory_space<vmem>>[vector<16xi32>, vector<16xi32>], vector<16xf32>,
        %gather3A_983 = tpu.vector_load_idx %arg6[%add3A_373, %add3A_973] : memref<1024x32xf32, #tpu.memory_space<vmem>>[vector<16xi32>, vector<16xi32>], vector<16xf32>,
        tpu.vector_store_idx %arg7[%add3A_977, %add3A_355], %gather3A_983 : memref<64x128xf32, #tpu.memory_space<vmem>>[vector<16xi32>, vector<16xi32>], vector<16xf32>,
        %gather3A_984 = tpu.vector_load_idx %arg6[%add3A_375, %add3A_973] : memref<1024x32xf32, #tpu.memory_space<vmem>>[vector<16xi32>, vector<16xi32>], vector<16xf32>,
        tpu.vector_store_idx %arg7[%add3A_977, %add3A_358], %gather3A_984 : memref<64x128xf32, #tpu.memory_space<vmem>>[vector<16xi32>, vector<16xi32>], vector<16xf32>,
        %gather3A_985 = tpu.vector_load_idx %arg6[%add3A_377, %add3A_973] : memref<1024x32xf32, #tpu.memory_space<vmem>>[vector<16xi32>, vector<16xi32>], vector<16xf32>,
        tpu.vector_store_idx %arg7[%add3A_977, %add3A_361], %gather3A_985 : memref<64x128xf32, #tpu.memory_space<vmem>>[vector<16xi32>, vector<16xi32>], vector<16xf32>,
        %add3A_986 = arith.constant 13 : i32
        %add3A_987 = vector.broadcast %add3A_986 : i32 to vector<16xi32>
        %add3A_988 = arith.addi %iota3A, %add3A_987 : vector<16xi32>
        %and3A_989 = arith.constant 15 : i32
        %and3A_990 = vector.broadcast %and3A_989 : i32 to vector<16xi32>
        %and3A_991 = arith.andi %add3A_988, %and3A_990 : vector<16xi32>
        %add3A_992 = arith.constant 16 : i32
        %add3A_993 = vector.broadcast %add3A_992 : i32 to vector<16xi32>
        %add3A_994 = arith.addi %and3A_991, %add3A_993 : vector<16xi32>
        %add3A_995 = arith.constant 16 : i32
        %add3A_996 = arith.addi %mul3A_337, %add3A_995 : i32
        %add3A_997 = vector.broadcast %add3A_996 : i32 to vector<16xi32>
        %add3A_998 = arith.addi %and3A_991, %add3A_997 : vector<16xi32>
        %gather3A_999 = tpu.vector_load_idx %arg6[%add3A_363, %add3A_994] : memref<1024x32xf32, #tpu.memory_space<vmem>>[vector<16xi32>, vector<16xi32>], vector<16xf32>,
        tpu.vector_store_idx %arg7[%add3A_998, %add3A_340], %gather3A_999 : memref<64x128xf32, #tpu.memory_space<vmem>>[vector<16xi32>, vector<16xi32>], vector<16xf32>,
        %gather3A_1000 = tpu.vector_load_idx %arg6[%add3A_365, %add3A_994] : memref<1024x32xf32, #tpu.memory_space<vmem>>[vector<16xi32>, vector<16xi32>], vector<16xf32>,
        tpu.vector_store_idx %arg7[%add3A_998, %add3A_343], %gather3A_1000 : memref<64x128xf32, #tpu.memory_space<vmem>>[vector<16xi32>, vector<16xi32>], vector<16xf32>,
        %gather3A_1001 = tpu.vector_load_idx %arg6[%add3A_367, %add3A_994] : memref<1024x32xf32, #tpu.memory_space<vmem>>[vector<16xi32>, vector<16xi32>], vector<16xf32>,
        tpu.vector_store_idx %arg7[%add3A_998, %add3A_346], %gather3A_1001 : memref<64x128xf32, #tpu.memory_space<vmem>>[vector<16xi32>, vector<16xi32>], vector<16xf32>,
        %gather3A_1002 = tpu.vector_load_idx %arg6[%add3A_369, %add3A_994] : memref<1024x32xf32, #tpu.memory_space<vmem>>[vector<16xi32>, vector<16xi32>], vector<16xf32>,
        tpu.vector_store_idx %arg7[%add3A_998, %add3A_349], %gather3A_1002 : memref<64x128xf32, #tpu.memory_space<vmem>>[vector<16xi32>, vector<16xi32>], vector<16xf32>,
        %gather3A_1003 = tpu.vector_load_idx %arg6[%add3A_371, %add3A_994] : memref<1024x32xf32, #tpu.memory_space<vmem>>[vector<16xi32>, vector<16xi32>], vector<16xf32>,
        tpu.vector_store_idx %arg7[%add3A_998, %add3A_352], %gather3A_1003 : memref<64x128xf32, #tpu.memory_space<vmem>>[vector<16xi32>, vector<16xi32>], vector<16xf32>,
        %gather3A_1004 = tpu.vector_load_idx %arg6[%add3A_373, %add3A_994] : memref<1024x32xf32, #tpu.memory_space<vmem>>[vector<16xi32>, vector<16xi32>], vector<16xf32>,
        tpu.vector_store_idx %arg7[%add3A_998, %add3A_355], %gather3A_1004 : memref<64x128xf32, #tpu.memory_space<vmem>>[vector<16xi32>, vector<16xi32>], vector<16xf32>,
        %gather3A_1005 = tpu.vector_load_idx %arg6[%add3A_375, %add3A_994] : memref<1024x32xf32, #tpu.memory_space<vmem>>[vector<16xi32>, vector<16xi32>], vector<16xf32>,
        tpu.vector_store_idx %arg7[%add3A_998, %add3A_358], %gather3A_1005 : memref<64x128xf32, #tpu.memory_space<vmem>>[vector<16xi32>, vector<16xi32>], vector<16xf32>,
        %gather3A_1006 = tpu.vector_load_idx %arg6[%add3A_377, %add3A_994] : memref<1024x32xf32, #tpu.memory_space<vmem>>[vector<16xi32>, vector<16xi32>], vector<16xf32>,
        tpu.vector_store_idx %arg7[%add3A_998, %add3A_361], %gather3A_1006 : memref<64x128xf32, #tpu.memory_space<vmem>>[vector<16xi32>, vector<16xi32>], vector<16xf32>,
        %add3A_1007 = arith.constant 14 : i32
        %add3A_1008 = vector.broadcast %add3A_1007 : i32 to vector<16xi32>
        %add3A_1009 = arith.addi %iota3A, %add3A_1008 : vector<16xi32>
        %and3A_1010 = arith.constant 15 : i32
        %and3A_1011 = vector.broadcast %and3A_1010 : i32 to vector<16xi32>
        %and3A_1012 = arith.andi %add3A_1009, %and3A_1011 : vector<16xi32>
        %add3A_1013 = arith.constant 16 : i32
        %add3A_1014 = vector.broadcast %add3A_1013 : i32 to vector<16xi32>
        %add3A_1015 = arith.addi %and3A_1012, %add3A_1014 : vector<16xi32>
        %add3A_1016 = arith.constant 16 : i32
        %add3A_1017 = arith.addi %mul3A_337, %add3A_1016 : i32
        %add3A_1018 = vector.broadcast %add3A_1017 : i32 to vector<16xi32>
        %add3A_1019 = arith.addi %and3A_1012, %add3A_1018 : vector<16xi32>
        %gather3A_1020 = tpu.vector_load_idx %arg6[%add3A_363, %add3A_1015] : memref<1024x32xf32, #tpu.memory_space<vmem>>[vector<16xi32>, vector<16xi32>], vector<16xf32>,
        tpu.vector_store_idx %arg7[%add3A_1019, %add3A_340], %gather3A_1020 : memref<64x128xf32, #tpu.memory_space<vmem>>[vector<16xi32>, vector<16xi32>], vector<16xf32>,
        %gather3A_1021 = tpu.vector_load_idx %arg6[%add3A_365, %add3A_1015] : memref<1024x32xf32, #tpu.memory_space<vmem>>[vector<16xi32>, vector<16xi32>], vector<16xf32>,
        tpu.vector_store_idx %arg7[%add3A_1019, %add3A_343], %gather3A_1021 : memref<64x128xf32, #tpu.memory_space<vmem>>[vector<16xi32>, vector<16xi32>], vector<16xf32>,
        %gather3A_1022 = tpu.vector_load_idx %arg6[%add3A_367, %add3A_1015] : memref<1024x32xf32, #tpu.memory_space<vmem>>[vector<16xi32>, vector<16xi32>], vector<16xf32>,
        tpu.vector_store_idx %arg7[%add3A_1019, %add3A_346], %gather3A_1022 : memref<64x128xf32, #tpu.memory_space<vmem>>[vector<16xi32>, vector<16xi32>], vector<16xf32>,
        %gather3A_1023 = tpu.vector_load_idx %arg6[%add3A_369, %add3A_1015] : memref<1024x32xf32, #tpu.memory_space<vmem>>[vector<16xi32>, vector<16xi32>], vector<16xf32>,
        tpu.vector_store_idx %arg7[%add3A_1019, %add3A_349], %gather3A_1023 : memref<64x128xf32, #tpu.memory_space<vmem>>[vector<16xi32>, vector<16xi32>], vector<16xf32>,
        %gather3A_1024 = tpu.vector_load_idx %arg6[%add3A_371, %add3A_1015] : memref<1024x32xf32, #tpu.memory_space<vmem>>[vector<16xi32>, vector<16xi32>], vector<16xf32>,
        tpu.vector_store_idx %arg7[%add3A_1019, %add3A_352], %gather3A_1024 : memref<64x128xf32, #tpu.memory_space<vmem>>[vector<16xi32>, vector<16xi32>], vector<16xf32>,
        %gather3A_1025 = tpu.vector_load_idx %arg6[%add3A_373, %add3A_1015] : memref<1024x32xf32, #tpu.memory_space<vmem>>[vector<16xi32>, vector<16xi32>], vector<16xf32>,
        tpu.vector_store_idx %arg7[%add3A_1019, %add3A_355], %gather3A_1025 : memref<64x128xf32, #tpu.memory_space<vmem>>[vector<16xi32>, vector<16xi32>], vector<16xf32>,
        %gather3A_1026 = tpu.vector_load_idx %arg6[%add3A_375, %add3A_1015] : memref<1024x32xf32, #tpu.memory_space<vmem>>[vector<16xi32>, vector<16xi32>], vector<16xf32>,
        tpu.vector_store_idx %arg7[%add3A_1019, %add3A_358], %gather3A_1026 : memref<64x128xf32, #tpu.memory_space<vmem>>[vector<16xi32>, vector<16xi32>], vector<16xf32>,
        %gather3A_1027 = tpu.vector_load_idx %arg6[%add3A_377, %add3A_1015] : memref<1024x32xf32, #tpu.memory_space<vmem>>[vector<16xi32>, vector<16xi32>], vector<16xf32>,
        tpu.vector_store_idx %arg7[%add3A_1019, %add3A_361], %gather3A_1027 : memref<64x128xf32, #tpu.memory_space<vmem>>[vector<16xi32>, vector<16xi32>], vector<16xf32>,
        %add3A_1028 = arith.constant 15 : i32
        %add3A_1029 = vector.broadcast %add3A_1028 : i32 to vector<16xi32>
        %add3A_1030 = arith.addi %iota3A, %add3A_1029 : vector<16xi32>
        %and3A_1031 = arith.constant 15 : i32
        %and3A_1032 = vector.broadcast %and3A_1031 : i32 to vector<16xi32>
        %and3A_1033 = arith.andi %add3A_1030, %and3A_1032 : vector<16xi32>
        %add3A_1034 = arith.constant 16 : i32
        %add3A_1035 = vector.broadcast %add3A_1034 : i32 to vector<16xi32>
        %add3A_1036 = arith.addi %and3A_1033, %add3A_1035 : vector<16xi32>
        %add3A_1037 = arith.constant 16 : i32
        %add3A_1038 = arith.addi %mul3A_337, %add3A_1037 : i32
        %add3A_1039 = vector.broadcast %add3A_1038 : i32 to vector<16xi32>
        %add3A_1040 = arith.addi %and3A_1033, %add3A_1039 : vector<16xi32>
        %gather3A_1041 = tpu.vector_load_idx %arg6[%add3A_363, %add3A_1036] : memref<1024x32xf32, #tpu.memory_space<vmem>>[vector<16xi32>, vector<16xi32>], vector<16xf32>,
        tpu.vector_store_idx %arg7[%add3A_1040, %add3A_340], %gather3A_1041 : memref<64x128xf32, #tpu.memory_space<vmem>>[vector<16xi32>, vector<16xi32>], vector<16xf32>,
        %gather3A_1042 = tpu.vector_load_idx %arg6[%add3A_365, %add3A_1036] : memref<1024x32xf32, #tpu.memory_space<vmem>>[vector<16xi32>, vector<16xi32>], vector<16xf32>,
        tpu.vector_store_idx %arg7[%add3A_1040, %add3A_343], %gather3A_1042 : memref<64x128xf32, #tpu.memory_space<vmem>>[vector<16xi32>, vector<16xi32>], vector<16xf32>,
        %gather3A_1043 = tpu.vector_load_idx %arg6[%add3A_367, %add3A_1036] : memref<1024x32xf32, #tpu.memory_space<vmem>>[vector<16xi32>, vector<16xi32>], vector<16xf32>,
        tpu.vector_store_idx %arg7[%add3A_1040, %add3A_346], %gather3A_1043 : memref<64x128xf32, #tpu.memory_space<vmem>>[vector<16xi32>, vector<16xi32>], vector<16xf32>,
        %gather3A_1044 = tpu.vector_load_idx %arg6[%add3A_369, %add3A_1036] : memref<1024x32xf32, #tpu.memory_space<vmem>>[vector<16xi32>, vector<16xi32>], vector<16xf32>,
        tpu.vector_store_idx %arg7[%add3A_1040, %add3A_349], %gather3A_1044 : memref<64x128xf32, #tpu.memory_space<vmem>>[vector<16xi32>, vector<16xi32>], vector<16xf32>,
        %gather3A_1045 = tpu.vector_load_idx %arg6[%add3A_371, %add3A_1036] : memref<1024x32xf32, #tpu.memory_space<vmem>>[vector<16xi32>, vector<16xi32>], vector<16xf32>,
        tpu.vector_store_idx %arg7[%add3A_1040, %add3A_352], %gather3A_1045 : memref<64x128xf32, #tpu.memory_space<vmem>>[vector<16xi32>, vector<16xi32>], vector<16xf32>,
        %gather3A_1046 = tpu.vector_load_idx %arg6[%add3A_373, %add3A_1036] : memref<1024x32xf32, #tpu.memory_space<vmem>>[vector<16xi32>, vector<16xi32>], vector<16xf32>,
        tpu.vector_store_idx %arg7[%add3A_1040, %add3A_355], %gather3A_1046 : memref<64x128xf32, #tpu.memory_space<vmem>>[vector<16xi32>, vector<16xi32>], vector<16xf32>,
        %gather3A_1047 = tpu.vector_load_idx %arg6[%add3A_375, %add3A_1036] : memref<1024x32xf32, #tpu.memory_space<vmem>>[vector<16xi32>, vector<16xi32>], vector<16xf32>,
        tpu.vector_store_idx %arg7[%add3A_1040, %add3A_358], %gather3A_1047 : memref<64x128xf32, #tpu.memory_space<vmem>>[vector<16xi32>, vector<16xi32>], vector<16xf32>,
        %gather3A_1048 = tpu.vector_load_idx %arg6[%add3A_377, %add3A_1036] : memref<1024x32xf32, #tpu.memory_space<vmem>>[vector<16xi32>, vector<16xi32>], vector<16xf32>,
        tpu.vector_store_idx %arg7[%add3A_1040, %add3A_361], %gather3A_1048 : memref<64x128xf32, #tpu.memory_space<vmem>>[vector<16xi32>, vector<16xi32>], vector<16xf32>,
        %lt3A_1049 = arith.constant 192 : i32
        %lt3A_1050 = arith.cmpi slt, %add3A_292, %lt3A_1049 : i32
        %convert_element_type3A_1051 = arith.extui %lt3A_1050 : i1 to i32
        %cond3A_1052 = arith.constant 0 : i32
        %cond3A_1053 = arith.cmpi ne, %convert_element_type3A_1051, %cond3A_1052 : i32
        scf.if %cond3A_1053 {
          %add3A_1130 = arith.constant 8 : i32
          %add3A_1131 = arith.addi %add3A_292, %add3A_1130 : i32
          %jit3A_1132 = arith.constant 8 : i32
          %div3A = arith.divsi %add3A_1131, %jit3A_1132 : i32
          %sign3A = arith.constant 0 : i32
          %sign3A_1133 = arith.cmpi sgt, %add3A_1131, %sign3A : i32
          %sign3A_1134 = arith.extui %sign3A_1133 : i1 to i32
          %sign3A_1135 = arith.constant 0 : i32
          %sign3A_1136 = arith.cmpi slt, %add3A_1131, %sign3A_1135 : i32
          %sign3A_1137 = arith.extui %sign3A_1136 : i1 to i32
          %sign3A_1138 = arith.subi %sign3A_1134, %sign3A_1137 : i32
          %sign3A_1139 = arith.constant 0 : i32
          %sign3A_1140 = arith.cmpi sgt, %jit3A_1132, %sign3A_1139 : i32
          %sign3A_1141 = arith.extui %sign3A_1140 : i1 to i32
          %sign3A_1142 = arith.constant 0 : i32
          %sign3A_1143 = arith.cmpi slt, %jit3A_1132, %sign3A_1142 : i32
          %sign3A_1144 = arith.extui %sign3A_1143 : i1 to i32
          %sign3A_1145 = arith.subi %sign3A_1141, %sign3A_1144 : i32
          %ne3A_1146 = arith.cmpi ne, %sign3A_1138, %sign3A_1145 : i32
          %rem3A_1147 = arith.remsi %add3A_1131, %jit3A_1132 : i32
          %ne3A_1148 = arith.constant 0 : i32
          %ne3A_1149 = arith.cmpi ne, %rem3A_1147, %ne3A_1148 : i32
          %and3A_1150 = arith.andi %ne3A_1146, %ne3A_1149 : i1
          %sub3A = arith.constant 1 : i32
          %sub3A_1151 = arith.subi %div3A, %sub3A : i32
          %select_n3A_1152 = arith.select %and3A_1150, %sub3A_1151, %div3A : i32
          %jit3A_1153 = arith.constant 8 : i32
          %eq3A_1154 = arith.constant 0 : i32
          %eq3A_1155 = arith.cmpi eq, %jit3A_1153, %eq3A_1154 : i32
          %jit3A_1156 = arith.constant 1 : i32
          %select_n3A_1157 = arith.select %eq3A_1155, %jit3A_1156, %jit3A_1153 : i32
          %rem3A_1158 = arith.remsi %add3A_1131, %select_n3A_1157 : i32
          %ne3A_1159 = arith.constant 0 : i32
          %ne3A_1160 = arith.cmpi ne, %rem3A_1158, %ne3A_1159 : i32
          %lt3A_1161 = arith.constant 0 : i32
          %lt3A_1162 = arith.cmpi slt, %rem3A_1158, %lt3A_1161 : i32
          %lt3A_1163 = arith.constant 0 : i32
          %lt3A_1164 = arith.cmpi slt, %select_n3A_1157, %lt3A_1163 : i32
          %ne3A_1165 = arith.xori %lt3A_1162, %lt3A_1164 : i1
          %and3A_1166 = arith.andi %ne3A_1165, %ne3A_1160 : i1
          %add3A_1167 = arith.addi %rem3A_1158, %select_n3A_1157 : i32
          %select_n3A_1168 = arith.select %and3A_1166, %add3A_1167, %rem3A_1158 : i32
          %mul3A_1169 = arith.constant 128 : i32
          %mul3A_1170 = arith.muli %select_n3A_301, %mul3A_1169 : i32
          %dma_start3A_1171 = arith.constant 0 : i32
          %dma_start3A_1172 = tpu.memref_slice %arg6[%mul3A_1170, %dma_start3A_1171] : memref<1024x32xf32, #tpu.memory_space<vmem>> -> memref<128x32xf32, #tpu.memory_space<vmem>>
          %dma_start3A_1173 = arith.constant 0 : i32
          %dma_start3A_1174 = tpu.memref_slice %arg5[%select_n3A_1152, %select_n3A_1168, %dma_start3A_1173] : memref<25x8x128xi32, #tpu.memory_space<vmem>> -> memref<1x1x128xi32, #tpu.memory_space<vmem>>
          %dma_start3A_1175 = tpu.memref_squeeze %dma_start3A_1174 : memref<1x1x128xi32, #tpu.memory_space<vmem>> -> memref<128xi32, #tpu.memory_space<vmem>>
          %dma_start3A_1176 = arith.constant 0 : i32
          %dma_start3A_1177 = arith.constant 0 : i32
          %dma_start3A_1178 = tpu.memref_slice %arg3[%dma_start3A_1176, %dma_start3A_1177] : memref<1000000x32xf32, #tpu.memory_space<hbm>> -> memref<1000000x32xf32, #tpu.memory_space<hbm>>
          %dma_start3A_1179 = tpu.memref_slice %arg8[%select_n3A_301] : memref<8x!tpu.dma_semaphore, #tpu.memory_space<semaphore_mem>> -> memref<1x!tpu.dma_semaphore, #tpu.memory_space<semaphore_mem>>
          %dma_start3A_1180 = tpu.memref_squeeze %dma_start3A_1179 : memref<1x!tpu.dma_semaphore, #tpu.memory_space<semaphore_mem>> -> memref<!tpu.dma_semaphore, #tpu.memory_space<semaphore_mem>>
          tpu.enqueue_indirect_dma source(%dma_start3A_1178 : memref<1000000x32xf32, #tpu.memory_space<hbm>>) target(%dma_start3A_1172 : memref<128x32xf32, #tpu.memory_space<vmem>>) offsets(%dma_start3A_1175 : memref<128xi32, #tpu.memory_space<vmem>>) semaphore(%dma_start3A_1180 : memref<!tpu.dma_semaphore, #tpu.memory_space<semaphore_mem>>)
        } else {
        }
        %mul3A_1054 = arith.constant 32 : i32
        %mul3A_1055 = arith.muli %select_n3A_317, %mul3A_1054 : i32
        %add3A_1056 = arith.constant 0 : i32
        %add3A_1057 = arith.addi %mul3A_1055, %add3A_1056 : i32
        %dma_start3A_1058 = arith.constant 0 : i32
        %dma_start3A_1059 = arith.constant 0 : i32
        %dma_start3A_1060 = tpu.memref_slice %arg7[%add3A_1057, %dma_start3A_1059] : memref<64x128xf32, #tpu.memory_space<vmem>> -> memref<8x128xf32, #tpu.memory_space<vmem>>
        %dma_start3A_1061 = arith.constant 0 : i32
        %dma_start3A_1062 = arith.constant 0 : i32
        %dma_start3A_1063 = tpu.memref_slice %arg4[%add3A_292, %dma_start3A_1058, %add3A_12, %dma_start3A_1061, %dma_start3A_1062] : memref<200x4x128x8x128xf32, #tpu.memory_space<hbm>> -> memref<1x1x1x8x128xf32, #tpu.memory_space<hbm>>
        %dma_start3A_1064 = tpu.memref_squeeze %dma_start3A_1063 : memref<1x1x1x8x128xf32, #tpu.memory_space<hbm>> -> memref<8x128xf32, #tpu.memory_space<hbm>>
        %dma_start3A_1065 = tpu.memref_slice %arg9[%select_n3A_317] : memref<2x!tpu.dma_semaphore, #tpu.memory_space<semaphore_mem>> -> memref<1x!tpu.dma_semaphore, #tpu.memory_space<semaphore_mem>>
        %dma_start3A_1066 = tpu.memref_squeeze %dma_start3A_1065 : memref<1x!tpu.dma_semaphore, #tpu.memory_space<semaphore_mem>> -> memref<!tpu.dma_semaphore, #tpu.memory_space<semaphore_mem>>
        %dma_start3A_1067 = arith.constant 0 : i32
        %dma_start3A_1068 = arith.constant 0 : i32
        %dma_start3A_1069 = tpu.memref_slice %arg4[%add3A_292, %dma_start3A_1058, %add3A_12, %dma_start3A_1067, %dma_start3A_1068] : memref<200x4x128x8x128xf32, #tpu.memory_space<hbm>> -> memref<1x1x1x8x128xf32, #tpu.memory_space<hbm>>
        %dma_start3A_1070 = tpu.memref_squeeze %dma_start3A_1069 : memref<1x1x1x8x128xf32, #tpu.memory_space<hbm>> -> memref<8x128xf32, #tpu.memory_space<hbm>>
        %dma_start3A_1071 = arith.constant 0 : i32
        %dma_start3A_1072 = tpu.memref_slice %arg7[%add3A_1057, %dma_start3A_1071] : memref<64x128xf32, #tpu.memory_space<vmem>> -> memref<8x128xf32, #tpu.memory_space<vmem>>
        tpu.enqueue_dma source(%dma_start3A_1072 : memref<8x128xf32, #tpu.memory_space<vmem>>) target(%dma_start3A_1070 : memref<8x128xf32, #tpu.memory_space<hbm>>) target_semaphore(%dma_start3A_1066 : memref<!tpu.dma_semaphore, #tpu.memory_space<semaphore_mem>>)
        %mul3A_1073 = arith.constant 32 : i32
        %mul3A_1074 = arith.muli %select_n3A_317, %mul3A_1073 : i32
        %add3A_1075 = arith.constant 8 : i32
        %add3A_1076 = arith.addi %mul3A_1074, %add3A_1075 : i32
        %dma_start3A_1077 = arith.constant 1 : i32
        %dma_start3A_1078 = arith.constant 0 : i32
        %dma_start3A_1079 = tpu.memref_slice %arg7[%add3A_1076, %dma_start3A_1078] : memref<64x128xf32, #tpu.memory_space<vmem>> -> memref<8x128xf32, #tpu.memory_space<vmem>>
        %dma_start3A_1080 = arith.constant 0 : i32
        %dma_start3A_1081 = arith.constant 0 : i32
        %dma_start3A_1082 = tpu.memref_slice %arg4[%add3A_292, %dma_start3A_1077, %add3A_12, %dma_start3A_1080, %dma_start3A_1081] : memref<200x4x128x8x128xf32, #tpu.memory_space<hbm>> -> memref<1x1x1x8x128xf32, #tpu.memory_space<hbm>>
        %dma_start3A_1083 = tpu.memref_squeeze %dma_start3A_1082 : memref<1x1x1x8x128xf32, #tpu.memory_space<hbm>> -> memref<8x128xf32, #tpu.memory_space<hbm>>
        %dma_start3A_1084 = tpu.memref_slice %arg9[%select_n3A_317] : memref<2x!tpu.dma_semaphore, #tpu.memory_space<semaphore_mem>> -> memref<1x!tpu.dma_semaphore, #tpu.memory_space<semaphore_mem>>
        %dma_start3A_1085 = tpu.memref_squeeze %dma_start3A_1084 : memref<1x!tpu.dma_semaphore, #tpu.memory_space<semaphore_mem>> -> memref<!tpu.dma_semaphore, #tpu.memory_space<semaphore_mem>>
        %dma_start3A_1086 = arith.constant 0 : i32
        %dma_start3A_1087 = arith.constant 0 : i32
        %dma_start3A_1088 = tpu.memref_slice %arg4[%add3A_292, %dma_start3A_1077, %add3A_12, %dma_start3A_1086, %dma_start3A_1087] : memref<200x4x128x8x128xf32, #tpu.memory_space<hbm>> -> memref<1x1x1x8x128xf32, #tpu.memory_space<hbm>>
        %dma_start3A_1089 = tpu.memref_squeeze %dma_start3A_1088 : memref<1x1x1x8x128xf32, #tpu.memory_space<hbm>> -> memref<8x128xf32, #tpu.memory_space<hbm>>
        %dma_start3A_1090 = arith.constant 0 : i32
        %dma_start3A_1091 = tpu.memref_slice %arg7[%add3A_1076, %dma_start3A_1090] : memref<64x128xf32, #tpu.memory_space<vmem>> -> memref<8x128xf32, #tpu.memory_space<vmem>>
        tpu.enqueue_dma source(%dma_start3A_1091 : memref<8x128xf32, #tpu.memory_space<vmem>>) target(%dma_start3A_1089 : memref<8x128xf32, #tpu.memory_space<hbm>>) target_semaphore(%dma_start3A_1085 : memref<!tpu.dma_semaphore, #tpu.memory_space<semaphore_mem>>)
        %mul3A_1092 = arith.constant 32 : i32
        %mul3A_1093 = arith.muli %select_n3A_317, %mul3A_1092 : i32
        %add3A_1094 = arith.constant 16 : i32
        %add3A_1095 = arith.addi %mul3A_1093, %add3A_1094 : i32
        %dma_start3A_1096 = arith.constant 2 : i32
        %dma_start3A_1097 = arith.constant 0 : i32
        %dma_start3A_1098 = tpu.memref_slice %arg7[%add3A_1095, %dma_start3A_1097] : memref<64x128xf32, #tpu.memory_space<vmem>> -> memref<8x128xf32, #tpu.memory_space<vmem>>
        %dma_start3A_1099 = arith.constant 0 : i32
        %dma_start3A_1100 = arith.constant 0 : i32
        %dma_start3A_1101 = tpu.memref_slice %arg4[%add3A_292, %dma_start3A_1096, %add3A_12, %dma_start3A_1099, %dma_start3A_1100] : memref<200x4x128x8x128xf32, #tpu.memory_space<hbm>> -> memref<1x1x1x8x128xf32, #tpu.memory_space<hbm>>
        %dma_start3A_1102 = tpu.memref_squeeze %dma_start3A_1101 : memref<1x1x1x8x128xf32, #tpu.memory_space<hbm>> -> memref<8x128xf32, #tpu.memory_space<hbm>>
        %dma_start3A_1103 = tpu.memref_slice %arg9[%select_n3A_317] : memref<2x!tpu.dma_semaphore, #tpu.memory_space<semaphore_mem>> -> memref<1x!tpu.dma_semaphore, #tpu.memory_space<semaphore_mem>>
        %dma_start3A_1104 = tpu.memref_squeeze %dma_start3A_1103 : memref<1x!tpu.dma_semaphore, #tpu.memory_space<semaphore_mem>> -> memref<!tpu.dma_semaphore, #tpu.memory_space<semaphore_mem>>
        %dma_start3A_1105 = arith.constant 0 : i32
        %dma_start3A_1106 = arith.constant 0 : i32
        %dma_start3A_1107 = tpu.memref_slice %arg4[%add3A_292, %dma_start3A_1096, %add3A_12, %dma_start3A_1105, %dma_start3A_1106] : memref<200x4x128x8x128xf32, #tpu.memory_space<hbm>> -> memref<1x1x1x8x128xf32, #tpu.memory_space<hbm>>
        %dma_start3A_1108 = tpu.memref_squeeze %dma_start3A_1107 : memref<1x1x1x8x128xf32, #tpu.memory_space<hbm>> -> memref<8x128xf32, #tpu.memory_space<hbm>>
        %dma_start3A_1109 = arith.constant 0 : i32
        %dma_start3A_1110 = tpu.memref_slice %arg7[%add3A_1095, %dma_start3A_1109] : memref<64x128xf32, #tpu.memory_space<vmem>> -> memref<8x128xf32, #tpu.memory_space<vmem>>
        tpu.enqueue_dma source(%dma_start3A_1110 : memref<8x128xf32, #tpu.memory_space<vmem>>) target(%dma_start3A_1108 : memref<8x128xf32, #tpu.memory_space<hbm>>) target_semaphore(%dma_start3A_1104 : memref<!tpu.dma_semaphore, #tpu.memory_space<semaphore_mem>>)
        %mul3A_1111 = arith.constant 32 : i32
        %mul3A_1112 = arith.muli %select_n3A_317, %mul3A_1111 : i32
        %add3A_1113 = arith.constant 24 : i32
        %add3A_1114 = arith.addi %mul3A_1112, %add3A_1113 : i32
        %dma_start3A_1115 = arith.constant 3 : i32
        %dma_start3A_1116 = arith.constant 0 : i32
        %dma_start3A_1117 = tpu.memref_slice %arg7[%add3A_1114, %dma_start3A_1116] : memref<64x128xf32, #tpu.memory_space<vmem>> -> memref<8x128xf32, #tpu.memory_space<vmem>>
        %dma_start3A_1118 = arith.constant 0 : i32
        %dma_start3A_1119 = arith.constant 0 : i32
        %dma_start3A_1120 = tpu.memref_slice %arg4[%add3A_292, %dma_start3A_1115, %add3A_12, %dma_start3A_1118, %dma_start3A_1119] : memref<200x4x128x8x128xf32, #tpu.memory_space<hbm>> -> memref<1x1x1x8x128xf32, #tpu.memory_space<hbm>>
        %dma_start3A_1121 = tpu.memref_squeeze %dma_start3A_1120 : memref<1x1x1x8x128xf32, #tpu.memory_space<hbm>> -> memref<8x128xf32, #tpu.memory_space<hbm>>
        %dma_start3A_1122 = tpu.memref_slice %arg9[%select_n3A_317] : memref<2x!tpu.dma_semaphore, #tpu.memory_space<semaphore_mem>> -> memref<1x!tpu.dma_semaphore, #tpu.memory_space<semaphore_mem>>
        %dma_start3A_1123 = tpu.memref_squeeze %dma_start3A_1122 : memref<1x!tpu.dma_semaphore, #tpu.memory_space<semaphore_mem>> -> memref<!tpu.dma_semaphore, #tpu.memory_space<semaphore_mem>>
        %dma_start3A_1124 = arith.constant 0 : i32
        %dma_start3A_1125 = arith.constant 0 : i32
        %dma_start3A_1126 = tpu.memref_slice %arg4[%add3A_292, %dma_start3A_1115, %add3A_12, %dma_start3A_1124, %dma_start3A_1125] : memref<200x4x128x8x128xf32, #tpu.memory_space<hbm>> -> memref<1x1x1x8x128xf32, #tpu.memory_space<hbm>>
        %dma_start3A_1127 = tpu.memref_squeeze %dma_start3A_1126 : memref<1x1x1x8x128xf32, #tpu.memory_space<hbm>> -> memref<8x128xf32, #tpu.memory_space<hbm>>
        %dma_start3A_1128 = arith.constant 0 : i32
        %dma_start3A_1129 = tpu.memref_slice %arg7[%add3A_1114, %dma_start3A_1128] : memref<64x128xf32, #tpu.memory_space<vmem>> -> memref<8x128xf32, #tpu.memory_space<vmem>>
        tpu.enqueue_dma source(%dma_start3A_1129 : memref<8x128xf32, #tpu.memory_space<vmem>>) target(%dma_start3A_1127 : memref<8x128xf32, #tpu.memory_space<hbm>>) target_semaphore(%dma_start3A_1123 : memref<!tpu.dma_semaphore, #tpu.memory_space<semaphore_mem>>)
      }
      %scan3A_128 = arith.constant 200 : i32
      %dma_wait3A = arith.constant 0 : i32
      %dma_wait3A_129 = arith.constant 0 : i32
      %dma_wait3A_130 = arith.constant 0 : i32
      %dma_wait3A_131 = arith.constant 0 : i32
      %dma_wait3A_132 = arith.constant 0 : i32
      %dma_wait3A_133 = arith.constant 0 : i32
      %dma_wait3A_134 = tpu.memref_slice %arg7[%dma_wait3A_132, %dma_wait3A_133] : memref<64x128xf32, #tpu.memory_space<vmem>> -> memref<8x128xf32, #tpu.memory_space<vmem>>
      %dma_wait3A_135 = arith.constant 0 : i32
      %dma_wait3A_136 = arith.constant 0 : i32
      %dma_wait3A_137 = tpu.memref_slice %arg4[%dma_wait3A, %dma_wait3A_129, %dma_wait3A_130, %dma_wait3A_135, %dma_wait3A_136] : memref<200x4x128x8x128xf32, #tpu.memory_space<hbm>> -> memref<1x1x1x8x128xf32, #tpu.memory_space<hbm>>
      %dma_wait3A_138 = tpu.memref_squeeze %dma_wait3A_137 : memref<1x1x1x8x128xf32, #tpu.memory_space<hbm>> -> memref<8x128xf32, #tpu.memory_space<hbm>>
      %dma_wait3A_139 = tpu.memref_slice %arg9[%dma_wait3A_131] : memref<2x!tpu.dma_semaphore, #tpu.memory_space<semaphore_mem>> -> memref<1x!tpu.dma_semaphore, #tpu.memory_space<semaphore_mem>>
      %dma_wait3A_140 = tpu.memref_squeeze %dma_wait3A_139 : memref<1x!tpu.dma_semaphore, #tpu.memory_space<semaphore_mem>> -> memref<!tpu.dma_semaphore, #tpu.memory_space<semaphore_mem>>
      %dma_wait3A_141 = arith.constant 0 : i32
      %dma_wait3A_142 = arith.constant 0 : i32
      %dma_wait3A_143 = tpu.memref_slice %arg4[%dma_wait3A, %dma_wait3A_129, %dma_wait3A_130, %dma_wait3A_141, %dma_wait3A_142] : memref<200x4x128x8x128xf32, #tpu.memory_space<hbm>> -> memref<1x1x1x8x128xf32, #tpu.memory_space<hbm>>
      %dma_wait3A_144 = tpu.memref_squeeze %dma_wait3A_143 : memref<1x1x1x8x128xf32, #tpu.memory_space<hbm>> -> memref<8x128xf32, #tpu.memory_space<hbm>>
      %dma_wait3A_145 = arith.constant 0 : i32
      %dma_wait3A_146 = arith.constant 0 : i32
      %dma_wait3A_147 = tpu.memref_slice %arg7[%dma_wait3A_145, %dma_wait3A_146] : memref<64x128xf32, #tpu.memory_space<vmem>> -> memref<8x128xf32, #tpu.memory_space<vmem>>
      tpu.wait_dma2 semaphore(%dma_wait3A_140 : memref<!tpu.dma_semaphore, #tpu.memory_space<semaphore_mem>>) src(%dma_wait3A_147 : memref<8x128xf32, #tpu.memory_space<vmem>>) dst(%dma_wait3A_144 : memref<8x128xf32, #tpu.memory_space<hbm>>)
      %dma_wait3A_148 = arith.constant 0 : i32
      %dma_wait3A_149 = arith.constant 1 : i32
      %dma_wait3A_150 = arith.constant 0 : i32
      %dma_wait3A_151 = arith.constant 0 : i32
      %dma_wait3A_152 = arith.constant 8 : i32
      %dma_wait3A_153 = arith.constant 0 : i32
      %dma_wait3A_154 = tpu.memref_slice %arg7[%dma_wait3A_152, %dma_wait3A_153] : memref<64x128xf32, #tpu.memory_space<vmem>> -> memref<8x128xf32, #tpu.memory_space<vmem>>
      %dma_wait3A_155 = arith.constant 0 : i32
      %dma_wait3A_156 = arith.constant 0 : i32
      %dma_wait3A_157 = tpu.memref_slice %arg4[%dma_wait3A_148, %dma_wait3A_149, %dma_wait3A_150, %dma_wait3A_155, %dma_wait3A_156] : memref<200x4x128x8x128xf32, #tpu.memory_space<hbm>> -> memref<1x1x1x8x128xf32, #tpu.memory_space<hbm>>
      %dma_wait3A_158 = tpu.memref_squeeze %dma_wait3A_157 : memref<1x1x1x8x128xf32, #tpu.memory_space<hbm>> -> memref<8x128xf32, #tpu.memory_space<hbm>>
      %dma_wait3A_159 = tpu.memref_slice %arg9[%dma_wait3A_151] : memref<2x!tpu.dma_semaphore, #tpu.memory_space<semaphore_mem>> -> memref<1x!tpu.dma_semaphore, #tpu.memory_space<semaphore_mem>>
      %dma_wait3A_160 = tpu.memref_squeeze %dma_wait3A_159 : memref<1x!tpu.dma_semaphore, #tpu.memory_space<semaphore_mem>> -> memref<!tpu.dma_semaphore, #tpu.memory_space<semaphore_mem>>
      %dma_wait3A_161 = arith.constant 0 : i32
      %dma_wait3A_162 = arith.constant 0 : i32
      %dma_wait3A_163 = tpu.memref_slice %arg4[%dma_wait3A_148, %dma_wait3A_149, %dma_wait3A_150, %dma_wait3A_161, %dma_wait3A_162] : memref<200x4x128x8x128xf32, #tpu.memory_space<hbm>> -> memref<1x1x1x8x128xf32, #tpu.memory_space<hbm>>
      %dma_wait3A_164 = tpu.memref_squeeze %dma_wait3A_163 : memref<1x1x1x8x128xf32, #tpu.memory_space<hbm>> -> memref<8x128xf32, #tpu.memory_space<hbm>>
      %dma_wait3A_165 = arith.constant 8 : i32
      %dma_wait3A_166 = arith.constant 0 : i32
      %dma_wait3A_167 = tpu.memref_slice %arg7[%dma_wait3A_165, %dma_wait3A_166] : memref<64x128xf32, #tpu.memory_space<vmem>> -> memref<8x128xf32, #tpu.memory_space<vmem>>
      tpu.wait_dma2 semaphore(%dma_wait3A_160 : memref<!tpu.dma_semaphore, #tpu.memory_space<semaphore_mem>>) src(%dma_wait3A_167 : memref<8x128xf32, #tpu.memory_space<vmem>>) dst(%dma_wait3A_164 : memref<8x128xf32, #tpu.memory_space<hbm>>)
      %dma_wait3A_168 = arith.constant 0 : i32
      %dma_wait3A_169 = arith.constant 2 : i32
      %dma_wait3A_170 = arith.constant 0 : i32
      %dma_wait3A_171 = arith.constant 0 : i32
      %dma_wait3A_172 = arith.constant 16 : i32
      %dma_wait3A_173 = arith.constant 0 : i32
      %dma_wait3A_174 = tpu.memref_slice %arg7[%dma_wait3A_172, %dma_wait3A_173] : memref<64x128xf32, #tpu.memory_space<vmem>> -> memref<8x128xf32, #tpu.memory_space<vmem>>
      %dma_wait3A_175 = arith.constant 0 : i32
      %dma_wait3A_176 = arith.constant 0 : i32
      %dma_wait3A_177 = tpu.memref_slice %arg4[%dma_wait3A_168, %dma_wait3A_169, %dma_wait3A_170, %dma_wait3A_175, %dma_wait3A_176] : memref<200x4x128x8x128xf32, #tpu.memory_space<hbm>> -> memref<1x1x1x8x128xf32, #tpu.memory_space<hbm>>
      %dma_wait3A_178 = tpu.memref_squeeze %dma_wait3A_177 : memref<1x1x1x8x128xf32, #tpu.memory_space<hbm>> -> memref<8x128xf32, #tpu.memory_space<hbm>>
      %dma_wait3A_179 = tpu.memref_slice %arg9[%dma_wait3A_171] : memref<2x!tpu.dma_semaphore, #tpu.memory_space<semaphore_mem>> -> memref<1x!tpu.dma_semaphore, #tpu.memory_space<semaphore_mem>>
      %dma_wait3A_180 = tpu.memref_squeeze %dma_wait3A_179 : memref<1x!tpu.dma_semaphore, #tpu.memory_space<semaphore_mem>> -> memref<!tpu.dma_semaphore, #tpu.memory_space<semaphore_mem>>
      %dma_wait3A_181 = arith.constant 0 : i32
      %dma_wait3A_182 = arith.constant 0 : i32
      %dma_wait3A_183 = tpu.memref_slice %arg4[%dma_wait3A_168, %dma_wait3A_169, %dma_wait3A_170, %dma_wait3A_181, %dma_wait3A_182] : memref<200x4x128x8x128xf32, #tpu.memory_space<hbm>> -> memref<1x1x1x8x128xf32, #tpu.memory_space<hbm>>
      %dma_wait3A_184 = tpu.memref_squeeze %dma_wait3A_183 : memref<1x1x1x8x128xf32, #tpu.memory_space<hbm>> -> memref<8x128xf32, #tpu.memory_space<hbm>>
      %dma_wait3A_185 = arith.constant 16 : i32
      %dma_wait3A_186 = arith.constant 0 : i32
      %dma_wait3A_187 = tpu.memref_slice %arg7[%dma_wait3A_185, %dma_wait3A_186] : memref<64x128xf32, #tpu.memory_space<vmem>> -> memref<8x128xf32, #tpu.memory_space<vmem>>
      tpu.wait_dma2 semaphore(%dma_wait3A_180 : memref<!tpu.dma_semaphore, #tpu.memory_space<semaphore_mem>>) src(%dma_wait3A_187 : memref<8x128xf32, #tpu.memory_space<vmem>>) dst(%dma_wait3A_184 : memref<8x128xf32, #tpu.memory_space<hbm>>)
      %dma_wait3A_188 = arith.constant 0 : i32
      %dma_wait3A_189 = arith.constant 3 : i32
      %dma_wait3A_190 = arith.constant 0 : i32
      %dma_wait3A_191 = arith.constant 0 : i32
      %dma_wait3A_192 = arith.constant 24 : i32
      %dma_wait3A_193 = arith.constant 0 : i32
      %dma_wait3A_194 = tpu.memref_slice %arg7[%dma_wait3A_192, %dma_wait3A_193] : memref<64x128xf32, #tpu.memory_space<vmem>> -> memref<8x128xf32, #tpu.memory_space<vmem>>
      %dma_wait3A_195 = arith.constant 0 : i32
      %dma_wait3A_196 = arith.constant 0 : i32
      %dma_wait3A_197 = tpu.memref_slice %arg4[%dma_wait3A_188, %dma_wait3A_189, %dma_wait3A_190, %dma_wait3A_195, %dma_wait3A_196] : memref<200x4x128x8x128xf32, #tpu.memory_space<hbm>> -> memref<1x1x1x8x128xf32, #tpu.memory_space<hbm>>
      %dma_wait3A_198 = tpu.memref_squeeze %dma_wait3A_197 : memref<1x1x1x8x128xf32, #tpu.memory_space<hbm>> -> memref<8x128xf32, #tpu.memory_space<hbm>>
      %dma_wait3A_199 = tpu.memref_slice %arg9[%dma_wait3A_191] : memref<2x!tpu.dma_semaphore, #tpu.memory_space<semaphore_mem>> -> memref<1x!tpu.dma_semaphore, #tpu.memory_space<semaphore_mem>>
      %dma_wait3A_200 = tpu.memref_squeeze %dma_wait3A_199 : memref<1x!tpu.dma_semaphore, #tpu.memory_space<semaphore_mem>> -> memref<!tpu.dma_semaphore, #tpu.memory_space<semaphore_mem>>
      %dma_wait3A_201 = arith.constant 0 : i32
      %dma_wait3A_202 = arith.constant 0 : i32
      %dma_wait3A_203 = tpu.memref_slice %arg4[%dma_wait3A_188, %dma_wait3A_189, %dma_wait3A_190, %dma_wait3A_201, %dma_wait3A_202] : memref<200x4x128x8x128xf32, #tpu.memory_space<hbm>> -> memref<1x1x1x8x128xf32, #tpu.memory_space<hbm>>
      %dma_wait3A_204 = tpu.memref_squeeze %dma_wait3A_203 : memref<1x1x1x8x128xf32, #tpu.memory_space<hbm>> -> memref<8x128xf32, #tpu.memory_space<hbm>>
      %dma_wait3A_205 = arith.constant 24 : i32
      %dma_wait3A_206 = arith.constant 0 : i32
      %dma_wait3A_207 = tpu.memref_slice %arg7[%dma_wait3A_205, %dma_wait3A_206] : memref<64x128xf32, #tpu.memory_space<vmem>> -> memref<8x128xf32, #tpu.memory_space<vmem>>
      tpu.wait_dma2 semaphore(%dma_wait3A_200 : memref<!tpu.dma_semaphore, #tpu.memory_space<semaphore_mem>>) src(%dma_wait3A_207 : memref<8x128xf32, #tpu.memory_space<vmem>>) dst(%dma_wait3A_204 : memref<8x128xf32, #tpu.memory_space<hbm>>)
      %dma_wait3A_208 = arith.constant 0 : i32
      %dma_wait3A_209 = arith.constant 0 : i32
      %dma_wait3A_210 = arith.constant 0 : i32
      %dma_wait3A_211 = arith.constant 1 : i32
      %dma_wait3A_212 = arith.constant 0 : i32
      %dma_wait3A_213 = arith.constant 0 : i32
      %dma_wait3A_214 = tpu.memref_slice %arg7[%dma_wait3A_212, %dma_wait3A_213] : memref<64x128xf32, #tpu.memory_space<vmem>> -> memref<8x128xf32, #tpu.memory_space<vmem>>
      %dma_wait3A_215 = arith.constant 0 : i32
      %dma_wait3A_216 = arith.constant 0 : i32
      %dma_wait3A_217 = tpu.memref_slice %arg4[%dma_wait3A_208, %dma_wait3A_209, %dma_wait3A_210, %dma_wait3A_215, %dma_wait3A_216] : memref<200x4x128x8x128xf32, #tpu.memory_space<hbm>> -> memref<1x1x1x8x128xf32, #tpu.memory_space<hbm>>
      %dma_wait3A_218 = tpu.memref_squeeze %dma_wait3A_217 : memref<1x1x1x8x128xf32, #tpu.memory_space<hbm>> -> memref<8x128xf32, #tpu.memory_space<hbm>>
      %dma_wait3A_219 = tpu.memref_slice %arg9[%dma_wait3A_211] : memref<2x!tpu.dma_semaphore, #tpu.memory_space<semaphore_mem>> -> memref<1x!tpu.dma_semaphore, #tpu.memory_space<semaphore_mem>>
      %dma_wait3A_220 = tpu.memref_squeeze %dma_wait3A_219 : memref<1x!tpu.dma_semaphore, #tpu.memory_space<semaphore_mem>> -> memref<!tpu.dma_semaphore, #tpu.memory_space<semaphore_mem>>
      %dma_wait3A_221 = arith.constant 0 : i32
      %dma_wait3A_222 = arith.constant 0 : i32
      %dma_wait3A_223 = tpu.memref_slice %arg4[%dma_wait3A_208, %dma_wait3A_209, %dma_wait3A_210, %dma_wait3A_221, %dma_wait3A_222] : memref<200x4x128x8x128xf32, #tpu.memory_space<hbm>> -> memref<1x1x1x8x128xf32, #tpu.memory_space<hbm>>
      %dma_wait3A_224 = tpu.memref_squeeze %dma_wait3A_223 : memref<1x1x1x8x128xf32, #tpu.memory_space<hbm>> -> memref<8x128xf32, #tpu.memory_space<hbm>>
      %dma_wait3A_225 = arith.constant 0 : i32
      %dma_wait3A_226 = arith.constant 0 : i32
      %dma_wait3A_227 = tpu.memref_slice %arg7[%dma_wait3A_225, %dma_wait3A_226] : memref<64x128xf32, #tpu.memory_space<vmem>> -> memref<8x128xf32, #tpu.memory_space<vmem>>
      tpu.wait_dma2 semaphore(%dma_wait3A_220 : memref<!tpu.dma_semaphore, #tpu.memory_space<semaphore_mem>>) src(%dma_wait3A_227 : memref<8x128xf32, #tpu.memory_space<vmem>>) dst(%dma_wait3A_224 : memref<8x128xf32, #tpu.memory_space<hbm>>)
      %dma_wait3A_228 = arith.constant 0 : i32
      %dma_wait3A_229 = arith.constant 1 : i32
      %dma_wait3A_230 = arith.constant 0 : i32
      %dma_wait3A_231 = arith.constant 1 : i32
      %dma_wait3A_232 = arith.constant 8 : i32
      %dma_wait3A_233 = arith.constant 0 : i32
      %dma_wait3A_234 = tpu.memref_slice %arg7[%dma_wait3A_232, %dma_wait3A_233] : memref<64x128xf32, #tpu.memory_space<vmem>> -> memref<8x128xf32, #tpu.memory_space<vmem>>
      %dma_wait3A_235 = arith.constant 0 : i32
      %dma_wait3A_236 = arith.constant 0 : i32
      %dma_wait3A_237 = tpu.memref_slice %arg4[%dma_wait3A_228, %dma_wait3A_229, %dma_wait3A_230, %dma_wait3A_235, %dma_wait3A_236] : memref<200x4x128x8x128xf32, #tpu.memory_space<hbm>> -> memref<1x1x1x8x128xf32, #tpu.memory_space<hbm>>
      %dma_wait3A_238 = tpu.memref_squeeze %dma_wait3A_237 : memref<1x1x1x8x128xf32, #tpu.memory_space<hbm>> -> memref<8x128xf32, #tpu.memory_space<hbm>>
      %dma_wait3A_239 = tpu.memref_slice %arg9[%dma_wait3A_231] : memref<2x!tpu.dma_semaphore, #tpu.memory_space<semaphore_mem>> -> memref<1x!tpu.dma_semaphore, #tpu.memory_space<semaphore_mem>>
      %dma_wait3A_240 = tpu.memref_squeeze %dma_wait3A_239 : memref<1x!tpu.dma_semaphore, #tpu.memory_space<semaphore_mem>> -> memref<!tpu.dma_semaphore, #tpu.memory_space<semaphore_mem>>
      %dma_wait3A_241 = arith.constant 0 : i32
      %dma_wait3A_242 = arith.constant 0 : i32
      %dma_wait3A_243 = tpu.memref_slice %arg4[%dma_wait3A_228, %dma_wait3A_229, %dma_wait3A_230, %dma_wait3A_241, %dma_wait3A_242] : memref<200x4x128x8x128xf32, #tpu.memory_space<hbm>> -> memref<1x1x1x8x128xf32, #tpu.memory_space<hbm>>
      %dma_wait3A_244 = tpu.memref_squeeze %dma_wait3A_243 : memref<1x1x1x8x128xf32, #tpu.memory_space<hbm>> -> memref<8x128xf32, #tpu.memory_space<hbm>>
      %dma_wait3A_245 = arith.constant 8 : i32
      %dma_wait3A_246 = arith.constant 0 : i32
      %dma_wait3A_247 = tpu.memref_slice %arg7[%dma_wait3A_245, %dma_wait3A_246] : memref<64x128xf32, #tpu.memory_space<vmem>> -> memref<8x128xf32, #tpu.memory_space<vmem>>
      tpu.wait_dma2 semaphore(%dma_wait3A_240 : memref<!tpu.dma_semaphore, #tpu.memory_space<semaphore_mem>>) src(%dma_wait3A_247 : memref<8x128xf32, #tpu.memory_space<vmem>>) dst(%dma_wait3A_244 : memref<8x128xf32, #tpu.memory_space<hbm>>)
      %dma_wait3A_248 = arith.constant 0 : i32
      %dma_wait3A_249 = arith.constant 2 : i32
      %dma_wait3A_250 = arith.constant 0 : i32
      %dma_wait3A_251 = arith.constant 1 : i32
      %dma_wait3A_252 = arith.constant 16 : i32
      %dma_wait3A_253 = arith.constant 0 : i32
      %dma_wait3A_254 = tpu.memref_slice %arg7[%dma_wait3A_252, %dma_wait3A_253] : memref<64x128xf32, #tpu.memory_space<vmem>> -> memref<8x128xf32, #tpu.memory_space<vmem>>
      %dma_wait3A_255 = arith.constant 0 : i32
      %dma_wait3A_256 = arith.constant 0 : i32
      %dma_wait3A_257 = tpu.memref_slice %arg4[%dma_wait3A_248, %dma_wait3A_249, %dma_wait3A_250, %dma_wait3A_255, %dma_wait3A_256] : memref<200x4x128x8x128xf32, #tpu.memory_space<hbm>> -> memref<1x1x1x8x128xf32, #tpu.memory_space<hbm>>
      %dma_wait3A_258 = tpu.memref_squeeze %dma_wait3A_257 : memref<1x1x1x8x128xf32, #tpu.memory_space<hbm>> -> memref<8x128xf32, #tpu.memory_space<hbm>>
      %dma_wait3A_259 = tpu.memref_slice %arg9[%dma_wait3A_251] : memref<2x!tpu.dma_semaphore, #tpu.memory_space<semaphore_mem>> -> memref<1x!tpu.dma_semaphore, #tpu.memory_space<semaphore_mem>>
      %dma_wait3A_260 = tpu.memref_squeeze %dma_wait3A_259 : memref<1x!tpu.dma_semaphore, #tpu.memory_space<semaphore_mem>> -> memref<!tpu.dma_semaphore, #tpu.memory_space<semaphore_mem>>
      %dma_wait3A_261 = arith.constant 0 : i32
      %dma_wait3A_262 = arith.constant 0 : i32
      %dma_wait3A_263 = tpu.memref_slice %arg4[%dma_wait3A_248, %dma_wait3A_249, %dma_wait3A_250, %dma_wait3A_261, %dma_wait3A_262] : memref<200x4x128x8x128xf32, #tpu.memory_space<hbm>> -> memref<1x1x1x8x128xf32, #tpu.memory_space<hbm>>
      %dma_wait3A_264 = tpu.memref_squeeze %dma_wait3A_263 : memref<1x1x1x8x128xf32, #tpu.memory_space<hbm>> -> memref<8x128xf32, #tpu.memory_space<hbm>>
      %dma_wait3A_265 = arith.constant 16 : i32
      %dma_wait3A_266 = arith.constant 0 : i32
      %dma_wait3A_267 = tpu.memref_slice %arg7[%dma_wait3A_265, %dma_wait3A_266] : memref<64x128xf32, #tpu.memory_space<vmem>> -> memref<8x128xf32, #tpu.memory_space<vmem>>
      tpu.wait_dma2 semaphore(%dma_wait3A_260 : memref<!tpu.dma_semaphore, #tpu.memory_space<semaphore_mem>>) src(%dma_wait3A_267 : memref<8x128xf32, #tpu.memory_space<vmem>>) dst(%dma_wait3A_264 : memref<8x128xf32, #tpu.memory_space<hbm>>)
      %dma_wait3A_268 = arith.constant 0 : i32
      %dma_wait3A_269 = arith.constant 3 : i32
      %dma_wait3A_270 = arith.constant 0 : i32
      %dma_wait3A_271 = arith.constant 1 : i32
      %dma_wait3A_272 = arith.constant 24 : i32
      %dma_wait3A_273 = arith.constant 0 : i32
      %dma_wait3A_274 = tpu.memref_slice %arg7[%dma_wait3A_272, %dma_wait3A_273] : memref<64x128xf32, #tpu.memory_space<vmem>> -> memref<8x128xf32, #tpu.memory_space<vmem>>
      %dma_wait3A_275 = arith.constant 0 : i32
      %dma_wait3A_276 = arith.constant 0 : i32
      %dma_wait3A_277 = tpu.memref_slice %arg4[%dma_wait3A_268, %dma_wait3A_269, %dma_wait3A_270, %dma_wait3A_275, %dma_wait3A_276] : memref<200x4x128x8x128xf32, #tpu.memory_space<hbm>> -> memref<1x1x1x8x128xf32, #tpu.memory_space<hbm>>
      %dma_wait3A_278 = tpu.memref_squeeze %dma_wait3A_277 : memref<1x1x1x8x128xf32, #tpu.memory_space<hbm>> -> memref<8x128xf32, #tpu.memory_space<hbm>>
      %dma_wait3A_279 = tpu.memref_slice %arg9[%dma_wait3A_271] : memref<2x!tpu.dma_semaphore, #tpu.memory_space<semaphore_mem>> -> memref<1x!tpu.dma_semaphore, #tpu.memory_space<semaphore_mem>>
      %dma_wait3A_280 = tpu.memref_squeeze %dma_wait3A_279 : memref<1x!tpu.dma_semaphore, #tpu.memory_space<semaphore_mem>> -> memref<!tpu.dma_semaphore, #tpu.memory_space<semaphore_mem>>
      %dma_wait3A_281 = arith.constant 0 : i32
      %dma_wait3A_282 = arith.constant 0 : i32
      %dma_wait3A_283 = tpu.memref_slice %arg4[%dma_wait3A_268, %dma_wait3A_269, %dma_wait3A_270, %dma_wait3A_281, %dma_wait3A_282] : memref<200x4x128x8x128xf32, #tpu.memory_space<hbm>> -> memref<1x1x1x8x128xf32, #tpu.memory_space<hbm>>
      %dma_wait3A_284 = tpu.memref_squeeze %dma_wait3A_283 : memref<1x1x1x8x128xf32, #tpu.memory_space<hbm>> -> memref<8x128xf32, #tpu.memory_space<hbm>>
      %dma_wait3A_285 = arith.constant 24 : i32
      %dma_wait3A_286 = arith.constant 0 : i32
      %dma_wait3A_287 = tpu.memref_slice %arg7[%dma_wait3A_285, %dma_wait3A_286] : memref<64x128xf32, #tpu.memory_space<vmem>> -> memref<8x128xf32, #tpu.memory_space<vmem>>
      tpu.wait_dma2 semaphore(%dma_wait3A_280 : memref<!tpu.dma_semaphore, #tpu.memory_space<semaphore_mem>>) src(%dma_wait3A_287 : memref<8x128xf32, #tpu.memory_space<vmem>>) dst(%dma_wait3A_284 : memref<8x128xf32, #tpu.memory_space<hbm>>)
    }
    %scan3A_4 = arith.constant 4 : i32
    return
  }
}

</mosaic_0001>

<sc_bundles>
// kernel: _lookup.3.cloned.1.call-start
scs
__scs_entry_jumppad:
0x0: {  	(pc) =	sbr.rel $0x88, $3  }
0x1: {  	(tag) =	ssettag $0x0;
	lr =	simm.s32 $0x1  }
0x2: {  	[smem:$0x3F9F] =	sst lr;
	_ =	strace $0xD0000000  }
0x3: {  	_ = 	snop  }
0x4: {  	_ = 	snop  }
0x5: {  	_ = 	snop  }
0x6: {  	_ = 	snop  }
0x7: {  	_ = 	snop  }
__scs_overlays_trampoline_lowered:
0x8: {  	[smem:$0x3FAE] =	sst s0  }
0x9: {  	[smem:$0x3FAF] =	sst s1  }
0xa: {  	[smem:$0x3FB0] =	sst s2  }
0xb: {  	[smem:$0x3FB1] =	sst s3  }
0xc: {  	[smem:$0x3FB2] =	sst s4  }
0xd: {  	[smem:$0x3FB3] =	sst s5  }
0xe: {  	[smem:$0x3FB4] =	sst s6  }
0xf: {  	[smem:$0x3FB5] =	sst s7  }
0x10: {  	[smem:$0x3FB6] =	sst s8  }
0x11: {  	[smem:$0x3FB7] =	sst s9;
	s0 =	simm.s32 @!p0 $0x0  }
0x12: {  	s1 =	sld [smem:$0x3F9D];
	s0 =	simm.s32 @p0 $0x1  }
0x13: {  	[smem:$0x3FB8] =	sst s0;
	s0 =	simm.s32 @!p1 $0x0  }
0x14: {  	s2 =	sld [smem:$0x3F9C];
	s0 =	simm.s32 @p1 $0x1  }
0x15: {  	[smem:$0x3FB9] =	sst s0;
	s0 =	simm.s32 @!p2 $0x0  }
0x16: {  	s3 =	sld [smem:$0x3FDB];
	s0 =	simm.s32 @p2 $0x1  }
0x17: {  	s4 =	simm.s32 $0x1BF5;
	[smem:$0x3FBB] =	sst s0  }
0x18: {  	s0 =	sld [smem:$0x3F9E];
	_ =	swait.ge [sflag:s4], $0x0  }
0x19: {  	s7 =	sld [smem:$0x3F9F]  }
0x1a: {  	s8 =	sadd.s32 $0xFFFFE003, lr  }
0x1b: {  	s9 =	sadd.s32 $0xFFFFFEF7, lr;
	s5 =	simm.s32 $0xFFFFFFFF;
	p2 =	slt.u32 s8, $0xFFFFF086  }
0x1c: {  	p1 =	slt.u32 s9, $0xF7A;
	s5 =	simm.s32 @!p2 $0x0  }
0x1d: {  	s5 =	simm.s32 @p1 $0x1;
	p0 =	seq.s32 s7, s2  }
0x1e: {  	s7 =	smul.u32 @!p0 $0xF7A, s2;
	p2 =	seq.s32 @!p0 s5, $0x0  }
0x1f: {  	s9 =	smul.u32 $0xF7A, s1;
	s8 =	simm.s32 @!p0 $0x1BF5;
	p2 =	por !p2, p0  }
0x20: {  	[sflag:s8] =	ssyncset.s32 @!p0 $0xFFFFF086;
	s6 =	sadd.s32 @!p0 s3, s7;
	s7 =	simm.s32 @!p0 $0x108  }
0x21: {  	s3 =	sadd.s32 s3, s9;
	s6 =	sadd.s32 @!p0 $0x88, s6;
	s7 =	simm.s32 @p2 $0x1082  }
0x22: {  	[simem:s7], [sflag:s8] =	dma.local @!p0 [hbm:s6], $0xF7A  }
0x23: {  	s9 =	sor.u32 $0xD0000000, s2;
	s6 =	simm.s32 $0x108;
	_ =	swait.ge @!p0 [sflag:s8], $0x0  }
0x24: {  	s3 =	sadd.s32 $0x88, s3;
	s6 =	simm.s32 @!p1 $0x1082;
	[sflag:s4] =	ssyncset.s32 $0xFFFFF086  }
0x25: {  	[simem:s6], [sflag:s4] =	dma.local [hbm:s3], $0xF7A  }
0x26: {  	[smem:$0x3F9F] =	sst s1;
	(tag) =	ssettag s2;
	_ =	strace s9  }
0x27: {  	s1 =	sld [smem:$0x3FAF]  }
0x28: {  	s2 =	sld [smem:$0x3FB0]  }
0x29: {  	s4 =	sld [smem:$0x3FB2]  }
0x2a: {  	p0 =	seq.s32 s5, $0x0;
	s5 =	sld [smem:$0x3FB3]  }
0x2b: {  	s6 =	sld [smem:$0x3FB4]  }
0x2c: {  	s7 =	sld [smem:$0x3FB5]  }
0x2d: {  	s3 =	simm.s32 $0x108;
	s8 =	sld [smem:$0x3FB6]  }
0x2e: {  	s3 =	simm.s32 @!p0 $0x1082;
	s9 =	sld [smem:$0x3FB7]  }
0x2f: {  	lr =	sadd.s32 s0, s3;
	s0 =	sld [smem:$0x3FAE]  }
0x30: {  	s3 =	sld [smem:$0x3FB1]  }
0x31: {  	[smem:$0x3FBA] =	sst s10  }
0x32: {  	s10 =	sld [smem:$0x3FB8];
	_ =	sdelay $0x3  }
0x33: {  	p0 =	seq.s32 s10, $0x1;
	s10 =	sld [smem:$0x3FBA];
	_ =	sdelay $0x3  }
0x34: {  	[smem:$0x3FBA] =	sst s10  }
0x35: {  	s10 =	sld [smem:$0x3FB9];
	_ =	sdelay $0x3  }
0x36: {  	p1 =	seq.s32 s10, $0x1;
	s10 =	sld [smem:$0x3FBA];
	_ =	sdelay $0x3  }
0x37: {  	[smem:$0x3FBA] =	sst s10  }
0x38: {  	s10 =	sld [smem:$0x3FBB]  }
0x39: {  	_ = 	snop;
	(pc) =	sbr.ind lr, $3  }
0x3a: {  	_ = 	snop  }
0x3b: {  	_ = 	snop  }
0x3c: {  	p2 =	seq.s32 s10, $0x1;
	s10 =	sld [smem:$0x3FBA]  }
0x3d: {  	_ =	shalt  }
0x3e: {  	_ =	shalt  }
0x3f: {  	_ =	shalt  }
0x40: {  	_ =	shalt  }
0x41: {  	_ =	shalt  }
0x42: {  	_ =	shalt  }
0x43: {  	_ =	shalt  }
0x44: {  	_ =	shalt  }
0x45: {  	_ =	shalt  }
0x46: {  	_ =	shalt  }
0x47: {  	_ =	shalt  }
0x48: {  	_ =	shalt  }
0x49: {  	_ =	shalt  }
0x4a: {  	_ =	shalt  }
0x4b: {  	_ =	shalt  }
0x4c: {  	_ =	shalt  }
0x4d: {  	_ =	shalt  }
0x4e: {  	_ =	shalt  }
0x4f: {  	_ =	shalt  }
0x50: {  	_ =	shalt  }
0x51: {  	_ =	shalt  }
0x52: {  	_ =	shalt  }
0x53: {  	_ =	shalt  }
0x54: {  	_ =	shalt  }
0x55: {  	_ =	shalt  }
0x56: {  	_ =	shalt  }
0x57: {  	_ =	shalt  }
0x58: {  	_ =	shalt  }
0x59: {  	_ =	shalt  }
0x5a: {  	_ =	shalt  }
0x5b: {  	_ =	shalt  }
0x5c: {  	_ =	shalt  }
0x5d: {  	_ =	shalt  }
0x5e: {  	_ =	shalt  }
0x5f: {  	_ =	shalt  }
0x60: {  	_ =	shalt  }
0x61: {  	_ =	shalt  }
0x62: {  	_ =	shalt  }
0x63: {  	_ =	shalt  }
0x64: {  	_ =	shalt  }
0x65: {  	_ =	shalt  }
0x66: {  	_ =	shalt  }
0x67: {  	_ =	shalt  }
0x68: {  	_ =	shalt  }
0x69: {  	_ =	shalt  }
0x6a: {  	_ =	shalt  }
0x6b: {  	_ =	shalt  }
0x6c: {  	_ =	shalt  }
0x6d: {  	_ =	shalt  }
0x6e: {  	_ =	shalt  }
0x6f: {  	_ =	shalt  }
0x70: {  	_ =	shalt  }
0x71: {  	_ =	shalt  }
0x72: {  	_ =	shalt  }
0x73: {  	_ =	shalt  }
0x74: {  	_ =	shalt  }
0x75: {  	_ =	shalt  }
0x76: {  	_ =	shalt  }
0x77: {  	_ =	shalt  }
0x78: {  	_ =	shalt  }
0x79: {  	_ =	shalt  }
0x7a: {  	_ =	shalt  }
0x7b: {  	_ =	shalt  }
0x7c: {  	_ =	shalt  }
0x7d: {  	_ =	shalt  }
0x7e: {  	_ =	shalt  }
0x7f: {  	_ =	shalt  }
0x80: {  	_ =	shalt  }
0x81: {  	_ =	shalt  }
0x82: {  	_ =	shalt  }
0x83: {  	_ =	shalt  }
0x84: {  	_ =	shalt  }
0x85: {  	_ =	shalt  }
0x86: {  	_ =	shalt  }
0x87: {  	_ =	shalt  }
.Lfunc_end0:
.L_simem_size_0:
called_computation_lowered:
.L_overlay_start_0:
0x88: {  	s2 =	sld [smem:$0x3FD9]  }
0x89: {  	s3 =	sld [smem:$0x3FFE];
	_ =	sdelay $0x1  }
0x8a: {  	s1 =	srdreg.scid  }
0x8b: {  	s0 =	sand.u32 $0x1, s1  }
0x8c: {  	s17 =	sshll.u32 s0, $0xA;
	s2 =	sadd.s32 s3, s2  }
0x8d: {  	s2 =	sadd.s32 s2, s17  }
0x8e: {  	[smem:$0x3FC6] =	sst s2  }
0x8f: {  	_ = 	snop  }
0x90: {  	s2 =	sld [smem:$0x3FC9]  }
0x91: {  	s18 =	sld [smem:$0x3FD0];
	(tm) =	ssettm $0x1  }
0x92: {  	s4 =	sld [smem:$0x3FFB];
	_ =	sdelay $0x3  }
0x93: {  	_ =	strace s4  }
0x94: {  	s4 =	sld [smem:$0x3FFC];
	_ =	sdelay $0x3  }
0x95: {  	_ =	strace s4  }
0x96: {  	s4 =	sld [smem:$0x3FFD];
	_ =	sdelay $0x3  }
0x97: {  	_ =	strace s4  }
0x98: {  	_ =	strace $0x8FFFFFFF  }
0x99: {  	s19 =	sld [smem:$0x3FDB];
	_ =	sdelay $0x1  }
0x9a: {  	s5 =	simm.s32 $_scs_section_size  }
0x9b: {  	s6 =	simm.s32 $_size__tile_overlayer_lowered;
	s7 =	simm.s32 $_tile_overlayer_lowered  }
0x9c: {  	s22 =	simm.s32 $0x1BFF;
	s21 =	sshll.u32 s7, $0x1;
	s4 =	sadd.s32 s5, s19  }
0x9d: {  	s8 =	simm.s32 $0x0;
	s20 =	sshll.u32 s6, $0x1;
	s6 =	sadd.s32 s21, s4  }
0x9e: {  	[timem:s8], [sflag:s22] =	dma.local [hbm:s6], s20  }
0x9f: {  	_ =	swait.ge [sflag:s22], s20  }
0xa0: {  	s5 =	ssub.s32 $0x0, s20;
	[sflag:s22] =	ssyncset.done $0x0  }
0xa1: {  	[sflag:s22] =	ssyncadd.s32 s5;
	_ =	sdelay $0x1  }
0xa2: {  	s23 =	simm.s32 $0x1B8B  }
0xa3: {  	_ =	swait.ge [sflag:s23], $0x1  }
0xa4: {  	[sflag:s23] =	ssyncset.done $0x0  }
0xa5: {  	s25 =	simm.s32 $0x1B8E;
	s24 =	sld [smem:$0x3FFE];
	[sflag:s23] =	ssyncadd.s32 $0xFFFFFFFF  }
0xa6: {  	s26 =	simm.s32 $execute0_lowered;
	[smem:$0x3FD2] =	sst s25  }
0xa7: {  	s6 =	sshll.u32 s26, $0x1;
	_ =	strace $0x80000046;
	[dreg:$0x1] =	wrdreg $0xFFFFFFFF  }
0xa8: {  	s28 =	simm.s32 $_size_execute0_lowered;
	s4 =	sadd.s32 s4, s6;
	[dreg:$0x0] =	wrdreg $0x0  }
0xa9: {  	s6 =	sshll.u32 s28, $0x1;
	[dreg:$0x2] =	wrdreg s4  }
0xaa: {  	[dreg:$0x3] =	wrdreg s6  }
0xab: {  	[dreg:$0x4] =	wrdreg $0xC0  }
0xac: {  	_ =	task [dreg:s8], $0x5FFFF  }
0xad: {  	[dreg:$0x1] =	wrdreg $0xFFFFFFFF  }
0xae: {  	[dreg:$0x0] =	wrdreg $0x60  }
0xaf: {  	[dreg:$0x2] =	wrdreg s2  }
0xb0: {  	[dreg:$0x3] =	wrdreg s24  }
0xb1: {  	[dreg:$0x4] =	wrdreg s18  }
0xb2: {  	[dreg:$0x5] =	wrdreg $0x9  }
0xb3: {  	_ =	task.clear_ibuf [dreg:s8], $0x6FFFF;
	_ =	strace $0x90000046  }
0xb4: {  	s29 =	simm.s32 $0x9;
	_ =	strace $0x80000048  }
0xb5: {  	_ =	swait.ge [sflag:s29], $0x1  }
0xb6: {  	[sflag:s29] =	ssyncadd.s32 $0xFFFFFFFF  }
0xb7: {  	_ =	strace $0x90000048  }
0xb8: {  	_ =	sfence  }
0xb9: {  	s30 =	sld [smem:$0x0];
	_ =	sdelay $0x2  }
0xba: {  	s31 =	sshll.u32 s1, $0xD;
	s1 =	sshrl.u32 s1, $0x2  }
0xbb: {  	s3 =	sand.u32 $0x4000, s31;
	s1 =	sadd.s32 s1, s30  }
0xbc: {  	s0 =	sor.u32 s3, s0;
	s1 =	sshll.u32 s1, $0x11  }
0xbd: {  	s0 =	sor.u32 s1, s0  }
0xbe: {  	s0 =	sadd.s32 $0x8F2B, s0  }
0xbf: {  	[sflag:s0] =	ssyncadd.remote.s32 $0x1  }
0xc0: {  	_ =	sfence.sel $0xFFFF  }
0xc1: {  	[dreg:$0x0] =	wrdreg $0xFFFFFFFF;
	(pc) =	sbr.abs _section_cstart, $3  }
0xc2: {  	[dreg:$0x1] =	wrdreg $0xFFFFFFFF  }
0xc3: {  	_ =	task.clear_ibuf [dreg:s8], $0x2FFFF;
	_ =	strace $0x9FFFFFFF  }
0xc4: {  	(tm) =	ssettm $0x7FFFFFFF  }
0xc5: {  	_ =	shalt  }
tec
execute0_lowered:
.L_overlay_start_1:
0x0: {  	(tag) =	ssettag $0x1  }
0x1: {  	v38 =	vlaneseq.u32;
	v5 =	vimm.s32 $0x700  }
0x2: {  	vm2 =	vcmask $0x300;
	vm3 =	vcmask $0x704;
	vm4 =	vcmask $0xB08  }
0x3: {  	vm5 =	vcmask $0xF0C;
	vm6 =	vcmask $0x1310;
	vm7 =	vcmask $0x1714  }
0x4: {  	vm8 =	vcmask $0x1B18;
	vm0 =	vcmask $0x1F1C;
	v9 =	vimm.s32 $0x680  }
0x5: {  	vm1 =	vcmask $0x2320;
	v10 =	vimm.s32 $0x600;
	vm10 =	vcmask $0x2724  }
0x6: {  	vm12 =	vcmask $0x2B28;
	vm13 =	vcmask $0x2F2C;
	vm14 =	vcmask $0x3330  }
0x7: {  	vm9 =	vcmask $0x3734;
	vm11 =	vcmask $0x3B38;
	v11 =	vimm.s32 $0x10FEDCBA  }
0x8: {  	v12 =	vimm.s32 $0x98765432;
	v13 =	vimm.s32 $0x210FEDCB;
	v14 =	vimm.s32 $0xA9876543  }
0x9: {  	v17 =	vimm.s32 $0x3210FEDC;
	v18 =	vimm.s32 $0xBA987654;
	v51 =	vimm.s32 $0x43210FED  }
0xa: {  	v54 =	vimm.s32 $0xCBA98765;
	v19 =	vimm.s32 $0xDCBA9876;
	v20 =	vimm.s32 $0x6543210F  }
0xb: {  	v21 =	vimm.s32 $0xEDCBA987;
	v25 =	vimm.s32 $0xFEDCBA98;
	v27 =	vimm.s32 $0x76543210  }
0xc: {  	v0 =	vmul.u32 $0x20, v38;
	v5 =	vsel vm2, $0x780, v5;
	v9 =	vsel vm2, $0x700, v9  }
0xd: {  	v10 =	vsel vm2, $0x680, v10;
	v11 =	vunpack.c.l.s4.s8 v11;
	v12 =	vunpack.c.l.s4.s8 v12  }
0xe: {  	v13 =	vunpack.c.l.s4.s8 v13;
	v14 =	vunpack.c.l.s4.s8 v14;
	v17 =	vunpack.c.l.s4.s8 v17  }
0xf: {  	v18 =	vunpack.c.l.s4.s8 v18;
	v19 =	vunpack.c.l.s4.s8 v19;
	v20 =	vunpack.c.l.s4.s8 v20  }
0x10: {  	v21 =	vunpack.c.l.s4.s8 v21;
	v5 =	vsel vm3, $0x0, v5;
	v9 =	vsel vm3, $0x780, v9  }
0x11: {  	v10 =	vsel vm3, $0x700, v10;
	v52 =	vor.u32 $0xE00, v0;
	v53 =	vor.u32 $0xC00, v0  }
0x12: {  	v33 =	vor.u32 $0xA00, v0;
	v45 =	vor.u32 $0x800, v0;
	v5 =	vsel vm4, $0x80, v5  }
0x13: {  	v39 =	vor.u32 $0x600, v0;
	v57 =	vor.u32 $0x400, v0;
	v58 =	vor.u32 $0x200, v0  }
0x14: {  	v9 =	vsel vm4, $0x0, v9;
	v10 =	vsel vm4, $0x780, v10;
	v5 =	vsel vm5, $0x100, v5  }
0x15: {  	v11 =	vunpack.c.0.s8.s32 v11;
	v9 =	vsel vm5, $0x80, v9;
	v5 =	vsel vm6, $0x180, v5  }
0x16: {  	v12 =	vunpack.c.0.s8.s32 v12;
	v9 =	vsel vm6, $0x100, v9;
	v5 =	vsel vm7, $0x200, v5  }
0x17: {  	v10 =	vsel vm5, $0x0, v10;
	v9 =	vsel vm7, $0x180, v9;
	v5 =	vsel vm8, $0x280, v5  }
0x18: {  	v10 =	vsel vm6, $0x80, v10;
	v9 =	vsel vm8, $0x200, v9;
	v5 =	vsel vm0, $0x300, v5  }
0x19: {  	v10 =	vsel vm7, $0x100, v10;
	v9 =	vsel vm0, $0x280, v9;
	v5 =	vsel vm1, $0x380, v5  }
0x1a: {  	v10 =	vsel vm8, $0x180, v10;
	v9 =	vsel vm1, $0x300, v9;
	v5 =	vsel vm10, $0x400, v5  }
0x1b: {  	v10 =	vsel vm0, $0x200, v10;
	v9 =	vsel vm10, $0x380, v9;
	v5 =	vsel vm12, $0x480, v5  }
0x1c: {  	v10 =	vsel vm1, $0x280, v10;
	v9 =	vsel vm12, $0x400, v9;
	v5 =	vsel vm13, $0x500, v5  }
0x1d: {  	v10 =	vsel vm10, $0x300, v10;
	v9 =	vsel vm13, $0x480, v9;
	v5 =	vsel vm14, $0x580, v5  }
0x1e: {  	v10 =	vsel vm12, $0x380, v10;
	v9 =	vsel vm14, $0x500, v9;
	v5 =	vsel vm9, $0x600, v5  }
0x1f: {  	v50 =	vmovc v0;
	v0 =	vsel vm11, $0x680, v5;
	v5 =	vsel vm9, $0x580, v9;
	v9 =	vsel vm13, $0x400, v10  }
0x20: {  	[tilespmem:$0x1FD20] =	vst v0;
	v0 =	vsel vm11, $0x600, v5;
	v5 =	vsel vm14, $0x480, v9;
	v9 =	vimm.s32 $0x580  }
0x21: {  	v10 =	vimm.s32 $0x500;
	v5 =	vsel vm9, $0x500, v5;
	v9 =	vsel vm2, $0x600, v9  }
0x22: {  	[tilespmem:$0x1FD30] =	vst v0;
	v0 =	vsel vm11, $0x580, v5;
	v5 =	vsel vm3, $0x680, v9;
	v9 =	vsel vm2, $0x580, v10  }
0x23: {  	v10 =	vimm.s32 $0x480;
	v5 =	vsel vm4, $0x700, v5;
	v9 =	vsel vm3, $0x600, v9  }
0x24: {  	v10 =	vsel vm2, $0x500, v10;
	v5 =	vsel vm5, $0x780, v5;
	v9 =	vsel vm4, $0x680, v9  }
0x25: {  	v10 =	vsel vm3, $0x580, v10;
	v5 =	vsel vm6, $0x0, v5;
	v9 =	vsel vm5, $0x700, v9  }
0x26: {  	v10 =	vsel vm4, $0x600, v10;
	v5 =	vsel vm7, $0x80, v5;
	v9 =	vsel vm6, $0x780, v9  }
0x27: {  	v10 =	vsel vm5, $0x680, v10;
	v5 =	vsel vm8, $0x100, v5;
	v9 =	vsel vm7, $0x0, v9  }
0x28: {  	v10 =	vsel vm6, $0x700, v10;
	v5 =	vsel vm0, $0x180, v5;
	v9 =	vsel vm8, $0x80, v9  }
0x29: {  	v10 =	vsel vm7, $0x780, v10;
	v5 =	vsel vm1, $0x200, v5;
	v9 =	vsel vm0, $0x100, v9  }
0x2a: {  	v10 =	vsel vm8, $0x0, v10;
	v5 =	vsel vm10, $0x280, v5;
	v9 =	vsel vm1, $0x180, v9  }
0x2b: {  	v10 =	vsel vm0, $0x80, v10;
	v5 =	vsel vm12, $0x300, v5;
	v9 =	vsel vm10, $0x200, v9  }
0x2c: {  	v10 =	vsel vm1, $0x100, v10;
	v5 =	vsel vm13, $0x380, v5;
	v9 =	vsel vm12, $0x280, v9  }
0x2d: {  	v10 =	vsel vm10, $0x180, v10;
	v5 =	vsel vm14, $0x400, v5;
	v9 =	vsel vm13, $0x300, v9  }
0x2e: {  	v10 =	vsel vm12, $0x200, v10;
	v5 =	vsel vm9, $0x480, v5;
	v9 =	vsel vm14, $0x380, v9  }
0x2f: {  	v35 =	vsel vm11, $0x500, v5;
	v5 =	vsel vm9, $0x400, v9;
	v9 =	vsel vm13, $0x280, v10  }
0x30: {  	[tilespmem:$0x1FD40] =	vst v0;
	v0 =	vsel vm11, $0x480, v5;
	v5 =	vsel vm14, $0x300, v9;
	v9 =	vimm.s32 $0x400  }
0x31: {  	v10 =	vimm.s32 $0x380;
	v5 =	vsel vm9, $0x380, v5;
	v9 =	vsel vm2, $0x480, v9  }
0x32: {  	v31 =	vsel vm11, $0x400, v5;
	v5 =	vsel vm3, $0x500, v9;
	v9 =	vsel vm2, $0x400, v10  }
0x33: {  	v10 =	vimm.s32 $0x300;
	v5 =	vsel vm4, $0x580, v5;
	v9 =	vsel vm3, $0x480, v9  }
0x34: {  	v10 =	vsel vm2, $0x380, v10;
	v5 =	vsel vm5, $0x600, v5;
	v9 =	vsel vm4, $0x500, v9  }
0x35: {  	v10 =	vsel vm3, $0x400, v10;
	v5 =	vsel vm6, $0x680, v5;
	v9 =	vsel vm5, $0x580, v9  }
0x36: {  	v10 =	vsel vm4, $0x480, v10;
	v5 =	vsel vm7, $0x700, v5;
	v9 =	vsel vm6, $0x600, v9  }
0x37: {  	v10 =	vsel vm5, $0x500, v10;
	v5 =	vsel vm8, $0x780, v5;
	v9 =	vsel vm7, $0x680, v9  }
0x38: {  	v10 =	vsel vm6, $0x580, v10;
	v5 =	vsel vm0, $0x0, v5;
	v9 =	vsel vm8, $0x700, v9  }
0x39: {  	v10 =	vsel vm7, $0x600, v10;
	v5 =	vsel vm1, $0x80, v5;
	v9 =	vsel vm0, $0x780, v9  }
0x3a: {  	v10 =	vsel vm8, $0x680, v10;
	v5 =	vsel vm10, $0x100, v5;
	v9 =	vsel vm1, $0x0, v9  }
0x3b: {  	v10 =	vsel vm0, $0x700, v10;
	v5 =	vsel vm12, $0x180, v5;
	v9 =	vsel vm10, $0x80, v9  }
0x3c: {  	v10 =	vsel vm1, $0x780, v10;
	v5 =	vsel vm13, $0x200, v5;
	v9 =	vsel vm12, $0x100, v9  }
0x3d: {  	v10 =	vsel vm10, $0x0, v10;
	v5 =	vsel vm14, $0x280, v5;
	v9 =	vsel vm13, $0x180, v9  }
0x3e: {  	v10 =	vsel vm12, $0x80, v10;
	v5 =	vsel vm9, $0x300, v5;
	v9 =	vsel vm14, $0x200, v9  }
0x3f: {  	v49 =	vsel vm11, $0x380, v5;
	v5 =	vsel vm9, $0x280, v9;
	v9 =	vsel vm13, $0x100, v10  }
0x40: {  	[tilespmem:$0x1FD50] =	vst v0;
	v0 =	vsel vm11, $0x300, v5;
	v5 =	vsel vm14, $0x180, v9;
	v9 =	vimm.s32 $0x280  }
0x41: {  	v10 =	vimm.s32 $0x200;
	v5 =	vsel vm9, $0x200, v5;
	v9 =	vsel vm2, $0x300, v9  }
0x42: {  	v32 =	vsel vm11, $0x280, v5;
	v5 =	vsel vm3, $0x380, v9;
	v9 =	vsel vm2, $0x280, v10  }
0x43: {  	v10 =	vimm.s32 $0x180;
	v5 =	vsel vm4, $0x400, v5;
	v9 =	vsel vm3, $0x300, v9  }
0x44: {  	v10 =	vsel vm2, $0x200, v10;
	v5 =	vsel vm5, $0x480, v5;
	v9 =	vsel vm4, $0x380, v9  }
0x45: {  	v10 =	vsel vm3, $0x280, v10;
	v5 =	vsel vm6, $0x500, v5;
	v9 =	vsel vm5, $0x400, v9  }
0x46: {  	v10 =	vsel vm4, $0x300, v10;
	v5 =	vsel vm7, $0x580, v5;
	v9 =	vsel vm6, $0x480, v9  }
0x47: {  	v10 =	vsel vm5, $0x380, v10;
	v5 =	vsel vm8, $0x600, v5;
	v9 =	vsel vm7, $0x500, v9  }
0x48: {  	v10 =	vsel vm6, $0x400, v10;
	v5 =	vsel vm0, $0x680, v5;
	v9 =	vsel vm8, $0x580, v9  }
0x49: {  	v10 =	vsel vm7, $0x480, v10;
	v5 =	vsel vm1, $0x700, v5;
	v9 =	vsel vm0, $0x600, v9  }
0x4a: {  	v10 =	vsel vm8, $0x500, v10;
	v5 =	vsel vm10, $0x780, v5;
	v9 =	vsel vm1, $0x680, v9  }
0x4b: {  	v10 =	vsel vm0, $0x580, v10;
	v5 =	vsel vm12, $0x0, v5;
	v9 =	vsel vm10, $0x700, v9  }
0x4c: {  	v10 =	vsel vm1, $0x600, v10;
	v5 =	vsel vm13, $0x80, v5;
	v9 =	vsel vm12, $0x780, v9  }
0x4d: {  	v10 =	vsel vm10, $0x680, v10;
	v5 =	vsel vm14, $0x100, v5;
	v9 =	vsel vm13, $0x0, v9  }
0x4e: {  	v10 =	vsel vm12, $0x700, v10;
	v5 =	vsel vm9, $0x180, v5;
	v9 =	vsel vm14, $0x80, v9  }
0x4f: {  	v62 =	vsel vm11, $0x200, v5;
	v5 =	vsel vm9, $0x100, v9;
	v9 =	vsel vm13, $0x780, v10  }
0x50: {  	v55 =	vsel vm11, $0x180, v5;
	v5 =	vsel vm14, $0x0, v9;
	v9 =	vimm.s32 $0x100  }
0x51: {  	v13 =	vunpack.c.0.s8.s32 v13;
	v5 =	vsel vm9, $0x80, v5;
	v9 =	vsel vm2, $0x180, v9  }
0x52: {  	v10 =	vimm.s32 $0x80;
	v56 =	vsel vm11, $0x100, v5;
	v5 =	vsel vm3, $0x200, v9  }
0x53: {  	v14 =	vunpack.c.0.s8.s32 v14;
	v9 =	vsel vm2, $0x100, v10;
	v5 =	vsel vm4, $0x280, v5  }
0x54: {  	v10 =	vimm.s32 $0x0;
	v9 =	vsel vm3, $0x180, v9;
	v5 =	vsel vm5, $0x300, v5  }
0x55: {  	v10 =	vsel vm2, $0x80, v10;
	v9 =	vsel vm4, $0x200, v9;
	v5 =	vsel vm6, $0x380, v5  }
0x56: {  	v10 =	vsel vm3, $0x100, v10;
	v9 =	vsel vm5, $0x280, v9;
	v5 =	vsel vm7, $0x400, v5  }
0x57: {  	v10 =	vsel vm4, $0x180, v10;
	v9 =	vsel vm6, $0x300, v9;
	v5 =	vsel vm8, $0x480, v5  }
0x58: {  	v10 =	vsel vm5, $0x200, v10;
	v9 =	vsel vm7, $0x380, v9;
	v5 =	vsel vm0, $0x500, v5  }
0x59: {  	v10 =	vsel vm6, $0x280, v10;
	v9 =	vsel vm8, $0x400, v9;
	v5 =	vsel vm1, $0x580, v5  }
0x5a: {  	v10 =	vsel vm7, $0x300, v10;
	v9 =	vsel vm0, $0x480, v9;
	v5 =	vsel vm10, $0x600, v5  }
0x5b: {  	v10 =	vsel vm8, $0x380, v10;
	v9 =	vsel vm1, $0x500, v9;
	v5 =	vsel vm12, $0x680, v5  }
0x5c: {  	v10 =	vsel vm0, $0x400, v10;
	v9 =	vsel vm10, $0x580, v9;
	v5 =	vsel vm13, $0x700, v5  }
0x5d: {  	v10 =	vsel vm1, $0x480, v10;
	v9 =	vsel vm12, $0x600, v9;
	v5 =	vsel vm14, $0x780, v5  }
0x5e: {  	v10 =	vsel vm10, $0x500, v10;
	v9 =	vsel vm13, $0x680, v9;
	v5 =	vsel vm9, $0x0, v5  }
0x5f: {  	v10 =	vsel vm12, $0x580, v10;
	v9 =	vsel vm14, $0x700, v9;
	v30 =	vsel vm11, $0x80, v5  }
0x60: {  	v5 =	vsel vm9, $0x780, v9;
	v9 =	vsel vm13, $0x600, v10;
	v10 =	vimm.s32 $0x87654321  }
0x61: {  	v28 =	vsel vm11, $0x0, v5;
	v5 =	vsel vm14, $0x680, v9;
	v9 =	vimm.s32 $0xFEDCBA9  }
0x62: {  	v48 =	vunpack.c.0.s8.s32 v18;
	v10 =	vunpack.c.l.s4.s8 v10;
	v9 =	vunpack.c.l.s4.s8 v9  }
0x63: {  	v18 =	vimm.s32 $0x543210FE;
	v19 =	vunpack.c.0.s8.s32 v19;
	v20 =	vunpack.c.0.s8.s32 v20  }
0x64: {  	v21 =	vunpack.c.0.s8.s32 v21;
	v10 =	vunpack.c.0.s8.s32 v10;
	v9 =	vunpack.c.0.s8.s32 v9  }
0x65: {  	v18 =	vunpack.c.l.s4.s8 v18;
	v16 =	vcombine.low v14, v13;
	v5 =	vsel vm9, $0x700, v5  }
0x66: {  	v15 =	vcombine.low v12, v11;
	v63 =	vsel vm11, $0x780, v5;
	v5 =	vcombine.low v10, v9  }
0x67: {  	v18 =	vunpack.c.0.s8.s32 v18;
	v37 =	vand.u32 $0xF, v16;
	v16 =	vunpack.c.l.s4.s8 v51  }
0x68: {  	s0 =	rddreg [dreg:$0x1];
	s3 =	simm.s32 $0x0;
	v40 =	vand.u32 $0xF, v5;
	v5 =	vunpack.c.0.s8.s32 v17;
	v17 =	vunpack.c.l.s4.s8 v54  }
0x69: {  	v25 =	vunpack.c.l.s4.s8 v25;
	[smem:$0x7FF] =	sst s3;
	v26 =	vcombine.low v21, v20;
	v24 =	vcombine.low v19, v18;
	[tilespmem:$0x1FD60] =	vst v0  }
0x6a: {  	s2 =	rddreg [dreg:$0x2];
	v60 =	vcombine.low v20, v21;
	v16 =	vunpack.c.0.s8.s32 v16;
	_ =	strace $0x80000047;
	[tilespmem:$0x1FE40] =	vst v35;
	v17 =	vunpack.c.0.s8.s32 v17  }
0x6b: {  	v34 =	vand.u32 $0xF, v15;
	v24 =	vand.u32 $0xF, v24;
	[tilespmem:$0x1FE50] =	vst v45;
	v22 =	vcombine.low v48, v5  }
0x6c: {  	v26 =	vand.u32 $0xF, v26;
	[tilespmem:$0x1FE60] =	vst v24;
	v9 =	vcombine.low v9, v10;
	v23 =	vcombine.low v17, v16  }
0x6d: {  	[tilespmem:$0x1FE70] =	vst v26;
	v10 =	vcombine.low v11, v12;
	v0 =	vand.u32 $0xF, v22;
	v22 =	vunpack.c.l.s4.s8 v27  }
0x6e: {  	[tilespmem:$0x1FF20] =	vst v37;
	v5 =	vcombine.low v5, v48;
	v46 =	vand.u32 $0xF, v23;
	v23 =	vunpack.c.0.s8.s32 v25  }
0x6f: {  	v29 =	vmul.u32 $0x80, v38;
	v47 =	vand.u32 $0xF, v60;
	[tilespmem:$0x1FF30] =	vst v34;
	v22 =	vunpack.c.0.s8.s32 v22  }
0x70: {  	[tilespmem:$0x1FF50] =	vst v47;
	v36 =	vand.u32 $0xF, v5;
	v25 =	vand.u32 $0xF, v10;
	v11 =	vand.u32 $0xF, v23  }
0x71: {  	[tilespmem:$0x1FF60] =	vst v29;
	v10 =	vimm.s32 $0x1C1B1A19;
	v22 =	vcombine.low v11, v22;
	v11 =	vimm.s32 $0x101F1E1D  }
0x72: {  	[tilespmem:$0x1FFB0] =	vst v57;
	v5 =	vcombine.low v16, v17;
	v61 =	vunpack.c.0.s8.s32 v10;
	v10 =	vunpack.c.0.s8.s32 v11  }
0x73: {  	[tilespmem:$0x1FFC0] =	vst v39;
	vm0 =	vcmask $0x1F10  }
0x74: {  	[tilespmem:$0x1FFD0] =	vst v33;
	v20 =	vand.u32 $0xF, v5;
	v5 =	vsel vm0, v10, v61  }
0x75: {  	[tilespmem:$0x1FD80] =	vst v5;
	v5 =	vimm.s32 $0x14131211  }
0x76: {  	[tilespmem:$0x1FFE0] =	vst v50;
	v54 =	vunpack.c.0.s8.s32 v5;
	v5 =	vimm.s32 $0x18171615  }
0x77: {  	[tilespmem:$0x1FFF0] =	vst v58;
	v42 =	vunpack.c.0.s8.s32 v5;
	v5 =	vimm.s32 $0x11101F1E  }
0x78: {  	[tilespmem:$0x1FFA0] =	vst v56;
	v5 =	vunpack.c.0.s8.s32 v5  }
0x79: {  	[tilespmem:$0x1FF90] =	vst v30;
	v23 =	vand.u32 $0xF, v9;
	v9 =	vcombine.low v18, v19  }
0x7a: {  	[tilespmem:$0x1FD90] =	vst v5;
	v5 =	vimm.s32 $0x15141312  }
0x7b: {  	[tilespmem:$0x1FF80] =	vst v28;
	v21 =	vand.u32 $0xF, v9;
	v9 =	vimm.s32 $0x1D1C1B1A;
	v5 =	vunpack.c.0.s8.s32 v5  }
0x7c: {  	[tilespmem:$0x1FF70] =	vst v63;
	v41 =	vunpack.c.0.s8.s32 v9;
	v9 =	vimm.s32 $0x19181716  }
0x7d: {  	v59 =	vcombine.low v13, v14;
	[tilespmem:$0x1FDA0] =	vst v5;
	v5 =	vunpack.c.0.s8.s32 v9  }
0x7e: {  	[tilespmem:$0x1FF40] =	vst v40  }
0x7f: {  	v27 =	vand.u32 $0xF, v59;
	[tilespmem:$0x1FDB0] =	vst v5;
	v5 =	vimm.s32 $0x1E1D1C1B  }
0x80: {  	[tilespmem:$0x1FEB0] =	vst v27;
	v5 =	vunpack.c.0.s8.s32 v5  }
0x81: {  	[tilespmem:$0x1FED0] =	vst v36  }
0x82: {  	[tilespmem:$0x1FDC0] =	vst v5;
	v5 =	vimm.s32 $0x1211101F  }
0x83: {  	[tilespmem:$0x1FF10] =	vst v0;
	v5 =	vunpack.c.0.s8.s32 v5  }
0x84: {  	[tilespmem:$0x1FEA0] =	vst v25;
	v9 =	vimm.s32 $0x16151413  }
0x85: {  	[tilespmem:$0x1FDD0] =	vst v5;
	v5 =	vunpack.c.0.s8.s32 v9  }
0x86: {  	[tilespmem:$0x1FEE0] =	vst v20  }
0x87: {  	[tilespmem:$0x1FDE0] =	vst v5;
	v5 =	vimm.s32 $0x1A191817  }
0x88: {  	s1 =	srdreg.scid;
	s7 =	stileid.u32;
	[tilespmem:$0x1FF00] =	vst v46;
	v5 =	vunpack.c.0.s8.s32 v5  }
0x89: {  	s9 =	simm.s32 $0xB;
	s11 =	simm.s32 $0x6400;
	s17 =	simm.s32 $0x200;
	[tilespmem:$0x1FE90] =	vst v23  }
0x8a: {  	s18 =	simm.s32 $0xA400;
	s19 =	simm.s32 $0x280;
	s20 =	simm.s32 $0xB400;
	[tilespmem:$0x1FDF0] =	vst v5;
	v5 =	vimm.s32 $0x1F1E1D1C  }
0x8b: {  	s21 =	simm.s32 $0x300;
	s22 =	simm.s32 $0x80;
	s23 =	simm.s32 $0xC400;
	[tilespmem:$0x1FEC0] =	vst v61;
	v5 =	vunpack.c.0.s8.s32 v5  }
0x8c: {  	s28 =	simm.s32 $0xE400;
	s29 =	simm.s32 $0x9;
	s1 =	sand.u32 $0x1, s1;
	[tilespmem:$0x1FE80] =	vst v22  }
0x8d: {  	s30 =	simm.s32 $0xA;
	s5 =	sadd.s32 $0xF42800, s0;
	s4 =	ssub.s32 $0x2, s1;
	[tilespmem:$0x1FE00] =	vst v5;
	v5 =	vimm.s32 $0x17161514  }
0x8e: {  	s25 =	sshll.u32 s7, $0x3;
	s26 =	sshll.u32 s7, $0xA;
	s24 =	sshrl.u32 s4, $0x1;
	[tilespmem:$0x1FEF0] =	vst v21;
	v9 =	vimm.s32 $0x13121110;
	v5 =	vunpack.c.0.s8.s32 v5  }
0x8f: {  	s6 =	sshll.u32 s1, $0x2;
	s1 =	sshll.u32 s1, $0x9;
	s0 =	ssub.s32 s4, s24;
	[tilespmem:$0x1FD70] =	vst v10;
	v10 =	vimm.s32 $0x1B1A1918;
	v9 =	vunpack.c.0.s8.s32 v9  }
0x90: {  	v1 =	vor.u32 $0x10, v38;
	s6 =	sor.u32 s6, s25;
	s31 =	sor.u32 s1, s26;
	s0 =	smax.u32 s0, $0x1;
	[tilespmem:$0x1FE20] =	vst v5;
	v5 =	vunpack.c.0.s8.s32 v10  }
0x91: {  	v2 =	vor.u32 $0x20, v38;
	v3 =	vor.u32 $0x30, v38;
	v4 =	vor.u32 $0x40, v38;
	s25 =	simm.s32 $0x100;
	s26 =	simm.s32 $0xD400;
	[dreg:$0x4] =	wrdreg s0;
	[tilespmem:$0x1FE10] =	vst v9  }
0x92: {  	v6 =	vor.u32 $0x50, v38;
	v7 =	vor.u32 $0x60, v38;
	v8 =	vor.u32 $0x70, v38;
	s1 =	simm.s32 $0x0;
	s24 =	simm.s32 $0x380;
	[dreg:$0x5] =	wrdreg s31;
	[tilespmem:$0x1FE30] =	vst v5  }
.LBB2_1:
0x93: {  	[dreg:$0x6] =	wrdreg s1  }
0x94: {  	s31 =	rddreg [dreg:$0x5];
	s4 =	simm.s32 $0x0  }
.LBB2_2:
0x95: {  	s0 =	sadd.s32 s6, s4  }
0x96: {  	s1 =	rddreg [dreg:$0x0];
	s10 =	simm.s32 $0x0;
	s0 =	sshll.u32 s0, $0x7  }
0x97: {  	s12 =	simm.s32 $0x400;
	s7 =	simm.s32 $0x20000;
	s0 =	sadd.s32 s1, s0  }
0x98: {  	[tilespmem:s10], [sflag:$0xB] =	stream.strided.gather [hbm4b:s0+s12], $0x6400, s7, s12, $0x38;
	[tilespmem:$0x10400] =	vst v63  }
0x99: {  	_ =	swait.ge [sflag:s9], $0x6400  }
0x9a: {  	[sflag:s9] =	ssyncset.done $0x0  }
0x9b: {  	[sflag:s9] =	ssyncadd.s32 $0xFFFF9C00  }
0x9c: {  	[tilespmem:s11], [sflag:$0x1] =	stream.indirect.gather [hbm4b:s5+s22], $0x20, s10, s22, $0xb8;
	[tilespmem:$0x10400] =	vst v63  }
0x9d: {  	s13 =	simm.s32 $0x7400  }
0x9e: {  	[tilespmem:s13], [sflag:$0x2] =	stream.indirect.gather [hbm4b:s5+s22], $0x20, s22, s22, $0xb8;
	[tilespmem:$0x10400] =	vst v63  }
0x9f: {  	s14 =	simm.s32 $0x8400  }
0xa0: {  	[tilespmem:s14], [sflag:$0x3] =	stream.indirect.gather [hbm4b:s5+s22], $0x20, s25, s22, $0xb8;
	[tilespmem:$0x10400] =	vst v63  }
0xa1: {  	s15 =	simm.s32 $0x180;
	s16 =	simm.s32 $0x9400  }
0xa2: {  	[tilespmem:s16], [sflag:$0x4] =	stream.indirect.gather [hbm4b:s5+s22], $0x20, s15, s22, $0xb8;
	[tilespmem:$0x10400] =	vst v63  }
0xa3: {  	_ = 	snop  }
0xa4: {  	[tilespmem:s18], [sflag:$0x5] =	stream.indirect.gather [hbm4b:s5+s22], $0x20, s17, s22, $0xb8;
	[tilespmem:$0x10400] =	vst v63  }
0xa5: {  	_ = 	snop  }
0xa6: {  	[tilespmem:s20], [sflag:$0x6] =	stream.indirect.gather [hbm4b:s5+s22], $0x20, s19, s22, $0xb8;
	[tilespmem:$0x10400] =	vst v63  }
0xa7: {  	_ = 	snop  }
0xa8: {  	[tilespmem:s23], [sflag:$0x7] =	stream.indirect.gather [hbm4b:s5+s22], $0x20, s21, s22, $0xb8;
	[tilespmem:$0x10400] =	vst v63  }
0xa9: {  	s1 =	simm.s32 $0x1000;
	s0 =	simm.s32 $0x0;
	s16 =	smov.u32 s31  }
0xaa: {  	[tilespmem:s26], [sflag:$0x8] =	stream.indirect.gather [hbm4b:s5+s22], $0x20, s24, s22, $0xb8;
	[tilespmem:$0x10400] =	vst v63  }
.LBB2_3:
0xab: {  	s7 =	sand.u32 $0x1, s0;
	p0 =	slt.u32 s0, $0x2  }
0xac: {  	s12 =	sadd.s32 @!p0 $0x9, s7  }
0xad: {  	_ =	swait.ge @!p0 [sflag:s12], $0x400  }
0xae: {  	[sflag:s12] =	ssyncset.done @!p0 $0x0  }
0xaf: {  	[sflag:s12] =	ssyncadd.s32 @!p0 $0xFFFFFC00  }
0xb0: {  	_ =	swait.ge @!p0 [sflag:s12], $0x400  }
0xb1: {  	[sflag:s12] =	ssyncset.done @!p0 $0x0  }
0xb2: {  	s8 =	sand.u32 $0x7, s0;
	[sflag:s12] =	ssyncadd.s32 @!p0 $0xFFFFFC00  }
0xb3: {  	s13 =	sshll.u32 s8, $0x7;
	_ =	swait.ge @!p0 [sflag:s12], $0x400  }
0xb4: {  	v5 =	vmov s13;
	[sflag:s12] =	ssyncset.done @!p0 $0x0  }
0xb5: {  	v15 =	vshll.u32 v5, $0x5;
	[sflag:s12] =	ssyncadd.s32 @!p0 $0xFFFFFC00  }
0xb6: {  	v5 =	vor.u32 v50, v15;
	_ =	swait.ge @!p0 [sflag:s12], $0x400  }
0xb7: {  	v9 =	vor.u32 v38, v5;
	[sflag:s12] =	ssyncset.done @!p0 $0x0  }
0xb8: {  	s15 =	sshll.u32 s7, $0x5;
	[sflag:s12] =	ssyncadd.s32 @!p0 $0xFFFFFC00;
	s12 =	sadd.s32 $0x1, s8  }
0xb9: {  	v10 =	vmov s15;
	_ =	swait.ge [sflag:s12], $0x1000  }
0xba: {  	v44 =	vshll.u32 v10, $0x7;
	[sflag:s12] =	ssyncset.done $0x0  }
0xbb: {  	v16 =	vor.u32 v29, v44;
	[sflag:s12] =	ssyncadd.s32 $0xFFFFF000  }
0xbc: {  	v11 =	vor.u32 v38, v16;
	v10 =	vld.idx.msk [tilespmem:v9+s11+$0x0], $0xffff;
	v9 =	vor.u32 v58, v15  }
0xbd: {  	v12 =	vor.u32 v38, v9;
	_ =	sdelay $0x3  }
0xbe: {  	[tilespmem:v11+s28+$0x0] =	vst.idx.msk $0xffff, v10  }
0xbf: {  	v58 =	vor.u32 v1, v16;
	v10 =	vor.u32 v57, v15;
	v11 =	vld.idx.msk [tilespmem:v12+s11+$0x0], $0xffff  }
0xc0: {  	v13 =	vor.u32 v38, v10;
	_ =	sdelay $0x3  }
0xc1: {  	[tilespmem:v58+s28+$0x0] =	vst.idx.msk $0xffff, v11  }
0xc2: {  	v59 =	vor.u32 v2, v16;
	v11 =	vor.u32 v39, v15;
	v12 =	vld.idx.msk [tilespmem:v13+s11+$0x0], $0xffff  }
0xc3: {  	v14 =	vor.u32 v38, v11;
	_ =	sdelay $0x3  }
0xc4: {  	[tilespmem:v59+s28+$0x0] =	vst.idx.msk $0xffff, v12  }
0xc5: {  	v60 =	vor.u32 v3, v16;
	v12 =	vor.u32 v45, v15;
	v13 =	vld.idx.msk [tilespmem:v14+s11+$0x0], $0xffff  }
0xc6: {  	v17 =	vor.u32 v38, v12;
	_ =	sdelay $0x3  }
0xc7: {  	[tilespmem:v60+s28+$0x0] =	vst.idx.msk $0xffff, v13  }
0xc8: {  	v61 =	vor.u32 v4, v16;
	v13 =	vor.u32 v33, v15;
	v14 =	vld.idx.msk [tilespmem:v17+s11+$0x0], $0xffff  }
0xc9: {  	v18 =	vor.u32 v38, v13;
	_ =	sdelay $0x3  }
0xca: {  	[tilespmem:v61+s28+$0x0] =	vst.idx.msk $0xffff, v14  }
0xcb: {  	v14 =	vor.u32 v53, v15;
	v17 =	vld.idx.msk [tilespmem:v18+s11+$0x0], $0xffff;
	v18 =	vor.u32 v6, v16  }
0xcc: {  	v19 =	vor.u32 v38, v14;
	_ =	sdelay $0x3  }
0xcd: {  	[tilespmem:v18+s28+$0x0] =	vst.idx.msk $0xffff, v17  }
0xce: {  	v15 =	vor.u32 v52, v15;
	v18 =	vor.u32 v7, v16;
	v17 =	vld.idx.msk [tilespmem:v19+s11+$0x0], $0xffff  }
0xcf: {  	v19 =	vor.u32 v38, v15;
	_ =	sdelay $0x3  }
0xd0: {  	[tilespmem:v18+s28+$0x0] =	vst.idx.msk $0xffff, v17  }
0xd1: {  	v16 =	vor.u32 v8, v16;
	v17 =	vld.idx.msk [tilespmem:v19+s11+$0x0], $0xffff  }
0xd2: {  	v18 =	vor.u32 v40, v5;
	_ =	sdelay $0x3  }
0xd3: {  	v39 =	vor.u32 v63, v44;
	[tilespmem:v16+s28+$0x0] =	vst.idx.msk $0xffff, v17  }
0xd4: {  	v17 =	vld.idx.msk [tilespmem:v18+s11+$0x0], $0xffff;
	v18 =	vor.u32 v38, v39  }
0xd5: {  	v19 =	vor.u32 v40, v9;
	_ =	sdelay $0x3  }
0xd6: {  	[tilespmem:v18+s28+$0x0] =	vst.idx.msk $0xffff, v17  }
0xd7: {  	v18 =	vor.u32 v1, v39;
	v17 =	vld.idx.msk [tilespmem:v19+s11+$0x0], $0xffff  }
0xd8: {  	v19 =	vor.u32 v40, v10;
	_ =	sdelay $0x3  }
0xd9: {  	[tilespmem:v18+s28+$0x0] =	vst.idx.msk $0xffff, v17  }
0xda: {  	v18 =	vor.u32 v2, v39;
	v17 =	vld.idx.msk [tilespmem:v19+s11+$0x0], $0xffff  }
0xdb: {  	v19 =	vor.u32 v40, v11;
	_ =	sdelay $0x3  }
0xdc: {  	[tilespmem:v18+s28+$0x0] =	vst.idx.msk $0xffff, v17  }
0xdd: {  	v18 =	vor.u32 v3, v39;
	v17 =	vld.idx.msk [tilespmem:v19+s11+$0x0], $0xffff  }
0xde: {  	v19 =	vor.u32 v40, v12;
	_ =	sdelay $0x3  }
0xdf: {  	[tilespmem:v18+s28+$0x0] =	vst.idx.msk $0xffff, v17  }
0xe0: {  	v18 =	vor.u32 v4, v39;
	v17 =	vld.idx.msk [tilespmem:v19+s11+$0x0], $0xffff  }
0xe1: {  	v19 =	vor.u32 v40, v13;
	_ =	sdelay $0x3  }
0xe2: {  	[tilespmem:v18+s28+$0x0] =	vst.idx.msk $0xffff, v17  }
0xe3: {  	v18 =	vor.u32 v6, v39;
	v17 =	vld.idx.msk [tilespmem:v19+s11+$0x0], $0xffff  }
0xe4: {  	v19 =	vor.u32 v40, v14;
	_ =	sdelay $0x3  }
0xe5: {  	[tilespmem:v18+s28+$0x0] =	vst.idx.msk $0xffff, v17  }
0xe6: {  	v18 =	vor.u32 v7, v39;
	v17 =	vld.idx.msk [tilespmem:v19+s11+$0x0], $0xffff  }
0xe7: {  	v19 =	vor.u32 v40, v15;
	_ =	sdelay $0x3  }
0xe8: {  	[tilespmem:v18+s28+$0x0] =	vst.idx.msk $0xffff, v17  }
0xe9: {  	v16 =	vor.u32 v8, v39;
	v17 =	vld.idx.msk [tilespmem:v19+s11+$0x0], $0xffff  }
0xea: {  	v18 =	vor.u32 v34, v5;
	_ =	sdelay $0x3  }
0xeb: {  	v43 =	vor.u32 v28, v44;
	[tilespmem:v16+s28+$0x0] =	vst.idx.msk $0xffff, v17  }
0xec: {  	v17 =	vld.idx.msk [tilespmem:v18+s11+$0x0], $0xffff;
	v18 =	vor.u32 v38, v43  }
0xed: {  	v19 =	vor.u32 v34, v9;
	_ =	sdelay $0x3  }
0xee: {  	[tilespmem:v18+s28+$0x0] =	vst.idx.msk $0xffff, v17  }
0xef: {  	v18 =	vor.u32 v1, v43;
	v17 =	vld.idx.msk [tilespmem:v19+s11+$0x0], $0xffff  }
0xf0: {  	v19 =	vor.u32 v34, v10;
	_ =	sdelay $0x3  }
0xf1: {  	[tilespmem:v18+s28+$0x0] =	vst.idx.msk $0xffff, v17  }
0xf2: {  	v18 =	vor.u32 v2, v43;
	v17 =	vld.idx.msk [tilespmem:v19+s11+$0x0], $0xffff  }
0xf3: {  	v19 =	vor.u32 v34, v11;
	_ =	sdelay $0x3  }
0xf4: {  	[tilespmem:v18+s28+$0x0] =	vst.idx.msk $0xffff, v17  }
0xf5: {  	v18 =	vor.u32 v3, v43;
	v17 =	vld.idx.msk [tilespmem:v19+s11+$0x0], $0xffff  }
0xf6: {  	v19 =	vor.u32 v34, v12;
	_ =	sdelay $0x3  }
0xf7: {  	[tilespmem:v18+s28+$0x0] =	vst.idx.msk $0xffff, v17  }
0xf8: {  	v18 =	vor.u32 v4, v43;
	v17 =	vld.idx.msk [tilespmem:v19+s11+$0x0], $0xffff  }
0xf9: {  	v19 =	vor.u32 v34, v13;
	_ =	sdelay $0x3  }
0xfa: {  	[tilespmem:v18+s28+$0x0] =	vst.idx.msk $0xffff, v17  }
0xfb: {  	v18 =	vor.u32 v6, v43;
	v17 =	vld.idx.msk [tilespmem:v19+s11+$0x0], $0xffff  }
0xfc: {  	v19 =	vor.u32 v34, v14;
	_ =	sdelay $0x3  }
0xfd: {  	[tilespmem:v18+s28+$0x0] =	vst.idx.msk $0xffff, v17  }
0xfe: {  	v18 =	vor.u32 v7, v43;
	v17 =	vld.idx.msk [tilespmem:v19+s11+$0x0], $0xffff  }
0xff: {  	v19 =	vor.u32 v34, v15;
	_ =	sdelay $0x3  }
0x100: {  	[tilespmem:v18+s28+$0x0] =	vst.idx.msk $0xffff, v17  }
0x101: {  	v16 =	vor.u32 v8, v43;
	v17 =	vld.idx.msk [tilespmem:v19+s11+$0x0], $0xffff  }
0x102: {  	v18 =	vor.u32 v37, v5;
	_ =	sdelay $0x3  }
0x103: {  	v45 =	vor.u32 v30, v44;
	[tilespmem:v16+s28+$0x0] =	vst.idx.msk $0xffff, v17  }
0x104: {  	v17 =	vld.idx.msk [tilespmem:v18+s11+$0x0], $0xffff;
	v18 =	vor.u32 v38, v45  }
0x105: {  	v19 =	vor.u32 v37, v9;
	_ =	sdelay $0x3  }
0x106: {  	[tilespmem:v18+s28+$0x0] =	vst.idx.msk $0xffff, v17  }
0x107: {  	v18 =	vor.u32 v1, v45;
	v17 =	vld.idx.msk [tilespmem:v19+s11+$0x0], $0xffff  }
0x108: {  	v19 =	vor.u32 v37, v10;
	_ =	sdelay $0x3  }
0x109: {  	[tilespmem:v18+s28+$0x0] =	vst.idx.msk $0xffff, v17  }
0x10a: {  	v18 =	vor.u32 v2, v45;
	v17 =	vld.idx.msk [tilespmem:v19+s11+$0x0], $0xffff  }
0x10b: {  	v19 =	vor.u32 v37, v11;
	_ =	sdelay $0x3  }
0x10c: {  	[tilespmem:v18+s28+$0x0] =	vst.idx.msk $0xffff, v17  }
0x10d: {  	v18 =	vor.u32 v3, v45;
	v17 =	vld.idx.msk [tilespmem:v19+s11+$0x0], $0xffff  }
0x10e: {  	v19 =	vor.u32 v37, v12;
	_ =	sdelay $0x3  }
0x10f: {  	[tilespmem:v18+s28+$0x0] =	vst.idx.msk $0xffff, v17  }
0x110: {  	v18 =	vor.u32 v4, v45;
	v17 =	vld.idx.msk [tilespmem:v19+s11+$0x0], $0xffff  }
0x111: {  	v19 =	vor.u32 v37, v13;
	_ =	sdelay $0x3  }
0x112: {  	[tilespmem:v18+s28+$0x0] =	vst.idx.msk $0xffff, v17  }
0x113: {  	v18 =	vor.u32 v6, v45;
	v17 =	vld.idx.msk [tilespmem:v19+s11+$0x0], $0xffff  }
0x114: {  	v19 =	vor.u32 v37, v14;
	_ =	sdelay $0x3  }
0x115: {  	[tilespmem:v18+s28+$0x0] =	vst.idx.msk $0xffff, v17  }
0x116: {  	v18 =	vor.u32 v7, v45;
	v17 =	vld.idx.msk [tilespmem:v19+s11+$0x0], $0xffff  }
0x117: {  	v19 =	vor.u32 v37, v15;
	_ =	sdelay $0x3  }
0x118: {  	[tilespmem:v18+s28+$0x0] =	vst.idx.msk $0xffff, v17  }
0x119: {  	v16 =	vor.u32 v8, v45;
	v17 =	vld.idx.msk [tilespmem:v19+s11+$0x0], $0xffff  }
0x11a: {  	v18 =	vor.u32 v0, v5;
	_ =	sdelay $0x3  }
0x11b: {  	v48 =	vor.u32 v56, v44;
	[tilespmem:v16+s28+$0x0] =	vst.idx.msk $0xffff, v17  }
0x11c: {  	v17 =	vld.idx.msk [tilespmem:v18+s11+$0x0], $0xffff;
	v18 =	vor.u32 v38, v48  }
0x11d: {  	v19 =	vor.u32 v0, v9;
	_ =	sdelay $0x3  }
0x11e: {  	[tilespmem:v18+s28+$0x0] =	vst.idx.msk $0xffff, v17  }
0x11f: {  	v18 =	vor.u32 v1, v48;
	v17 =	vld.idx.msk [tilespmem:v19+s11+$0x0], $0xffff  }
0x120: {  	v19 =	vor.u32 v0, v10;
	_ =	sdelay $0x3  }
0x121: {  	[tilespmem:v18+s28+$0x0] =	vst.idx.msk $0xffff, v17  }
0x122: {  	v18 =	vor.u32 v2, v48;
	v17 =	vld.idx.msk [tilespmem:v19+s11+$0x0], $0xffff  }
0x123: {  	v19 =	vor.u32 v0, v11;
	_ =	sdelay $0x3  }
0x124: {  	[tilespmem:v18+s28+$0x0] =	vst.idx.msk $0xffff, v17  }
0x125: {  	v18 =	vor.u32 v3, v48;
	v17 =	vld.idx.msk [tilespmem:v19+s11+$0x0], $0xffff  }
0x126: {  	v19 =	vor.u32 v0, v12;
	_ =	sdelay $0x3  }
0x127: {  	[tilespmem:v18+s28+$0x0] =	vst.idx.msk $0xffff, v17  }
0x128: {  	v18 =	vor.u32 v4, v48;
	v17 =	vld.idx.msk [tilespmem:v19+s11+$0x0], $0xffff  }
0x129: {  	v19 =	vor.u32 v0, v13;
	_ =	sdelay $0x3  }
0x12a: {  	[tilespmem:v18+s28+$0x0] =	vst.idx.msk $0xffff, v17  }
0x12b: {  	v18 =	vor.u32 v6, v48;
	v17 =	vld.idx.msk [tilespmem:v19+s11+$0x0], $0xffff  }
0x12c: {  	v19 =	vor.u32 v0, v14;
	_ =	sdelay $0x3  }
0x12d: {  	[tilespmem:v18+s28+$0x0] =	vst.idx.msk $0xffff, v17  }
0x12e: {  	v18 =	vor.u32 v7, v48;
	v17 =	vld.idx.msk [tilespmem:v19+s11+$0x0], $0xffff  }
0x12f: {  	v19 =	vor.u32 v0, v15;
	_ =	sdelay $0x3  }
0x130: {  	[tilespmem:v18+s28+$0x0] =	vst.idx.msk $0xffff, v17  }
0x131: {  	v16 =	vor.u32 v8, v48;
	v17 =	vld.idx.msk [tilespmem:v19+s11+$0x0], $0xffff  }
0x132: {  	v18 =	vor.u32 v46, v5;
	_ =	sdelay $0x3  }
0x133: {  	v50 =	vor.u32 v55, v44;
	[tilespmem:v16+s28+$0x0] =	vst.idx.msk $0xffff, v17  }
0x134: {  	v17 =	vld.idx.msk [tilespmem:v18+s11+$0x0], $0xffff;
	v18 =	vor.u32 v38, v50  }
0x135: {  	v19 =	vor.u32 v46, v9;
	_ =	sdelay $0x3  }
0x136: {  	[tilespmem:v18+s28+$0x0] =	vst.idx.msk $0xffff, v17  }
0x137: {  	v18 =	vor.u32 v1, v50;
	v17 =	vld.idx.msk [tilespmem:v19+s11+$0x0], $0xffff  }
0x138: {  	v19 =	vor.u32 v46, v10;
	_ =	sdelay $0x3  }
0x139: {  	[tilespmem:v18+s28+$0x0] =	vst.idx.msk $0xffff, v17  }
0x13a: {  	v18 =	vor.u32 v2, v50;
	v17 =	vld.idx.msk [tilespmem:v19+s11+$0x0], $0xffff  }
0x13b: {  	v19 =	vor.u32 v46, v11;
	_ =	sdelay $0x3  }
0x13c: {  	[tilespmem:v18+s28+$0x0] =	vst.idx.msk $0xffff, v17  }
0x13d: {  	v18 =	vor.u32 v3, v50;
	v17 =	vld.idx.msk [tilespmem:v19+s11+$0x0], $0xffff  }
0x13e: {  	v19 =	vor.u32 v46, v12;
	_ =	sdelay $0x3  }
0x13f: {  	[tilespmem:v18+s28+$0x0] =	vst.idx.msk $0xffff, v17  }
0x140: {  	v18 =	vor.u32 v4, v50;
	v17 =	vld.idx.msk [tilespmem:v19+s11+$0x0], $0xffff  }
0x141: {  	v19 =	vor.u32 v46, v13;
	_ =	sdelay $0x3  }
0x142: {  	[tilespmem:v18+s28+$0x0] =	vst.idx.msk $0xffff, v17  }
0x143: {  	v18 =	vor.u32 v6, v50;
	v17 =	vld.idx.msk [tilespmem:v19+s11+$0x0], $0xffff  }
0x144: {  	v19 =	vor.u32 v46, v14;
	_ =	sdelay $0x3  }
0x145: {  	[tilespmem:v18+s28+$0x0] =	vst.idx.msk $0xffff, v17  }
0x146: {  	v18 =	vor.u32 v7, v50;
	v17 =	vld.idx.msk [tilespmem:v19+s11+$0x0], $0xffff  }
0x147: {  	v19 =	vor.u32 v46, v15;
	_ =	sdelay $0x3  }
0x148: {  	[tilespmem:v18+s28+$0x0] =	vst.idx.msk $0xffff, v17  }
0x149: {  	v16 =	vor.u32 v8, v50;
	v17 =	vld.idx.msk [tilespmem:v19+s11+$0x0], $0xffff  }
0x14a: {  	v18 =	vor.u32 v24, v5;
	_ =	sdelay $0x3  }
0x14b: {  	v51 =	vor.u32 v62, v44;
	[tilespmem:v16+s28+$0x0] =	vst.idx.msk $0xffff, v17  }
0x14c: {  	v17 =	vld.idx.msk [tilespmem:v18+s11+$0x0], $0xffff;
	v18 =	vor.u32 v38, v51  }
0x14d: {  	v19 =	vor.u32 v24, v9;
	_ =	sdelay $0x3  }
0x14e: {  	[tilespmem:v18+s28+$0x0] =	vst.idx.msk $0xffff, v17  }
0x14f: {  	v18 =	vor.u32 v1, v51;
	v17 =	vld.idx.msk [tilespmem:v19+s11+$0x0], $0xffff  }
0x150: {  	v19 =	vor.u32 v24, v10;
	_ =	sdelay $0x3  }
0x151: {  	[tilespmem:v18+s28+$0x0] =	vst.idx.msk $0xffff, v17  }
0x152: {  	v18 =	vor.u32 v2, v51;
	v17 =	vld.idx.msk [tilespmem:v19+s11+$0x0], $0xffff  }
0x153: {  	v19 =	vor.u32 v24, v11;
	_ =	sdelay $0x3  }
0x154: {  	[tilespmem:v18+s28+$0x0] =	vst.idx.msk $0xffff, v17  }
0x155: {  	v18 =	vor.u32 v3, v51;
	v17 =	vld.idx.msk [tilespmem:v19+s11+$0x0], $0xffff  }
0x156: {  	v19 =	vor.u32 v24, v12;
	_ =	sdelay $0x3  }
0x157: {  	[tilespmem:v18+s28+$0x0] =	vst.idx.msk $0xffff, v17  }
0x158: {  	v18 =	vor.u32 v4, v51;
	v17 =	vld.idx.msk [tilespmem:v19+s11+$0x0], $0xffff  }
0x159: {  	v19 =	vor.u32 v24, v13;
	_ =	sdelay $0x3  }
0x15a: {  	[tilespmem:v18+s28+$0x0] =	vst.idx.msk $0xffff, v17  }
0x15b: {  	v18 =	vor.u32 v6, v51;
	v17 =	vld.idx.msk [tilespmem:v19+s11+$0x0], $0xffff  }
0x15c: {  	v19 =	vor.u32 v24, v14;
	_ =	sdelay $0x3  }
0x15d: {  	[tilespmem:v18+s28+$0x0] =	vst.idx.msk $0xffff, v17  }
0x15e: {  	v18 =	vor.u32 v7, v51;
	v17 =	vld.idx.msk [tilespmem:v19+s11+$0x0], $0xffff  }
0x15f: {  	v19 =	vor.u32 v24, v15;
	_ =	sdelay $0x3  }
0x160: {  	[tilespmem:v18+s28+$0x0] =	vst.idx.msk $0xffff, v17  }
0x161: {  	v16 =	vor.u32 v8, v51;
	v17 =	vld.idx.msk [tilespmem:v19+s11+$0x0], $0xffff  }
0x162: {  	v18 =	vor.u32 v26, v5;
	_ =	sdelay $0x3  }
0x163: {  	v57 =	vor.u32 v32, v44;
	[tilespmem:v16+s28+$0x0] =	vst.idx.msk $0xffff, v17  }
0x164: {  	v17 =	vld.idx.msk [tilespmem:v18+s11+$0x0], $0xffff;
	v18 =	vor.u32 v38, v57  }
0x165: {  	v19 =	vor.u32 v26, v9;
	_ =	sdelay $0x3  }
0x166: {  	[tilespmem:v18+s28+$0x0] =	vst.idx.msk $0xffff, v17  }
0x167: {  	v18 =	vor.u32 v1, v57;
	v17 =	vld.idx.msk [tilespmem:v19+s11+$0x0], $0xffff  }
0x168: {  	v19 =	vor.u32 v26, v10;
	_ =	sdelay $0x3  }
0x169: {  	[tilespmem:v18+s28+$0x0] =	vst.idx.msk $0xffff, v17  }
0x16a: {  	v18 =	vor.u32 v2, v57;
	v17 =	vld.idx.msk [tilespmem:v19+s11+$0x0], $0xffff  }
0x16b: {  	v19 =	vor.u32 v26, v11;
	_ =	sdelay $0x3  }
0x16c: {  	[tilespmem:v18+s28+$0x0] =	vst.idx.msk $0xffff, v17  }
0x16d: {  	v18 =	vor.u32 v3, v57;
	v17 =	vld.idx.msk [tilespmem:v19+s11+$0x0], $0xffff  }
0x16e: {  	v19 =	vor.u32 v26, v12;
	_ =	sdelay $0x3  }
0x16f: {  	[tilespmem:v18+s28+$0x0] =	vst.idx.msk $0xffff, v17  }
0x170: {  	v18 =	vor.u32 v4, v57;
	v17 =	vld.idx.msk [tilespmem:v19+s11+$0x0], $0xffff  }
0x171: {  	v19 =	vor.u32 v26, v13;
	_ =	sdelay $0x3  }
0x172: {  	[tilespmem:v18+s28+$0x0] =	vst.idx.msk $0xffff, v17  }
0x173: {  	v18 =	vor.u32 v6, v57;
	v17 =	vld.idx.msk [tilespmem:v19+s11+$0x0], $0xffff  }
0x174: {  	v19 =	vor.u32 v26, v14;
	_ =	sdelay $0x3  }
0x175: {  	[tilespmem:v18+s28+$0x0] =	vst.idx.msk $0xffff, v17  }
0x176: {  	v18 =	vor.u32 v7, v57;
	v17 =	vld.idx.msk [tilespmem:v19+s11+$0x0], $0xffff  }
0x177: {  	v19 =	vor.u32 v26, v15;
	_ =	sdelay $0x3  }
0x178: {  	v34 =	vld [tilespmem:$0x1FD60];
	[tilespmem:v18+s28+$0x0] =	vst.idx.msk $0xffff, v17  }
0x179: {  	v16 =	vor.u32 v8, v57;
	v17 =	vld.idx.msk [tilespmem:v19+s11+$0x0], $0xffff  }
0x17a: {  	v18 =	vor.u32 v22, v5;
	_ =	sdelay $0x3  }
0x17b: {  	v58 =	vor.u32 v34, v44;
	[tilespmem:v16+s28+$0x0] =	vst.idx.msk $0xffff, v17  }
0x17c: {  	v17 =	vld.idx.msk [tilespmem:v18+s11+$0x0], $0xffff;
	v18 =	vor.u32 v38, v58  }
0x17d: {  	v19 =	vor.u32 v22, v9;
	_ =	sdelay $0x3  }
0x17e: {  	[tilespmem:v18+s28+$0x0] =	vst.idx.msk $0xffff, v17  }
0x17f: {  	v18 =	vor.u32 v1, v58;
	v17 =	vld.idx.msk [tilespmem:v19+s11+$0x0], $0xffff  }
0x180: {  	v19 =	vor.u32 v22, v10;
	_ =	sdelay $0x3  }
0x181: {  	[tilespmem:v18+s28+$0x0] =	vst.idx.msk $0xffff, v17  }
0x182: {  	v18 =	vor.u32 v2, v58;
	v17 =	vld.idx.msk [tilespmem:v19+s11+$0x0], $0xffff  }
0x183: {  	v19 =	vor.u32 v22, v11;
	_ =	sdelay $0x3  }
0x184: {  	[tilespmem:v18+s28+$0x0] =	vst.idx.msk $0xffff, v17  }
0x185: {  	v18 =	vor.u32 v3, v58;
	v17 =	vld.idx.msk [tilespmem:v19+s11+$0x0], $0xffff  }
0x186: {  	v19 =	vor.u32 v22, v12;
	_ =	sdelay $0x3  }
0x187: {  	[tilespmem:v18+s28+$0x0] =	vst.idx.msk $0xffff, v17  }
0x188: {  	v18 =	vor.u32 v4, v58;
	v17 =	vld.idx.msk [tilespmem:v19+s11+$0x0], $0xffff  }
0x189: {  	v19 =	vor.u32 v22, v13;
	_ =	sdelay $0x3  }
0x18a: {  	[tilespmem:v18+s28+$0x0] =	vst.idx.msk $0xffff, v17  }
0x18b: {  	v18 =	vor.u32 v6, v58;
	v17 =	vld.idx.msk [tilespmem:v19+s11+$0x0], $0xffff  }
0x18c: {  	v19 =	vor.u32 v22, v14;
	_ =	sdelay $0x3  }
0x18d: {  	[tilespmem:v18+s28+$0x0] =	vst.idx.msk $0xffff, v17  }
0x18e: {  	v18 =	vor.u32 v7, v58;
	v17 =	vld.idx.msk [tilespmem:v19+s11+$0x0], $0xffff  }
0x18f: {  	v19 =	vor.u32 v22, v15;
	_ =	sdelay $0x3  }
0x190: {  	[tilespmem:v18+s28+$0x0] =	vst.idx.msk $0xffff, v17  }
0x191: {  	v16 =	vor.u32 v8, v58;
	v17 =	vld.idx.msk [tilespmem:v19+s11+$0x0], $0xffff  }
0x192: {  	v18 =	vor.u32 v23, v5;
	_ =	sdelay $0x3  }
0x193: {  	v59 =	vor.u32 v49, v44;
	[tilespmem:v16+s28+$0x0] =	vst.idx.msk $0xffff, v17  }
0x194: {  	v17 =	vld.idx.msk [tilespmem:v18+s11+$0x0], $0xffff;
	v18 =	vor.u32 v38, v59  }
0x195: {  	v19 =	vor.u32 v23, v9;
	_ =	sdelay $0x3  }
0x196: {  	[tilespmem:v18+s28+$0x0] =	vst.idx.msk $0xffff, v17  }
0x197: {  	v18 =	vor.u32 v1, v59;
	v17 =	vld.idx.msk [tilespmem:v19+s11+$0x0], $0xffff  }
0x198: {  	v19 =	vor.u32 v23, v10;
	_ =	sdelay $0x3  }
0x199: {  	[tilespmem:v18+s28+$0x0] =	vst.idx.msk $0xffff, v17  }
0x19a: {  	v18 =	vor.u32 v2, v59;
	v17 =	vld.idx.msk [tilespmem:v19+s11+$0x0], $0xffff  }
0x19b: {  	v19 =	vor.u32 v23, v11;
	_ =	sdelay $0x3  }
0x19c: {  	[tilespmem:v18+s28+$0x0] =	vst.idx.msk $0xffff, v17  }
0x19d: {  	v18 =	vor.u32 v3, v59;
	v17 =	vld.idx.msk [tilespmem:v19+s11+$0x0], $0xffff  }
0x19e: {  	v19 =	vor.u32 v23, v12;
	_ =	sdelay $0x3  }
0x19f: {  	[tilespmem:v18+s28+$0x0] =	vst.idx.msk $0xffff, v17  }
0x1a0: {  	v18 =	vor.u32 v4, v59;
	v17 =	vld.idx.msk [tilespmem:v19+s11+$0x0], $0xffff  }
0x1a1: {  	v19 =	vor.u32 v23, v13;
	_ =	sdelay $0x3  }
0x1a2: {  	[tilespmem:v18+s28+$0x0] =	vst.idx.msk $0xffff, v17  }
0x1a3: {  	v18 =	vor.u32 v6, v59;
	v17 =	vld.idx.msk [tilespmem:v19+s11+$0x0], $0xffff  }
0x1a4: {  	v19 =	vor.u32 v23, v14;
	_ =	sdelay $0x3  }
0x1a5: {  	[tilespmem:v18+s28+$0x0] =	vst.idx.msk $0xffff, v17  }
0x1a6: {  	v18 =	vor.u32 v7, v59;
	v17 =	vld.idx.msk [tilespmem:v19+s11+$0x0], $0xffff  }
0x1a7: {  	v19 =	vor.u32 v23, v15;
	_ =	sdelay $0x3  }
0x1a8: {  	[tilespmem:v18+s28+$0x0] =	vst.idx.msk $0xffff, v17  }
0x1a9: {  	v16 =	vor.u32 v8, v59;
	v17 =	vld.idx.msk [tilespmem:v19+s11+$0x0], $0xffff  }
0x1aa: {  	v18 =	vor.u32 v25, v5;
	_ =	sdelay $0x3  }
0x1ab: {  	v60 =	vor.u32 v31, v44;
	[tilespmem:v16+s28+$0x0] =	vst.idx.msk $0xffff, v17  }
0x1ac: {  	v17 =	vld.idx.msk [tilespmem:v18+s11+$0x0], $0xffff;
	v18 =	vor.u32 v38, v60  }
0x1ad: {  	v19 =	vor.u32 v25, v9;
	_ =	sdelay $0x3  }
0x1ae: {  	[tilespmem:v18+s28+$0x0] =	vst.idx.msk $0xffff, v17  }
0x1af: {  	v18 =	vor.u32 v1, v60;
	v17 =	vld.idx.msk [tilespmem:v19+s11+$0x0], $0xffff  }
0x1b0: {  	v19 =	vor.u32 v25, v10;
	_ =	sdelay $0x3  }
0x1b1: {  	[tilespmem:v18+s28+$0x0] =	vst.idx.msk $0xffff, v17  }
0x1b2: {  	v18 =	vor.u32 v2, v60;
	v17 =	vld.idx.msk [tilespmem:v19+s11+$0x0], $0xffff  }
0x1b3: {  	v19 =	vor.u32 v25, v11;
	_ =	sdelay $0x3  }
0x1b4: {  	[tilespmem:v18+s28+$0x0] =	vst.idx.msk $0xffff, v17  }
0x1b5: {  	v18 =	vor.u32 v3, v60;
	v17 =	vld.idx.msk [tilespmem:v19+s11+$0x0], $0xffff  }
0x1b6: {  	v19 =	vor.u32 v25, v12;
	_ =	sdelay $0x3  }
0x1b7: {  	[tilespmem:v18+s28+$0x0] =	vst.idx.msk $0xffff, v17  }
0x1b8: {  	v18 =	vor.u32 v4, v60;
	v17 =	vld.idx.msk [tilespmem:v19+s11+$0x0], $0xffff  }
0x1b9: {  	v19 =	vor.u32 v25, v13;
	_ =	sdelay $0x3  }
0x1ba: {  	[tilespmem:v18+s28+$0x0] =	vst.idx.msk $0xffff, v17  }
0x1bb: {  	v18 =	vor.u32 v6, v60;
	v17 =	vld.idx.msk [tilespmem:v19+s11+$0x0], $0xffff  }
0x1bc: {  	v19 =	vor.u32 v25, v14;
	_ =	sdelay $0x3  }
0x1bd: {  	[tilespmem:v18+s28+$0x0] =	vst.idx.msk $0xffff, v17  }
0x1be: {  	v18 =	vor.u32 v7, v60;
	v17 =	vld.idx.msk [tilespmem:v19+s11+$0x0], $0xffff  }
0x1bf: {  	v19 =	vor.u32 v25, v15;
	_ =	sdelay $0x3  }
0x1c0: {  	v33 =	vmov v49;
	v49 =	vld [tilespmem:$0x1FD50];
	[tilespmem:v18+s28+$0x0] =	vst.idx.msk $0xffff, v17  }
0x1c1: {  	v16 =	vor.u32 v8, v60;
	v17 =	vld.idx.msk [tilespmem:v19+s11+$0x0], $0xffff  }
0x1c2: {  	v18 =	vor.u32 v27, v5;
	_ =	sdelay $0x3  }
0x1c3: {  	v61 =	vor.u32 v49, v44;
	[tilespmem:v16+s28+$0x0] =	vst.idx.msk $0xffff, v17  }
0x1c4: {  	v17 =	vld.idx.msk [tilespmem:v18+s11+$0x0], $0xffff;
	v18 =	vor.u32 v38, v61  }
0x1c5: {  	v19 =	vor.u32 v27, v9;
	_ =	sdelay $0x3  }
0x1c6: {  	[tilespmem:v18+s28+$0x0] =	vst.idx.msk $0xffff, v17  }
0x1c7: {  	v18 =	vor.u32 v1, v61;
	v17 =	vld.idx.msk [tilespmem:v19+s11+$0x0], $0xffff  }
0x1c8: {  	v19 =	vor.u32 v27, v10;
	_ =	sdelay $0x3  }
0x1c9: {  	[tilespmem:v18+s28+$0x0] =	vst.idx.msk $0xffff, v17  }
0x1ca: {  	v18 =	vor.u32 v2, v61;
	v17 =	vld.idx.msk [tilespmem:v19+s11+$0x0], $0xffff  }
0x1cb: {  	v19 =	vor.u32 v27, v11;
	_ =	sdelay $0x3  }
0x1cc: {  	[tilespmem:v18+s28+$0x0] =	vst.idx.msk $0xffff, v17  }
0x1cd: {  	v18 =	vor.u32 v3, v61;
	v17 =	vld.idx.msk [tilespmem:v19+s11+$0x0], $0xffff  }
0x1ce: {  	v19 =	vor.u32 v27, v12;
	_ =	sdelay $0x3  }
0x1cf: {  	[tilespmem:v18+s28+$0x0] =	vst.idx.msk $0xffff, v17  }
0x1d0: {  	v18 =	vor.u32 v4, v61;
	v17 =	vld.idx.msk [tilespmem:v19+s11+$0x0], $0xffff  }
0x1d1: {  	v19 =	vor.u32 v27, v13;
	_ =	sdelay $0x3  }
0x1d2: {  	[tilespmem:v18+s28+$0x0] =	vst.idx.msk $0xffff, v17  }
0x1d3: {  	v18 =	vor.u32 v6, v61;
	v17 =	vld.idx.msk [tilespmem:v19+s11+$0x0], $0xffff  }
0x1d4: {  	v19 =	vor.u32 v27, v14;
	_ =	sdelay $0x3  }
0x1d5: {  	[tilespmem:v18+s28+$0x0] =	vst.idx.msk $0xffff, v17  }
0x1d6: {  	v18 =	vor.u32 v7, v61;
	v17 =	vld.idx.msk [tilespmem:v19+s11+$0x0], $0xffff  }
0x1d7: {  	v19 =	vor.u32 v27, v15;
	_ =	sdelay $0x3  }
0x1d8: {  	[tilespmem:v18+s28+$0x0] =	vst.idx.msk $0xffff, v17  }
0x1d9: {  	v16 =	vor.u32 v8, v61;
	v17 =	vld.idx.msk [tilespmem:v19+s11+$0x0], $0xffff  }
0x1da: {  	v18 =	vor.u32 v36, v5;
	_ =	sdelay $0x3  }
0x1db: {  	v35 =	vor.u32 v35, v44;
	[tilespmem:v16+s28+$0x0] =	vst.idx.msk $0xffff, v17  }
0x1dc: {  	v17 =	vld.idx.msk [tilespmem:v18+s11+$0x0], $0xffff;
	v18 =	vor.u32 v38, v35  }
0x1dd: {  	v19 =	vor.u32 v36, v9;
	_ =	sdelay $0x3  }
0x1de: {  	[tilespmem:v18+s28+$0x0] =	vst.idx.msk $0xffff, v17  }
0x1df: {  	v18 =	vor.u32 v1, v35;
	v17 =	vld.idx.msk [tilespmem:v19+s11+$0x0], $0xffff  }
0x1e0: {  	v19 =	vor.u32 v36, v10;
	_ =	sdelay $0x3  }
0x1e1: {  	[tilespmem:v18+s28+$0x0] =	vst.idx.msk $0xffff, v17  }
0x1e2: {  	v18 =	vor.u32 v2, v35;
	v17 =	vld.idx.msk [tilespmem:v19+s11+$0x0], $0xffff  }
0x1e3: {  	v19 =	vor.u32 v36, v11;
	_ =	sdelay $0x3  }
0x1e4: {  	[tilespmem:v18+s28+$0x0] =	vst.idx.msk $0xffff, v17  }
0x1e5: {  	v18 =	vor.u32 v3, v35;
	v17 =	vld.idx.msk [tilespmem:v19+s11+$0x0], $0xffff  }
0x1e6: {  	v19 =	vor.u32 v36, v12;
	_ =	sdelay $0x3  }
0x1e7: {  	[tilespmem:v18+s28+$0x0] =	vst.idx.msk $0xffff, v17  }
0x1e8: {  	v18 =	vor.u32 v4, v35;
	v17 =	vld.idx.msk [tilespmem:v19+s11+$0x0], $0xffff  }
0x1e9: {  	v19 =	vor.u32 v36, v13;
	_ =	sdelay $0x3  }
0x1ea: {  	[tilespmem:v18+s28+$0x0] =	vst.idx.msk $0xffff, v17  }
0x1eb: {  	v18 =	vor.u32 v6, v35;
	v17 =	vld.idx.msk [tilespmem:v19+s11+$0x0], $0xffff  }
0x1ec: {  	v19 =	vor.u32 v36, v14;
	_ =	sdelay $0x3  }
0x1ed: {  	[tilespmem:v18+s28+$0x0] =	vst.idx.msk $0xffff, v17  }
0x1ee: {  	v18 =	vor.u32 v7, v35;
	v17 =	vld.idx.msk [tilespmem:v19+s11+$0x0], $0xffff  }
0x1ef: {  	v19 =	vor.u32 v36, v15;
	_ =	sdelay $0x3  }
0x1f0: {  	v61 =	vld [tilespmem:$0x1FD40];
	[tilespmem:v18+s28+$0x0] =	vst.idx.msk $0xffff, v17  }
0x1f1: {  	v16 =	vor.u32 v8, v35;
	v17 =	vld.idx.msk [tilespmem:v19+s11+$0x0], $0xffff  }
0x1f2: {  	v18 =	vor.u32 v20, v5;
	_ =	sdelay $0x3  }
0x1f3: {  	v36 =	vor.u32 v61, v44;
	[tilespmem:v16+s28+$0x0] =	vst.idx.msk $0xffff, v17  }
0x1f4: {  	v17 =	vld.idx.msk [tilespmem:v18+s11+$0x0], $0xffff;
	v18 =	vor.u32 v38, v36  }
0x1f5: {  	v19 =	vor.u32 v20, v9;
	_ =	sdelay $0x3  }
0x1f6: {  	[tilespmem:v18+s28+$0x0] =	vst.idx.msk $0xffff, v17  }
0x1f7: {  	v18 =	vor.u32 v1, v36;
	v17 =	vld.idx.msk [tilespmem:v19+s11+$0x0], $0xffff  }
0x1f8: {  	v19 =	vor.u32 v20, v10;
	_ =	sdelay $0x3  }
0x1f9: {  	[tilespmem:v18+s28+$0x0] =	vst.idx.msk $0xffff, v17  }
0x1fa: {  	v18 =	vor.u32 v2, v36;
	v17 =	vld.idx.msk [tilespmem:v19+s11+$0x0], $0xffff  }
0x1fb: {  	v19 =	vor.u32 v20, v11;
	_ =	sdelay $0x3  }
0x1fc: {  	[tilespmem:v18+s28+$0x0] =	vst.idx.msk $0xffff, v17  }
0x1fd: {  	v18 =	vor.u32 v3, v36;
	v17 =	vld.idx.msk [tilespmem:v19+s11+$0x0], $0xffff  }
0x1fe: {  	v19 =	vor.u32 v20, v12;
	_ =	sdelay $0x3  }
0x1ff: {  	[tilespmem:v18+s28+$0x0] =	vst.idx.msk $0xffff, v17  }
0x200: {  	v18 =	vor.u32 v4, v36;
	v17 =	vld.idx.msk [tilespmem:v19+s11+$0x0], $0xffff  }
0x201: {  	v19 =	vor.u32 v20, v13;
	_ =	sdelay $0x3  }
0x202: {  	[tilespmem:v18+s28+$0x0] =	vst.idx.msk $0xffff, v17  }
0x203: {  	v18 =	vor.u32 v6, v36;
	v17 =	vld.idx.msk [tilespmem:v19+s11+$0x0], $0xffff  }
0x204: {  	v19 =	vor.u32 v20, v14;
	_ =	sdelay $0x3  }
0x205: {  	[tilespmem:v18+s28+$0x0] =	vst.idx.msk $0xffff, v17  }
0x206: {  	v18 =	vor.u32 v7, v36;
	v17 =	vld.idx.msk [tilespmem:v19+s11+$0x0], $0xffff  }
0x207: {  	v19 =	vor.u32 v20, v15;
	_ =	sdelay $0x3  }
0x208: {  	v60 =	vld [tilespmem:$0x1FD30];
	[tilespmem:v18+s28+$0x0] =	vst.idx.msk $0xffff, v17  }
0x209: {  	v16 =	vor.u32 v8, v36;
	v17 =	vld.idx.msk [tilespmem:v19+s11+$0x0], $0xffff  }
0x20a: {  	v18 =	vor.u32 v21, v5;
	_ =	sdelay $0x3  }
0x20b: {  	v37 =	vor.u32 v60, v44;
	[tilespmem:v16+s28+$0x0] =	vst.idx.msk $0xffff, v17  }
0x20c: {  	v17 =	vld.idx.msk [tilespmem:v18+s11+$0x0], $0xffff;
	v18 =	vor.u32 v38, v37  }
0x20d: {  	v19 =	vor.u32 v21, v9;
	_ =	sdelay $0x3  }
0x20e: {  	[tilespmem:v18+s28+$0x0] =	vst.idx.msk $0xffff, v17  }
0x20f: {  	v18 =	vor.u32 v1, v37;
	v17 =	vld.idx.msk [tilespmem:v19+s11+$0x0], $0xffff  }
0x210: {  	v19 =	vor.u32 v21, v10;
	_ =	sdelay $0x3  }
0x211: {  	[tilespmem:v18+s28+$0x0] =	vst.idx.msk $0xffff, v17  }
0x212: {  	v18 =	vor.u32 v2, v37;
	v17 =	vld.idx.msk [tilespmem:v19+s11+$0x0], $0xffff  }
0x213: {  	v19 =	vor.u32 v21, v11;
	_ =	sdelay $0x3  }
0x214: {  	[tilespmem:v18+s28+$0x0] =	vst.idx.msk $0xffff, v17  }
0x215: {  	v18 =	vor.u32 v3, v37;
	v17 =	vld.idx.msk [tilespmem:v19+s11+$0x0], $0xffff  }
0x216: {  	v19 =	vor.u32 v21, v12;
	_ =	sdelay $0x3  }
0x217: {  	[tilespmem:v18+s28+$0x0] =	vst.idx.msk $0xffff, v17  }
0x218: {  	v18 =	vor.u32 v4, v37;
	v17 =	vld.idx.msk [tilespmem:v19+s11+$0x0], $0xffff  }
0x219: {  	v19 =	vor.u32 v21, v13;
	_ =	sdelay $0x3  }
0x21a: {  	[tilespmem:v18+s28+$0x0] =	vst.idx.msk $0xffff, v17  }
0x21b: {  	v18 =	vor.u32 v6, v37;
	v17 =	vld.idx.msk [tilespmem:v19+s11+$0x0], $0xffff  }
0x21c: {  	v19 =	vor.u32 v21, v14;
	_ =	sdelay $0x3  }
0x21d: {  	[tilespmem:v18+s28+$0x0] =	vst.idx.msk $0xffff, v17  }
0x21e: {  	v18 =	vor.u32 v7, v37;
	v17 =	vld.idx.msk [tilespmem:v19+s11+$0x0], $0xffff  }
0x21f: {  	v19 =	vor.u32 v21, v15;
	_ =	sdelay $0x3  }
0x220: {  	v59 =	vld [tilespmem:$0x1FD20];
	[tilespmem:v18+s28+$0x0] =	vst.idx.msk $0xffff, v17  }
0x221: {  	v16 =	vor.u32 v8, v37;
	v17 =	vld.idx.msk [tilespmem:v19+s11+$0x0], $0xffff  }
0x222: {  	v18 =	vor.u32 v47, v5;
	_ =	sdelay $0x3  }
0x223: {  	v39 =	vor.u32 v59, v44;
	[tilespmem:v16+s28+$0x0] =	vst.idx.msk $0xffff, v17  }
0x224: {  	v17 =	vld.idx.msk [tilespmem:v18+s11+$0x0], $0xffff;
	v18 =	vor.u32 v38, v39  }
0x225: {  	v19 =	vor.u32 v47, v9;
	_ =	sdelay $0x3  }
0x226: {  	[tilespmem:v18+s28+$0x0] =	vst.idx.msk $0xffff, v17  }
0x227: {  	v18 =	vor.u32 v1, v39;
	v17 =	vld.idx.msk [tilespmem:v19+s11+$0x0], $0xffff  }
0x228: {  	v19 =	vor.u32 v47, v10;
	_ =	sdelay $0x3  }
0x229: {  	[tilespmem:v18+s28+$0x0] =	vst.idx.msk $0xffff, v17  }
0x22a: {  	v18 =	vor.u32 v2, v39;
	v17 =	vld.idx.msk [tilespmem:v19+s11+$0x0], $0xffff  }
0x22b: {  	v19 =	vor.u32 v47, v11;
	_ =	sdelay $0x3  }
0x22c: {  	[tilespmem:v18+s28+$0x0] =	vst.idx.msk $0xffff, v17  }
0x22d: {  	v18 =	vor.u32 v3, v39;
	v17 =	vld.idx.msk [tilespmem:v19+s11+$0x0], $0xffff  }
0x22e: {  	v19 =	vor.u32 v47, v12;
	_ =	sdelay $0x3  }
0x22f: {  	[tilespmem:v18+s28+$0x0] =	vst.idx.msk $0xffff, v17  }
0x230: {  	v18 =	vor.u32 v4, v39;
	v17 =	vld.idx.msk [tilespmem:v19+s11+$0x0], $0xffff  }
0x231: {  	v19 =	vor.u32 v47, v13;
	_ =	sdelay $0x3  }
0x232: {  	[tilespmem:v18+s28+$0x0] =	vst.idx.msk $0xffff, v17  }
0x233: {  	v18 =	vor.u32 v6, v39;
	v17 =	vld.idx.msk [tilespmem:v19+s11+$0x0], $0xffff  }
0x234: {  	v19 =	vor.u32 v47, v14;
	_ =	sdelay $0x3  }
0x235: {  	[tilespmem:v18+s28+$0x0] =	vst.idx.msk $0xffff, v17  }
0x236: {  	v18 =	vor.u32 v7, v39;
	v17 =	vld.idx.msk [tilespmem:v19+s11+$0x0], $0xffff  }
0x237: {  	v19 =	vor.u32 v47, v15;
	_ =	sdelay $0x3  }
0x238: {  	[tilespmem:v18+s28+$0x0] =	vst.idx.msk $0xffff, v17  }
0x239: {  	v16 =	vor.u32 v8, v39;
	v17 =	vld.idx.msk [tilespmem:v19+s11+$0x0], $0xffff  }
0x23a: {  	v18 =	vor.u32 v1, v5  }
0x23b: {  	s13 =	sor.u32 $0x10, s15  }
0x23c: {  	v19 =	vmov s13  }
0x23d: {  	v44 =	vshll.u32 v19, $0x7  }
0x23e: {  	v40 =	vor.u32 v29, v44;
	[tilespmem:v16+s28+$0x0] =	vst.idx.msk $0xffff, v17  }
0x23f: {  	v17 =	vld.idx.msk [tilespmem:v18+s11+$0x0], $0xffff;
	v18 =	vor.u32 v38, v40  }
0x240: {  	v19 =	vor.u32 v1, v9;
	_ =	sdelay $0x3  }
0x241: {  	[tilespmem:v18+s28+$0x0] =	vst.idx.msk $0xffff, v17  }
0x242: {  	v18 =	vor.u32 v1, v40;
	v17 =	vld.idx.msk [tilespmem:v19+s11+$0x0], $0xffff  }
0x243: {  	v19 =	vor.u32 v1, v10;
	_ =	sdelay $0x3  }
0x244: {  	[tilespmem:v18+s28+$0x0] =	vst.idx.msk $0xffff, v17  }
0x245: {  	v18 =	vor.u32 v2, v40;
	v17 =	vld.idx.msk [tilespmem:v19+s11+$0x0], $0xffff  }
0x246: {  	v19 =	vor.u32 v1, v11;
	_ =	sdelay $0x3  }
0x247: {  	[tilespmem:v18+s28+$0x0] =	vst.idx.msk $0xffff, v17  }
0x248: {  	v18 =	vor.u32 v3, v40;
	v17 =	vld.idx.msk [tilespmem:v19+s11+$0x0], $0xffff  }
0x249: {  	v19 =	vor.u32 v1, v12;
	_ =	sdelay $0x3  }
0x24a: {  	[tilespmem:v18+s28+$0x0] =	vst.idx.msk $0xffff, v17  }
0x24b: {  	v18 =	vor.u32 v4, v40;
	v17 =	vld.idx.msk [tilespmem:v19+s11+$0x0], $0xffff  }
0x24c: {  	v19 =	vor.u32 v1, v13;
	_ =	sdelay $0x3  }
0x24d: {  	[tilespmem:v18+s28+$0x0] =	vst.idx.msk $0xffff, v17  }
0x24e: {  	v18 =	vor.u32 v6, v40;
	v17 =	vld.idx.msk [tilespmem:v19+s11+$0x0], $0xffff  }
0x24f: {  	v19 =	vor.u32 v1, v14;
	_ =	sdelay $0x3  }
0x250: {  	v50 =	vld [tilespmem:$0x1FD80];
	[tilespmem:v18+s28+$0x0] =	vst.idx.msk $0xffff, v17  }
0x251: {  	v18 =	vor.u32 v7, v40;
	v17 =	vld.idx.msk [tilespmem:v19+s11+$0x0], $0xffff  }
0x252: {  	v19 =	vor.u32 v1, v15;
	_ =	sdelay $0x2  }
0x253: {  	v45 =	vsel vm0, v42, v54  }
0x254: {  	v43 =	vcombine.low v45, v50;
	[tilespmem:v18+s28+$0x0] =	vst.idx.msk $0xffff, v17  }
0x255: {  	v16 =	vor.u32 v8, v40;
	v18 =	vld.idx.msk [tilespmem:v19+s11+$0x0], $0xffff  }
0x256: {  	v19 =	vor.u32 v43, v5;
	_ =	sdelay $0x3  }
0x257: {  	[tilespmem:v16+s28+$0x0] =	vst.idx.msk $0xffff, v18;
	v18 =	vor.u32 v63, v44  }
0x258: {  	v16 =	vld.idx.msk [tilespmem:v19+s11+$0x0], $0xffff;
	v19 =	vor.u32 v38, v18  }
0x259: {  	v20 =	vor.u32 v43, v9;
	_ =	sdelay $0x3  }
0x25a: {  	[tilespmem:v19+s28+$0x0] =	vst.idx.msk $0xffff, v16  }
0x25b: {  	v19 =	vor.u32 v1, v18;
	v16 =	vld.idx.msk [tilespmem:v20+s11+$0x0], $0xffff  }
0x25c: {  	v20 =	vor.u32 v43, v10;
	_ =	sdelay $0x3  }
0x25d: {  	[tilespmem:v19+s28+$0x0] =	vst.idx.msk $0xffff, v16  }
0x25e: {  	v19 =	vor.u32 v2, v18;
	v16 =	vld.idx.msk [tilespmem:v20+s11+$0x0], $0xffff  }
0x25f: {  	v20 =	vor.u32 v43, v11;
	_ =	sdelay $0x3  }
0x260: {  	[tilespmem:v19+s28+$0x0] =	vst.idx.msk $0xffff, v16  }
0x261: {  	v19 =	vor.u32 v3, v18;
	v16 =	vld.idx.msk [tilespmem:v20+s11+$0x0], $0xffff  }
0x262: {  	v20 =	vor.u32 v43, v12;
	_ =	sdelay $0x3  }
0x263: {  	[tilespmem:v19+s28+$0x0] =	vst.idx.msk $0xffff, v16  }
0x264: {  	v19 =	vor.u32 v4, v18;
	v16 =	vld.idx.msk [tilespmem:v20+s11+$0x0], $0xffff  }
0x265: {  	v20 =	vor.u32 v43, v13;
	_ =	sdelay $0x3  }
0x266: {  	[tilespmem:v19+s28+$0x0] =	vst.idx.msk $0xffff, v16  }
0x267: {  	v19 =	vor.u32 v6, v18;
	v16 =	vld.idx.msk [tilespmem:v20+s11+$0x0], $0xffff  }
0x268: {  	v20 =	vor.u32 v43, v14;
	_ =	sdelay $0x1  }
0x269: {  	v0 =	vld [tilespmem:$0x1FD90]  }
0x26a: {  	v46 =	vld [tilespmem:$0x1FDB0]  }
0x26b: {  	v57 =	vmov v31;
	v31 =	vld [tilespmem:$0x1FDA0];
	[tilespmem:v19+s28+$0x0] =	vst.idx.msk $0xffff, v16  }
0x26c: {  	v19 =	vld.idx.msk [tilespmem:v20+s11+$0x0], $0xffff;
	v20 =	vor.u32 v7, v18  }
0x26d: {  	v21 =	vor.u32 v43, v15;
	_ =	sdelay $0x2  }
0x26e: {  	v40 =	vsel vm0, v0, v41;
	v17 =	vsel vm0, v46, v31  }
0x26f: {  	[tilespmem:v20+s28+$0x0] =	vst.idx.msk $0xffff, v19;
	v19 =	vcombine.low v17, v40  }
0x270: {  	v18 =	vor.u32 v8, v18;
	v20 =	vld.idx.msk [tilespmem:v21+s11+$0x0], $0xffff  }
0x271: {  	v21 =	vor.u32 v19, v5;
	_ =	sdelay $0x3  }
0x272: {  	[tilespmem:v18+s28+$0x0] =	vst.idx.msk $0xffff, v20;
	v20 =	vor.u32 v28, v44  }
0x273: {  	v18 =	vld.idx.msk [tilespmem:v21+s11+$0x0], $0xffff;
	v21 =	vor.u32 v38, v20  }
0x274: {  	v22 =	vor.u32 v19, v9;
	_ =	sdelay $0x3  }
0x275: {  	[tilespmem:v21+s28+$0x0] =	vst.idx.msk $0xffff, v18  }
0x276: {  	v21 =	vor.u32 v1, v20;
	v18 =	vld.idx.msk [tilespmem:v22+s11+$0x0], $0xffff  }
0x277: {  	v22 =	vor.u32 v19, v10;
	_ =	sdelay $0x3  }
0x278: {  	[tilespmem:v21+s28+$0x0] =	vst.idx.msk $0xffff, v18  }
0x279: {  	v21 =	vor.u32 v2, v20;
	v18 =	vld.idx.msk [tilespmem:v22+s11+$0x0], $0xffff  }
0x27a: {  	v22 =	vor.u32 v19, v11;
	_ =	sdelay $0x3  }
0x27b: {  	[tilespmem:v21+s28+$0x0] =	vst.idx.msk $0xffff, v18  }
0x27c: {  	v21 =	vor.u32 v3, v20;
	v18 =	vld.idx.msk [tilespmem:v22+s11+$0x0], $0xffff  }
0x27d: {  	v22 =	vor.u32 v19, v12;
	_ =	sdelay $0x3  }
0x27e: {  	[tilespmem:v21+s28+$0x0] =	vst.idx.msk $0xffff, v18  }
0x27f: {  	v21 =	vor.u32 v4, v20;
	v18 =	vld.idx.msk [tilespmem:v22+s11+$0x0], $0xffff  }
0x280: {  	v22 =	vor.u32 v19, v13;
	_ =	sdelay $0x3  }
0x281: {  	[tilespmem:v21+s28+$0x0] =	vst.idx.msk $0xffff, v18  }
0x282: {  	v21 =	vor.u32 v6, v20;
	v18 =	vld.idx.msk [tilespmem:v22+s11+$0x0], $0xffff  }
0x283: {  	v22 =	vor.u32 v19, v14  }
0x284: {  	v48 =	vld [tilespmem:$0x1FDD0]  }
0x285: {  	v47 =	vld [tilespmem:$0x1FDC0]  }
0x286: {  	v43 =	vld [tilespmem:$0x1FDF0]  }
0x287: {  	v23 =	vor.u32 v19, v15;
	v19 =	vld [tilespmem:$0x1FDE0];
	[tilespmem:v21+s28+$0x0] =	vst.idx.msk $0xffff, v18  }
0x288: {  	v21 =	vld.idx.msk [tilespmem:v22+s11+$0x0], $0xffff;
	v22 =	vor.u32 v7, v20;
	_ =	sdelay $0x3  }
0x289: {  	v37 =	vsel vm0, v48, v47;
	v36 =	vsel vm0, v43, v19  }
0x28a: {  	[tilespmem:v22+s28+$0x0] =	vst.idx.msk $0xffff, v21;
	v21 =	vcombine.low v36, v37  }
0x28b: {  	v20 =	vor.u32 v8, v20;
	v22 =	vld.idx.msk [tilespmem:v23+s11+$0x0], $0xffff  }
0x28c: {  	v23 =	vor.u32 v21, v5;
	_ =	sdelay $0x3  }
0x28d: {  	[tilespmem:v20+s28+$0x0] =	vst.idx.msk $0xffff, v22;
	v22 =	vor.u32 v30, v44  }
0x28e: {  	v20 =	vld.idx.msk [tilespmem:v23+s11+$0x0], $0xffff;
	v23 =	vor.u32 v38, v22  }
0x28f: {  	v24 =	vor.u32 v21, v9;
	_ =	sdelay $0x3  }
0x290: {  	[tilespmem:v23+s28+$0x0] =	vst.idx.msk $0xffff, v20  }
0x291: {  	v23 =	vor.u32 v1, v22;
	v20 =	vld.idx.msk [tilespmem:v24+s11+$0x0], $0xffff  }
0x292: {  	v24 =	vor.u32 v21, v10;
	_ =	sdelay $0x3  }
0x293: {  	[tilespmem:v23+s28+$0x0] =	vst.idx.msk $0xffff, v20  }
0x294: {  	v23 =	vor.u32 v2, v22;
	v20 =	vld.idx.msk [tilespmem:v24+s11+$0x0], $0xffff  }
0x295: {  	v24 =	vor.u32 v21, v11;
	_ =	sdelay $0x3  }
0x296: {  	[tilespmem:v23+s28+$0x0] =	vst.idx.msk $0xffff, v20  }
0x297: {  	v23 =	vor.u32 v3, v22;
	v20 =	vld.idx.msk [tilespmem:v24+s11+$0x0], $0xffff  }
0x298: {  	v24 =	vor.u32 v21, v12;
	_ =	sdelay $0x3  }
0x299: {  	[tilespmem:v23+s28+$0x0] =	vst.idx.msk $0xffff, v20  }
0x29a: {  	v23 =	vor.u32 v4, v22;
	v20 =	vld.idx.msk [tilespmem:v24+s11+$0x0], $0xffff  }
0x29b: {  	v24 =	vor.u32 v21, v13;
	_ =	sdelay $0x3  }
0x29c: {  	[tilespmem:v23+s28+$0x0] =	vst.idx.msk $0xffff, v20  }
0x29d: {  	v23 =	vor.u32 v6, v22;
	v20 =	vld.idx.msk [tilespmem:v24+s11+$0x0], $0xffff  }
0x29e: {  	v24 =	vor.u32 v21, v14  }
0x29f: {  	v51 =	vld [tilespmem:$0x1FE30]  }
0x2a0: {  	v58 =	vld [tilespmem:$0x1FE20]  }
0x2a1: {  	v39 =	vld [tilespmem:$0x1FE10]  }
0x2a2: {  	v16 =	vld [tilespmem:$0x1FE00];
	[tilespmem:v23+s28+$0x0] =	vst.idx.msk $0xffff, v20  }
0x2a3: {  	v23 =	vld.idx.msk [tilespmem:v24+s11+$0x0], $0xffff;
	v24 =	vor.u32 v7, v22  }
0x2a4: {  	v25 =	vor.u32 v21, v15;
	_ =	sdelay $0x2  }
0x2a5: {  	v21 =	vsel vm0, v51, v58;
	v20 =	vsel vm0, v39, v16  }
0x2a6: {  	[tilespmem:v24+s28+$0x0] =	vst.idx.msk $0xffff, v23;
	v23 =	vcombine.low v21, v20  }
0x2a7: {  	v22 =	vor.u32 v8, v22;
	v24 =	vld.idx.msk [tilespmem:v25+s11+$0x0], $0xffff  }
0x2a8: {  	v25 =	vor.u32 v23, v5;
	_ =	sdelay $0x3  }
0x2a9: {  	[tilespmem:v22+s28+$0x0] =	vst.idx.msk $0xffff, v24;
	v24 =	vor.u32 v56, v44  }
0x2aa: {  	v22 =	vld.idx.msk [tilespmem:v25+s11+$0x0], $0xffff;
	v25 =	vor.u32 v38, v24  }
0x2ab: {  	v26 =	vor.u32 v23, v9;
	_ =	sdelay $0x3  }
0x2ac: {  	[tilespmem:v25+s28+$0x0] =	vst.idx.msk $0xffff, v22  }
0x2ad: {  	v25 =	vor.u32 v1, v24;
	v22 =	vld.idx.msk [tilespmem:v26+s11+$0x0], $0xffff  }
0x2ae: {  	v26 =	vor.u32 v23, v10;
	_ =	sdelay $0x3  }
0x2af: {  	[tilespmem:v25+s28+$0x0] =	vst.idx.msk $0xffff, v22  }
0x2b0: {  	v25 =	vor.u32 v2, v24;
	v22 =	vld.idx.msk [tilespmem:v26+s11+$0x0], $0xffff  }
0x2b1: {  	v26 =	vor.u32 v23, v11;
	_ =	sdelay $0x3  }
0x2b2: {  	[tilespmem:v25+s28+$0x0] =	vst.idx.msk $0xffff, v22  }
0x2b3: {  	v25 =	vor.u32 v3, v24;
	v22 =	vld.idx.msk [tilespmem:v26+s11+$0x0], $0xffff  }
0x2b4: {  	v26 =	vor.u32 v23, v12;
	_ =	sdelay $0x3  }
0x2b5: {  	[tilespmem:v25+s28+$0x0] =	vst.idx.msk $0xffff, v22  }
0x2b6: {  	v25 =	vor.u32 v4, v24;
	v22 =	vld.idx.msk [tilespmem:v26+s11+$0x0], $0xffff  }
0x2b7: {  	v26 =	vor.u32 v23, v13;
	_ =	sdelay $0x3  }
0x2b8: {  	v18 =	vld [tilespmem:$0x1FD70];
	[tilespmem:v25+s28+$0x0] =	vst.idx.msk $0xffff, v22  }
0x2b9: {  	v25 =	vor.u32 v6, v24;
	v22 =	vld.idx.msk [tilespmem:v26+s11+$0x0], $0xffff  }
0x2ba: {  	v26 =	vor.u32 v23, v14;
	_ =	sdelay $0x3  }
0x2bb: {  	[tilespmem:v25+s28+$0x0] =	vst.idx.msk $0xffff, v22;
	v22 =	vsel vm0, v54, v18;
	v18 =	vld [tilespmem:$0x1FEC0]  }
0x2bc: {  	v25 =	vld.idx.msk [tilespmem:v26+s11+$0x0], $0xffff;
	v26 =	vor.u32 v7, v24  }
0x2bd: {  	v27 =	vor.u32 v23, v15;
	_ =	sdelay $0x2  }
0x2be: {  	v23 =	vsel vm0, v18, v42  }
0x2bf: {  	[tilespmem:v26+s28+$0x0] =	vst.idx.msk $0xffff, v25;
	v25 =	vcombine.low v23, v22  }
0x2c0: {  	v24 =	vor.u32 v8, v24;
	v26 =	vld.idx.msk [tilespmem:v27+s11+$0x0], $0xffff  }
0x2c1: {  	v27 =	vor.u32 v25, v5;
	_ =	sdelay $0x3  }
0x2c2: {  	[tilespmem:v24+s28+$0x0] =	vst.idx.msk $0xffff, v26;
	v26 =	vor.u32 v55, v44  }
0x2c3: {  	v24 =	vld.idx.msk [tilespmem:v27+s11+$0x0], $0xffff;
	v27 =	vor.u32 v38, v26  }
0x2c4: {  	v28 =	vor.u32 v25, v9;
	_ =	sdelay $0x3  }
0x2c5: {  	[tilespmem:v27+s28+$0x0] =	vst.idx.msk $0xffff, v24  }
0x2c6: {  	v27 =	vor.u32 v1, v26;
	v24 =	vld.idx.msk [tilespmem:v28+s11+$0x0], $0xffff  }
0x2c7: {  	v28 =	vor.u32 v25, v10;
	_ =	sdelay $0x3  }
0x2c8: {  	[tilespmem:v27+s28+$0x0] =	vst.idx.msk $0xffff, v24  }
0x2c9: {  	v27 =	vor.u32 v2, v26;
	v24 =	vld.idx.msk [tilespmem:v28+s11+$0x0], $0xffff  }
0x2ca: {  	v28 =	vor.u32 v25, v11;
	_ =	sdelay $0x3  }
0x2cb: {  	[tilespmem:v27+s28+$0x0] =	vst.idx.msk $0xffff, v24  }
0x2cc: {  	v27 =	vor.u32 v3, v26;
	v24 =	vld.idx.msk [tilespmem:v28+s11+$0x0], $0xffff  }
0x2cd: {  	v28 =	vor.u32 v25, v12;
	_ =	sdelay $0x3  }
0x2ce: {  	[tilespmem:v27+s28+$0x0] =	vst.idx.msk $0xffff, v24  }
0x2cf: {  	v27 =	vor.u32 v4, v26;
	v24 =	vld.idx.msk [tilespmem:v28+s11+$0x0], $0xffff  }
0x2d0: {  	v28 =	vor.u32 v25, v13;
	_ =	sdelay $0x3  }
0x2d1: {  	[tilespmem:v27+s28+$0x0] =	vst.idx.msk $0xffff, v24  }
0x2d2: {  	v27 =	vor.u32 v6, v26;
	v24 =	vld.idx.msk [tilespmem:v28+s11+$0x0], $0xffff  }
0x2d3: {  	v28 =	vor.u32 v25, v14;
	_ =	sdelay $0x3  }
0x2d4: {  	[tilespmem:v27+s28+$0x0] =	vst.idx.msk $0xffff, v24  }
0x2d5: {  	v27 =	vld.idx.msk [tilespmem:v28+s11+$0x0], $0xffff;
	v28 =	vor.u32 v7, v26  }
0x2d6: {  	v29 =	vor.u32 v25, v15;
	_ =	sdelay $0x2  }
0x2d7: {  	v25 =	vsel vm0, v41, v46;
	v24 =	vsel vm0, v31, v0  }
0x2d8: {  	[tilespmem:v28+s28+$0x0] =	vst.idx.msk $0xffff, v27;
	v27 =	vcombine.low v25, v24  }
0x2d9: {  	v26 =	vor.u32 v8, v26;
	v28 =	vld.idx.msk [tilespmem:v29+s11+$0x0], $0xffff  }
0x2da: {  	v29 =	vor.u32 v27, v5;
	_ =	sdelay $0x3  }
0x2db: {  	[tilespmem:v26+s28+$0x0] =	vst.idx.msk $0xffff, v28;
	v28 =	vor.u32 v62, v44  }
0x2dc: {  	v26 =	vld.idx.msk [tilespmem:v29+s11+$0x0], $0xffff;
	v29 =	vor.u32 v38, v28  }
0x2dd: {  	v30 =	vor.u32 v27, v9;
	_ =	sdelay $0x3  }
0x2de: {  	[tilespmem:v29+s28+$0x0] =	vst.idx.msk $0xffff, v26  }
0x2df: {  	v29 =	vor.u32 v1, v28;
	v26 =	vld.idx.msk [tilespmem:v30+s11+$0x0], $0xffff  }
0x2e0: {  	v30 =	vor.u32 v27, v10;
	_ =	sdelay $0x3  }
0x2e1: {  	[tilespmem:v29+s28+$0x0] =	vst.idx.msk $0xffff, v26  }
0x2e2: {  	v29 =	vor.u32 v2, v28;
	v26 =	vld.idx.msk [tilespmem:v30+s11+$0x0], $0xffff  }
0x2e3: {  	v30 =	vor.u32 v27, v11;
	_ =	sdelay $0x3  }
0x2e4: {  	[tilespmem:v29+s28+$0x0] =	vst.idx.msk $0xffff, v26  }
0x2e5: {  	v29 =	vor.u32 v3, v28;
	v26 =	vld.idx.msk [tilespmem:v30+s11+$0x0], $0xffff  }
0x2e6: {  	v30 =	vor.u32 v27, v12;
	_ =	sdelay $0x3  }
0x2e7: {  	[tilespmem:v29+s28+$0x0] =	vst.idx.msk $0xffff, v26  }
0x2e8: {  	v29 =	vor.u32 v4, v28;
	v26 =	vld.idx.msk [tilespmem:v30+s11+$0x0], $0xffff  }
0x2e9: {  	v30 =	vor.u32 v27, v13;
	_ =	sdelay $0x3  }
0x2ea: {  	[tilespmem:v29+s28+$0x0] =	vst.idx.msk $0xffff, v26  }
0x2eb: {  	v29 =	vor.u32 v6, v28;
	v26 =	vld.idx.msk [tilespmem:v30+s11+$0x0], $0xffff  }
0x2ec: {  	v30 =	vor.u32 v27, v14;
	_ =	sdelay $0x3  }
0x2ed: {  	[tilespmem:v29+s28+$0x0] =	vst.idx.msk $0xffff, v26  }
0x2ee: {  	v29 =	vld.idx.msk [tilespmem:v30+s11+$0x0], $0xffff;
	v30 =	vor.u32 v7, v28  }
0x2ef: {  	v31 =	vor.u32 v27, v15;
	_ =	sdelay $0x2  }
0x2f0: {  	v27 =	vsel vm0, v47, v43;
	v26 =	vsel vm0, v19, v48  }
0x2f1: {  	[tilespmem:v30+s28+$0x0] =	vst.idx.msk $0xffff, v29;
	v29 =	vcombine.low v27, v26  }
0x2f2: {  	v28 =	vor.u32 v8, v28;
	v30 =	vld.idx.msk [tilespmem:v31+s11+$0x0], $0xffff  }
0x2f3: {  	v31 =	vor.u32 v29, v5;
	_ =	sdelay $0x3  }
0x2f4: {  	[tilespmem:v28+s28+$0x0] =	vst.idx.msk $0xffff, v30;
	v28 =	vor.u32 v32, v44  }
0x2f5: {  	v30 =	vld.idx.msk [tilespmem:v31+s11+$0x0], $0xffff;
	v31 =	vor.u32 v38, v28  }
0x2f6: {  	v35 =	vor.u32 v29, v9;
	_ =	sdelay $0x3  }
0x2f7: {  	[tilespmem:v31+s28+$0x0] =	vst.idx.msk $0xffff, v30  }
0x2f8: {  	v31 =	vor.u32 v1, v28;
	v30 =	vld.idx.msk [tilespmem:v35+s11+$0x0], $0xffff  }
0x2f9: {  	v43 =	vor.u32 v29, v10;
	_ =	sdelay $0x3  }
0x2fa: {  	[tilespmem:v31+s28+$0x0] =	vst.idx.msk $0xffff, v30  }
0x2fb: {  	v31 =	vor.u32 v2, v28;
	v30 =	vld.idx.msk [tilespmem:v43+s11+$0x0], $0xffff  }
0x2fc: {  	v46 =	vor.u32 v29, v11;
	_ =	sdelay $0x3  }
0x2fd: {  	[tilespmem:v31+s28+$0x0] =	vst.idx.msk $0xffff, v30  }
0x2fe: {  	v31 =	vor.u32 v3, v28;
	v30 =	vld.idx.msk [tilespmem:v46+s11+$0x0], $0xffff  }
0x2ff: {  	v47 =	vor.u32 v29, v12;
	_ =	sdelay $0x3  }
0x300: {  	[tilespmem:v31+s28+$0x0] =	vst.idx.msk $0xffff, v30  }
0x301: {  	v31 =	vor.u32 v4, v28;
	v30 =	vld.idx.msk [tilespmem:v47+s11+$0x0], $0xffff  }
0x302: {  	v56 =	vor.u32 v29, v13;
	_ =	sdelay $0x3  }
0x303: {  	[tilespmem:v31+s28+$0x0] =	vst.idx.msk $0xffff, v30  }
0x304: {  	v31 =	vor.u32 v6, v28;
	v30 =	vld.idx.msk [tilespmem:v56+s11+$0x0], $0xffff  }
0x305: {  	v35 =	vor.u32 v29, v14;
	_ =	sdelay $0x3  }
0x306: {  	[tilespmem:v31+s28+$0x0] =	vst.idx.msk $0xffff, v30  }
0x307: {  	v31 =	vor.u32 v7, v28;
	v30 =	vld.idx.msk [tilespmem:v35+s11+$0x0], $0xffff  }
0x308: {  	v29 =	vor.u32 v29, v15;
	_ =	sdelay $0x2  }
0x309: {  	v16 =	vsel vm0, v16, v51;
	v43 =	vsel vm0, v58, v39  }
0x30a: {  	[tilespmem:v31+s28+$0x0] =	vst.idx.msk $0xffff, v30;
	v30 =	vcombine.low v16, v43  }
0x30b: {  	v28 =	vor.u32 v8, v28;
	v29 =	vld.idx.msk [tilespmem:v29+s11+$0x0], $0xffff  }
0x30c: {  	v31 =	vor.u32 v30, v5;
	_ =	sdelay $0x3  }
0x30d: {  	[tilespmem:v28+s28+$0x0] =	vst.idx.msk $0xffff, v29;
	v28 =	vor.u32 v34, v44  }
0x30e: {  	v29 =	vld.idx.msk [tilespmem:v31+s11+$0x0], $0xffff;
	v31 =	vor.u32 v38, v28  }
0x30f: {  	v63 =	vmov v49;
	v49 =	vor.u32 v30, v9;
	_ =	sdelay $0x3  }
0x310: {  	[tilespmem:v31+s28+$0x0] =	vst.idx.msk $0xffff, v29  }
0x311: {  	v31 =	vor.u32 v1, v28;
	v29 =	vld.idx.msk [tilespmem:v49+s11+$0x0], $0xffff  }
0x312: {  	v39 =	vor.u32 v30, v10;
	_ =	sdelay $0x3  }
0x313: {  	[tilespmem:v31+s28+$0x0] =	vst.idx.msk $0xffff, v29  }
0x314: {  	v31 =	vor.u32 v2, v28;
	v29 =	vld.idx.msk [tilespmem:v39+s11+$0x0], $0xffff  }
0x315: {  	v43 =	vor.u32 v30, v11;
	_ =	sdelay $0x3  }
0x316: {  	[tilespmem:v31+s28+$0x0] =	vst.idx.msk $0xffff, v29  }
0x317: {  	v46 =	vmov v32;
	v31 =	vor.u32 v3, v28;
	v29 =	vld.idx.msk [tilespmem:v43+s11+$0x0], $0xffff  }
0x318: {  	v32 =	vmov v46;
	v46 =	vor.u32 v30, v12;
	_ =	sdelay $0x3  }
0x319: {  	[tilespmem:v31+s28+$0x0] =	vst.idx.msk $0xffff, v29  }
0x31a: {  	v47 =	vmov v57;
	v31 =	vor.u32 v4, v28;
	v29 =	vld.idx.msk [tilespmem:v46+s11+$0x0], $0xffff  }
0x31b: {  	v0 =	vmov v50;
	v50 =	vmov v47;
	v47 =	vor.u32 v30, v13;
	_ =	sdelay $0x3  }
0x31c: {  	[tilespmem:v31+s28+$0x0] =	vst.idx.msk $0xffff, v29  }
0x31d: {  	v31 =	vor.u32 v6, v28;
	v29 =	vld.idx.msk [tilespmem:v47+s11+$0x0], $0xffff  }
0x31e: {  	v56 =	vor.u32 v30, v14;
	_ =	sdelay $0x3  }
0x31f: {  	[tilespmem:v31+s28+$0x0] =	vst.idx.msk $0xffff, v29  }
0x320: {  	v31 =	vor.u32 v7, v28;
	v29 =	vld.idx.msk [tilespmem:v56+s11+$0x0], $0xffff  }
0x321: {  	v30 =	vor.u32 v30, v15;
	_ =	sdelay $0x3  }
0x322: {  	[tilespmem:v31+s28+$0x0] =	vst.idx.msk $0xffff, v29;
	v29 =	vcombine.low v0, v45  }
0x323: {  	v28 =	vor.u32 v8, v28;
	v30 =	vld.idx.msk [tilespmem:v30+s11+$0x0], $0xffff  }
0x324: {  	v31 =	vor.u32 v29, v5;
	_ =	sdelay $0x3  }
0x325: {  	[tilespmem:v28+s28+$0x0] =	vst.idx.msk $0xffff, v30;
	v28 =	vor.u32 v33, v44  }
0x326: {  	v30 =	vld.idx.msk [tilespmem:v31+s11+$0x0], $0xffff;
	v31 =	vor.u32 v38, v28  }
0x327: {  	v45 =	vor.u32 v29, v9;
	_ =	sdelay $0x3  }
0x328: {  	[tilespmem:v31+s28+$0x0] =	vst.idx.msk $0xffff, v30  }
0x329: {  	v31 =	vor.u32 v1, v28;
	v30 =	vld.idx.msk [tilespmem:v45+s11+$0x0], $0xffff  }
0x32a: {  	v58 =	vor.u32 v29, v10;
	_ =	sdelay $0x3  }
0x32b: {  	[tilespmem:v31+s28+$0x0] =	vst.idx.msk $0xffff, v30  }
0x32c: {  	v31 =	vor.u32 v2, v28;
	v30 =	vld.idx.msk [tilespmem:v58+s11+$0x0], $0xffff  }
0x32d: {  	v16 =	vor.u32 v29, v11;
	_ =	sdelay $0x3  }
0x32e: {  	[tilespmem:v31+s28+$0x0] =	vst.idx.msk $0xffff, v30  }
0x32f: {  	v31 =	vor.u32 v3, v28;
	v30 =	vld.idx.msk [tilespmem:v16+s11+$0x0], $0xffff  }
0x330: {  	v49 =	vmov v33;
	v33 =	vor.u32 v29, v12;
	_ =	sdelay $0x3  }
0x331: {  	[tilespmem:v31+s28+$0x0] =	vst.idx.msk $0xffff, v30  }
0x332: {  	v31 =	vor.u32 v4, v28;
	v30 =	vld.idx.msk [tilespmem:v33+s11+$0x0], $0xffff  }
0x333: {  	v34 =	vor.u32 v29, v13;
	_ =	sdelay $0x3  }
0x334: {  	[tilespmem:v31+s28+$0x0] =	vst.idx.msk $0xffff, v30  }
0x335: {  	v31 =	vor.u32 v6, v28;
	v30 =	vld.idx.msk [tilespmem:v34+s11+$0x0], $0xffff  }
0x336: {  	v35 =	vor.u32 v29, v14;
	_ =	sdelay $0x3  }
0x337: {  	[tilespmem:v31+s28+$0x0] =	vst.idx.msk $0xffff, v30  }
0x338: {  	v31 =	vor.u32 v7, v28;
	v30 =	vld.idx.msk [tilespmem:v35+s11+$0x0], $0xffff  }
0x339: {  	v29 =	vor.u32 v29, v15;
	_ =	sdelay $0x3  }
0x33a: {  	v43 =	vcombine.low v40, v17;
	[tilespmem:v31+s28+$0x0] =	vst.idx.msk $0xffff, v30  }
0x33b: {  	v28 =	vor.u32 v8, v28;
	v46 =	vld.idx.msk [tilespmem:v29+s11+$0x0], $0xffff  }
0x33c: {  	v29 =	vor.u32 v43, v5;
	_ =	sdelay $0x3  }
0x33d: {  	v47 =	vor.u32 v50, v44;
	[tilespmem:v28+s28+$0x0] =	vst.idx.msk $0xffff, v46  }
0x33e: {  	v28 =	vld.idx.msk [tilespmem:v29+s11+$0x0], $0xffff;
	v29 =	vor.u32 v38, v47  }
0x33f: {  	v30 =	vor.u32 v43, v9;
	_ =	sdelay $0x3  }
0x340: {  	[tilespmem:v29+s28+$0x0] =	vst.idx.msk $0xffff, v28  }
0x341: {  	v29 =	vor.u32 v1, v47;
	v28 =	vld.idx.msk [tilespmem:v30+s11+$0x0], $0xffff  }
0x342: {  	v30 =	vor.u32 v43, v10;
	_ =	sdelay $0x3  }
0x343: {  	[tilespmem:v29+s28+$0x0] =	vst.idx.msk $0xffff, v28  }
0x344: {  	v29 =	vor.u32 v2, v47;
	v28 =	vld.idx.msk [tilespmem:v30+s11+$0x0], $0xffff  }
0x345: {  	v30 =	vor.u32 v43, v11;
	_ =	sdelay $0x3  }
0x346: {  	[tilespmem:v29+s28+$0x0] =	vst.idx.msk $0xffff, v28  }
0x347: {  	v29 =	vor.u32 v3, v47;
	v28 =	vld.idx.msk [tilespmem:v30+s11+$0x0], $0xffff  }
0x348: {  	v30 =	vor.u32 v43, v12;
	_ =	sdelay $0x3  }
0x349: {  	[tilespmem:v29+s28+$0x0] =	vst.idx.msk $0xffff, v28  }
0x34a: {  	v29 =	vor.u32 v4, v47;
	v28 =	vld.idx.msk [tilespmem:v30+s11+$0x0], $0xffff  }
0x34b: {  	v30 =	vor.u32 v43, v13;
	_ =	sdelay $0x3  }
0x34c: {  	[tilespmem:v29+s28+$0x0] =	vst.idx.msk $0xffff, v28  }
0x34d: {  	v29 =	vor.u32 v6, v47;
	v28 =	vld.idx.msk [tilespmem:v30+s11+$0x0], $0xffff  }
0x34e: {  	v30 =	vor.u32 v43, v14;
	_ =	sdelay $0x3  }
0x34f: {  	[tilespmem:v29+s28+$0x0] =	vst.idx.msk $0xffff, v28  }
0x350: {  	v29 =	vor.u32 v7, v47;
	v28 =	vld.idx.msk [tilespmem:v30+s11+$0x0], $0xffff  }
0x351: {  	v16 =	vor.u32 v43, v15;
	_ =	sdelay $0x3  }
0x352: {  	v18 =	vcombine.low v37, v36;
	[tilespmem:v29+s28+$0x0] =	vst.idx.msk $0xffff, v28  }
0x353: {  	v17 =	vor.u32 v8, v47;
	v16 =	vld.idx.msk [tilespmem:v16+s11+$0x0], $0xffff  }
0x354: {  	v19 =	vor.u32 v18, v5;
	_ =	sdelay $0x3  }
0x355: {  	[tilespmem:v17+s28+$0x0] =	vst.idx.msk $0xffff, v16;
	v16 =	vor.u32 v63, v44  }
0x356: {  	v17 =	vld.idx.msk [tilespmem:v19+s11+$0x0], $0xffff;
	v19 =	vor.u32 v38, v16  }
0x357: {  	v28 =	vor.u32 v18, v9;
	_ =	sdelay $0x3  }
0x358: {  	[tilespmem:v19+s28+$0x0] =	vst.idx.msk $0xffff, v17  }
0x359: {  	v19 =	vor.u32 v1, v16;
	v17 =	vld.idx.msk [tilespmem:v28+s11+$0x0], $0xffff  }
0x35a: {  	v28 =	vor.u32 v18, v10;
	_ =	sdelay $0x3  }
0x35b: {  	[tilespmem:v19+s28+$0x0] =	vst.idx.msk $0xffff, v17  }
0x35c: {  	v19 =	vor.u32 v2, v16;
	v17 =	vld.idx.msk [tilespmem:v28+s11+$0x0], $0xffff  }
0x35d: {  	v28 =	vor.u32 v18, v11;
	_ =	sdelay $0x3  }
0x35e: {  	[tilespmem:v19+s28+$0x0] =	vst.idx.msk $0xffff, v17  }
0x35f: {  	v19 =	vor.u32 v3, v16;
	v17 =	vld.idx.msk [tilespmem:v28+s11+$0x0], $0xffff  }
0x360: {  	v28 =	vor.u32 v18, v12;
	_ =	sdelay $0x3  }
0x361: {  	[tilespmem:v19+s28+$0x0] =	vst.idx.msk $0xffff, v17  }
0x362: {  	v19 =	vor.u32 v4, v16;
	v17 =	vld.idx.msk [tilespmem:v28+s11+$0x0], $0xffff  }
0x363: {  	v28 =	vor.u32 v18, v13;
	_ =	sdelay $0x3  }
0x364: {  	[tilespmem:v19+s28+$0x0] =	vst.idx.msk $0xffff, v17  }
0x365: {  	v19 =	vor.u32 v6, v16;
	v17 =	vld.idx.msk [tilespmem:v28+s11+$0x0], $0xffff  }
0x366: {  	v28 =	vor.u32 v18, v14;
	_ =	sdelay $0x3  }
0x367: {  	[tilespmem:v19+s28+$0x0] =	vst.idx.msk $0xffff, v17  }
0x368: {  	v19 =	vor.u32 v7, v16;
	v17 =	vld.idx.msk [tilespmem:v28+s11+$0x0], $0xffff  }
0x369: {  	v18 =	vor.u32 v18, v15;
	_ =	sdelay $0x3  }
0x36a: {  	v48 =	vcombine.low v20, v21;
	v35 =	vld [tilespmem:$0x1FE40];
	[tilespmem:v19+s28+$0x0] =	vst.idx.msk $0xffff, v17  }
0x36b: {  	v16 =	vor.u32 v8, v16;
	v18 =	vld.idx.msk [tilespmem:v18+s11+$0x0], $0xffff  }
0x36c: {  	v19 =	vor.u32 v48, v5;
	_ =	sdelay $0x3  }
0x36d: {  	v51 =	vor.u32 v35, v44;
	[tilespmem:v16+s28+$0x0] =	vst.idx.msk $0xffff, v18  }
0x36e: {  	v18 =	vld.idx.msk [tilespmem:v19+s11+$0x0], $0xffff;
	v19 =	vor.u32 v38, v51  }
0x36f: {  	v20 =	vor.u32 v48, v9;
	_ =	sdelay $0x3  }
0x370: {  	[tilespmem:v19+s28+$0x0] =	vst.idx.msk $0xffff, v18  }
0x371: {  	v19 =	vor.u32 v1, v51;
	v18 =	vld.idx.msk [tilespmem:v20+s11+$0x0], $0xffff  }
0x372: {  	v20 =	vor.u32 v48, v10;
	_ =	sdelay $0x3  }
0x373: {  	[tilespmem:v19+s28+$0x0] =	vst.idx.msk $0xffff, v18  }
0x374: {  	v19 =	vor.u32 v2, v51;
	v18 =	vld.idx.msk [tilespmem:v20+s11+$0x0], $0xffff  }
0x375: {  	v20 =	vor.u32 v48, v11;
	_ =	sdelay $0x3  }
0x376: {  	[tilespmem:v19+s28+$0x0] =	vst.idx.msk $0xffff, v18  }
0x377: {  	v19 =	vor.u32 v3, v51;
	v18 =	vld.idx.msk [tilespmem:v20+s11+$0x0], $0xffff  }
0x378: {  	v20 =	vor.u32 v48, v12;
	_ =	sdelay $0x3  }
0x379: {  	[tilespmem:v19+s28+$0x0] =	vst.idx.msk $0xffff, v18  }
0x37a: {  	v19 =	vor.u32 v4, v51;
	v18 =	vld.idx.msk [tilespmem:v20+s11+$0x0], $0xffff  }
0x37b: {  	v20 =	vor.u32 v48, v13;
	_ =	sdelay $0x3  }
0x37c: {  	[tilespmem:v19+s28+$0x0] =	vst.idx.msk $0xffff, v18  }
0x37d: {  	v19 =	vor.u32 v6, v51;
	v18 =	vld.idx.msk [tilespmem:v20+s11+$0x0], $0xffff  }
0x37e: {  	v20 =	vor.u32 v48, v14;
	_ =	sdelay $0x3  }
0x37f: {  	[tilespmem:v19+s28+$0x0] =	vst.idx.msk $0xffff, v18  }
0x380: {  	v19 =	vor.u32 v7, v51;
	v18 =	vld.idx.msk [tilespmem:v20+s11+$0x0], $0xffff  }
0x381: {  	v17 =	vor.u32 v48, v15;
	_ =	sdelay $0x3  }
0x382: {  	[tilespmem:v19+s28+$0x0] =	vst.idx.msk $0xffff, v18;
	v18 =	vcombine.low v22, v23  }
0x383: {  	v16 =	vor.u32 v8, v51;
	v17 =	vld.idx.msk [tilespmem:v17+s11+$0x0], $0xffff  }
0x384: {  	v19 =	vor.u32 v18, v5;
	_ =	sdelay $0x3  }
0x385: {  	v43 =	vor.u32 v61, v44;
	[tilespmem:v16+s28+$0x0] =	vst.idx.msk $0xffff, v17  }
0x386: {  	v17 =	vld.idx.msk [tilespmem:v19+s11+$0x0], $0xffff;
	v19 =	vor.u32 v38, v43  }
0x387: {  	v20 =	vor.u32 v18, v9;
	_ =	sdelay $0x3  }
0x388: {  	[tilespmem:v19+s28+$0x0] =	vst.idx.msk $0xffff, v17  }
0x389: {  	v19 =	vor.u32 v1, v43;
	v17 =	vld.idx.msk [tilespmem:v20+s11+$0x0], $0xffff  }
0x38a: {  	v20 =	vor.u32 v18, v10;
	_ =	sdelay $0x3  }
0x38b: {  	[tilespmem:v19+s28+$0x0] =	vst.idx.msk $0xffff, v17  }
0x38c: {  	v19 =	vor.u32 v2, v43;
	v17 =	vld.idx.msk [tilespmem:v20+s11+$0x0], $0xffff  }
0x38d: {  	v20 =	vor.u32 v18, v11;
	_ =	sdelay $0x3  }
0x38e: {  	[tilespmem:v19+s28+$0x0] =	vst.idx.msk $0xffff, v17  }
0x38f: {  	v19 =	vor.u32 v3, v43;
	v17 =	vld.idx.msk [tilespmem:v20+s11+$0x0], $0xffff  }
0x390: {  	v20 =	vor.u32 v18, v12;
	_ =	sdelay $0x3  }
0x391: {  	[tilespmem:v19+s28+$0x0] =	vst.idx.msk $0xffff, v17  }
0x392: {  	v19 =	vor.u32 v4, v43;
	v17 =	vld.idx.msk [tilespmem:v20+s11+$0x0], $0xffff  }
0x393: {  	v20 =	vor.u32 v18, v13;
	_ =	sdelay $0x3  }
0x394: {  	[tilespmem:v19+s28+$0x0] =	vst.idx.msk $0xffff, v17  }
0x395: {  	v19 =	vor.u32 v6, v43;
	v17 =	vld.idx.msk [tilespmem:v20+s11+$0x0], $0xffff  }
0x396: {  	v20 =	vor.u32 v18, v14;
	_ =	sdelay $0x3  }
0x397: {  	[tilespmem:v19+s28+$0x0] =	vst.idx.msk $0xffff, v17  }
0x398: {  	v19 =	vor.u32 v7, v43;
	v17 =	vld.idx.msk [tilespmem:v20+s11+$0x0], $0xffff  }
0x399: {  	v18 =	vor.u32 v18, v15;
	_ =	sdelay $0x3  }
0x39a: {  	v48 =	vcombine.low v24, v25;
	[tilespmem:v19+s28+$0x0] =	vst.idx.msk $0xffff, v17  }
0x39b: {  	v16 =	vor.u32 v8, v43;
	v18 =	vld.idx.msk [tilespmem:v18+s11+$0x0], $0xffff  }
0x39c: {  	v19 =	vor.u32 v48, v5;
	_ =	sdelay $0x3  }
0x39d: {  	v51 =	vor.u32 v60, v44;
	[tilespmem:v16+s28+$0x0] =	vst.idx.msk $0xffff, v18  }
0x39e: {  	v18 =	vld.idx.msk [tilespmem:v19+s11+$0x0], $0xffff;
	v19 =	vor.u32 v38, v51  }
0x39f: {  	v20 =	vor.u32 v48, v9;
	_ =	sdelay $0x3  }
0x3a0: {  	[tilespmem:v19+s28+$0x0] =	vst.idx.msk $0xffff, v18  }
0x3a1: {  	v19 =	vor.u32 v1, v51;
	v18 =	vld.idx.msk [tilespmem:v20+s11+$0x0], $0xffff  }
0x3a2: {  	v20 =	vor.u32 v48, v10;
	_ =	sdelay $0x3  }
0x3a3: {  	[tilespmem:v19+s28+$0x0] =	vst.idx.msk $0xffff, v18  }
0x3a4: {  	v19 =	vor.u32 v2, v51;
	v18 =	vld.idx.msk [tilespmem:v20+s11+$0x0], $0xffff  }
0x3a5: {  	v20 =	vor.u32 v48, v11;
	_ =	sdelay $0x3  }
0x3a6: {  	[tilespmem:v19+s28+$0x0] =	vst.idx.msk $0xffff, v18  }
0x3a7: {  	v19 =	vor.u32 v3, v51;
	v18 =	vld.idx.msk [tilespmem:v20+s11+$0x0], $0xffff  }
0x3a8: {  	v20 =	vor.u32 v48, v12;
	_ =	sdelay $0x3  }
0x3a9: {  	[tilespmem:v19+s28+$0x0] =	vst.idx.msk $0xffff, v18  }
0x3aa: {  	v19 =	vor.u32 v4, v51;
	v18 =	vld.idx.msk [tilespmem:v20+s11+$0x0], $0xffff  }
0x3ab: {  	v20 =	vor.u32 v48, v13;
	_ =	sdelay $0x3  }
0x3ac: {  	[tilespmem:v19+s28+$0x0] =	vst.idx.msk $0xffff, v18  }
0x3ad: {  	v19 =	vor.u32 v6, v51;
	v18 =	vld.idx.msk [tilespmem:v20+s11+$0x0], $0xffff  }
0x3ae: {  	v20 =	vor.u32 v48, v14;
	_ =	sdelay $0x3  }
0x3af: {  	[tilespmem:v19+s28+$0x0] =	vst.idx.msk $0xffff, v18  }
0x3b0: {  	v19 =	vor.u32 v7, v51;
	v18 =	vld.idx.msk [tilespmem:v20+s11+$0x0], $0xffff  }
0x3b1: {  	v17 =	vor.u32 v48, v15;
	_ =	sdelay $0x3  }
0x3b2: {  	[tilespmem:v19+s28+$0x0] =	vst.idx.msk $0xffff, v18;
	v18 =	vcombine.low v26, v27  }
0x3b3: {  	v16 =	vor.u32 v8, v51;
	v17 =	vld.idx.msk [tilespmem:v17+s11+$0x0], $0xffff  }
0x3b4: {  	v5 =	vor.u32 v18, v5;
	_ =	sdelay $0x3  }
0x3b5: {  	v60 =	vor.u32 v59, v44;
	[tilespmem:v16+s28+$0x0] =	vst.idx.msk $0xffff, v17  }
0x3b6: {  	v61 =	vor.u32 v38, v60;
	v5 =	vld.idx.msk [tilespmem:v5+s11+$0x0], $0xffff  }
0x3b7: {  	v9 =	vor.u32 v18, v9;
	_ =	sdelay $0x3  }
0x3b8: {  	[tilespmem:v61+s28+$0x0] =	vst.idx.msk $0xffff, v5  }
0x3b9: {  	v5 =	vld.idx.msk [tilespmem:v9+s11+$0x0], $0xffff;
	v9 =	vor.u32 v1, v60  }
0x3ba: {  	v10 =	vor.u32 v18, v10;
	_ =	sdelay $0x3  }
0x3bb: {  	[tilespmem:v9+s28+$0x0] =	vst.idx.msk $0xffff, v5  }
0x3bc: {  	v9 =	vor.u32 v2, v60;
	v5 =	vld.idx.msk [tilespmem:v10+s11+$0x0], $0xffff  }
0x3bd: {  	v10 =	vor.u32 v18, v11;
	_ =	sdelay $0x3  }
0x3be: {  	[tilespmem:v9+s28+$0x0] =	vst.idx.msk $0xffff, v5  }
0x3bf: {  	v9 =	vor.u32 v3, v60;
	v5 =	vld.idx.msk [tilespmem:v10+s11+$0x0], $0xffff  }
0x3c0: {  	v10 =	vor.u32 v18, v12;
	_ =	sdelay $0x3  }
0x3c1: {  	[tilespmem:v9+s28+$0x0] =	vst.idx.msk $0xffff, v5  }
0x3c2: {  	v9 =	vor.u32 v4, v60;
	v5 =	vld.idx.msk [tilespmem:v10+s11+$0x0], $0xffff  }
0x3c3: {  	v10 =	vor.u32 v18, v13;
	_ =	sdelay $0x3  }
0x3c4: {  	[tilespmem:v9+s28+$0x0] =	vst.idx.msk $0xffff, v5  }
0x3c5: {  	v9 =	vor.u32 v6, v60;
	v5 =	vld.idx.msk [tilespmem:v10+s11+$0x0], $0xffff  }
0x3c6: {  	v10 =	vor.u32 v18, v14  }
0x3c7: {  	v37 =	vld [tilespmem:$0x1FF20]  }
0x3c8: {  	v36 =	vld [tilespmem:$0x1FED0]  }
0x3c9: {  	v21 =	vld [tilespmem:$0x1FEF0]  }
0x3ca: {  	v57 =	vld [tilespmem:$0x1FFB0];
	[tilespmem:v9+s28+$0x0] =	vst.idx.msk $0xffff, v5  }
0x3cb: {  	v9 =	vor.u32 v7, v60;
	v5 =	vld.idx.msk [tilespmem:v10+s11+$0x0], $0xffff  }
0x3cc: {  	v39 =	vld [tilespmem:$0x1FFC0];
	v10 =	vor.u32 v18, v15  }
0x3cd: {  	v40 =	vld [tilespmem:$0x1FF40]  }
0x3ce: {  	v56 =	vld [tilespmem:$0x1FFA0]  }
0x3cf: {  	v0 =	vld [tilespmem:$0x1FF10]  }
0x3d0: {  	v45 =	vld [tilespmem:$0x1FE50];
	[tilespmem:v9+s28+$0x0] =	vst.idx.msk $0xffff, v5  }
0x3d1: {  	v9 =	vor.u32 v8, v60;
	v5 =	vld.idx.msk [tilespmem:v10+s11+$0x0], $0xffff  }
0x3d2: {  	v58 =	vld [tilespmem:$0x1FFF0]  }
0x3d3: {  	p0 =	sgt.u32 s0, $0xBF;
	v33 =	vld [tilespmem:$0x1FFD0]  }
0x3d4: {  	s14 =	sand.u32 @!p0 $0x3F000, s1;
	v34 =	vld [tilespmem:$0x1FF30]  }
0x3d5: {  	s8 =	sshll.u32 @!p0 s8, $0xC;
	s15 =	sand.u32 @!p0 $0x380, s10;
	s14 =	sshrl.u32 @!p0 s14, $0x2;
	v31 =	vmov v50;
	v50 =	vld [tilespmem:$0x1FFE0]  }
0x3d6: {  	s8 =	sadd.s32 @!p0 $0x6400, s8;
	s14 =	sor.u32 @!p0 s15, s14;
	s15 =	simm.s32 @!p0 $0x80;
	v46 =	vld [tilespmem:$0x1FF00];
	[tilespmem:v9+s28+$0x0] =	vst.idx.msk $0xffff, v5  }
0x3d7: {  	v47 =	vld [tilespmem:$0x1FF50];
	[tilespmem:s8], [sflag:s12] =	stream.indirect.gather @!p0 [hbm4b:s5+s15], $0x20, s14, s15, $0xb8  }
0x3d8: {  	s0 =	sadd.s32 $0x1, s0;
	v30 =	vld [tilespmem:$0x1FF90];
	s8 =	sshll.u32 s7, $0xC  }
0x3d9: {  	v29 =	vld [tilespmem:$0x1FF60];
	s7 =	sadd.s32 $0x9, s7;
	s14 =	sadd.s32 s16, s2;
	s15 =	sor.u32 $0xE400, s8  }
0x3da: {  	v63 =	vld [tilespmem:$0x1FF70];
	[hbm4b:s14+s3] =	stream.linear.scatter [tilespmem:s15], [sflag:s7], $0x400, $0x38  }
0x3db: {  	s10 =	sadd.s32 $0x80, s10;
	s1 =	sadd.s32 $0x200, s1;
	v28 =	vld [tilespmem:$0x1FF80];
	s14 =	sor.u32 $0x4000, s16  }
0x3dc: {  	v25 =	vld [tilespmem:$0x1FEA0];
	p0 =	sne.s32 s10, $0x6400;
	s15 =	sor.u32 $0xE800, s8;
	s12 =	sadd.s32 s2, s14  }
0x3dd: {  	v24 =	vld [tilespmem:$0x1FE60];
	[hbm4b:s12+s3] =	stream.linear.scatter [tilespmem:s15], [sflag:s7], $0x400, $0x38  }
.Ltmp0:
0x3de: {  	s13 =	sshll.u32 s13, $0x7;
	v23 =	vld [tilespmem:$0x1FE90];
	s14 =	sor.u32 $0x8000, s16;
	(pc) =	sbr.rel @p0 .LBB2_3-.Ltmp0, $4  }
0x3df: {  	s13 =	sadd.s32 $0xE400, s13;
	v22 =	vld [tilespmem:$0x1FE80];
	s12 =	sadd.s32 s2, s14;
	s15 =	sor.u32 $0xC000, s16  }
0x3e0: {  	v20 =	vld [tilespmem:$0x1FEE0];
	[hbm4b:s12+s3] =	stream.linear.scatter [tilespmem:s13], [sflag:s7], $0x400, $0x38  }
0x3e1: {  	v27 =	vld [tilespmem:$0x1FEB0];
	s8 =	sadd.s32 $0xF000, s8;
	s16 =	sadd.s32 $0x10000, s16;
	s12 =	sadd.s32 s2, s15  }
0x3e2: {  	v26 =	vld [tilespmem:$0x1FE70];
	[hbm4b:s12+s3] =	stream.linear.scatter [tilespmem:s8], [sflag:s7], $0x400, $0x38  }
0x3e3: {  	_ =	swait.ge [sflag:s29], $0x400  }
0x3e4: {  	[sflag:s29] =	ssyncset.done $0x0  }
0x3e5: {  	[sflag:s29] =	ssyncadd.s32 $0xFFFFFC00  }
0x3e6: {  	_ =	swait.ge [sflag:s29], $0x400  }
0x3e7: {  	[sflag:s29] =	ssyncset.done $0x0  }
0x3e8: {  	[sflag:s29] =	ssyncadd.s32 $0xFFFFFC00  }
0x3e9: {  	_ =	swait.ge [sflag:s29], $0x400  }
0x3ea: {  	[sflag:s29] =	ssyncset.done $0x0  }
0x3eb: {  	[sflag:s29] =	ssyncadd.s32 $0xFFFFFC00  }
0x3ec: {  	_ =	swait.ge [sflag:s29], $0x400  }
0x3ed: {  	[sflag:s29] =	ssyncset.done $0x0  }
0x3ee: {  	[sflag:s29] =	ssyncadd.s32 $0xFFFFFC00  }
0x3ef: {  	_ =	swait.ge [sflag:s30], $0x400  }
0x3f0: {  	[sflag:s30] =	ssyncset.done $0x0  }
0x3f1: {  	[sflag:s30] =	ssyncadd.s32 $0xFFFFFC00  }
0x3f2: {  	_ =	swait.ge [sflag:s30], $0x400  }
0x3f3: {  	[sflag:s30] =	ssyncset.done $0x0  }
0x3f4: {  	s4 =	sadd.s32 $0x1, s4;
	[sflag:s30] =	ssyncadd.s32 $0xFFFFFC00  }
0x3f5: {  	p0 =	sne.s32 s4, $0x4;
	_ =	swait.ge [sflag:s30], $0x400  }
.Ltmp1:
0x3f6: {  	[sflag:s30] =	ssyncset.done $0x0;
	(pc) =	sbr.rel @p0 .LBB2_2-.Ltmp1, $4  }
0x3f7: {  	[sflag:s30] =	ssyncadd.s32 $0xFFFFFC00  }
0x3f8: {  	_ =	swait.ge [sflag:s30], $0x400  }
0x3f9: {  	[sflag:s30] =	ssyncset.done $0x0  }
0x3fa: {  	s31 =	sadd.s32 $0x80, s31;
	[sflag:s30] =	ssyncadd.s32 $0xFFFFFC00  }
0x3fb: {  	s1 =	rddreg [dreg:$0x6]  }
0x3fc: {  	s0 =	rddreg [dreg:$0x4];
	s1 =	sadd.s32 $0x1, s1  }
0x3fd: {  	p0 =	sne.s32 s1, s0  }
.Ltmp2:
0x3fe: {  	_ = 	snop;
	(pc) =	sbr.rel @p0 .LBB2_1-.Ltmp2, $1  }
0x3ff: {  	_ =	sdelay $0x3  }
0x400: {  	_ =	sfence.sel $0x180000  }
0x401: {  	[bflag:$0x0] =	sbarrier.arrive $0xFFFF  }
0x402: {  	_ =	strace $0x90000047  }
0x403: {  	s0 =	stileid.u32;
	[bflag:$0x2] =	sbarrier.arrive $0xFFFF  }
0x404: {  	p0 =	sne.s32 s0, $0x0;
	s0 =	rddreg [dreg:$0x3]  }
0x405: {  	s0 =	sadd.s32 @!p0 $0x100000, s0  }
0x406: {  	[sflag:s0] =	ssyncadd.tile.s32 @!p0 $0x1;
	_ =	shalt  }
.Lfunc_end2:
_tile_overlayer_lowered:
.L_overlay_start_2:
0x407: {  	(tag) =	ssettag $0x2  }
0x408: {  	s0 =	rddreg [dreg:$0x0];
	s2 =	stileid.u32  }
0x409: {  	s1 =	rddreg [dreg:$0x1];
	p0 =	sne.s32 s2, $0x0  }
0x40a: {  	s3 =	rddreg [dreg:$0x2];
	[bflag:$0x3] =	sbarrier.arrive $0xFFFF;
	s2 =	simm.s32 @!p0 $0x1C0B  }
0x40b: {  	[timem:s3], [sflag:s2] =	dma.local @!p0 [hbm:s0], s1  }
0x40c: {  	s0 =	simm.s32 @!p0 $0xB  }
0x40d: {  	_ =	swait.ge @!p0 [sflag:s0], s1  }
0x40e: {  	s1 =	ssub.s32 @!p0 $0x0, s1;
	[sflag:s0] =	ssyncset.done @!p0 $0x0  }
0x40f: {  	[sflag:s0] =	ssyncadd.s32 @!p0 s1  }
0x410: {  	[bflag:$0x3] =	sbarrier.arrive $0xFFFF  }
0x411: {  	_ =	shalt  }

</sc_bundles>
